<compile_context>
chip_gen: v7x
topology: tpu7x:2x2x1
jax: 0.10.2.dev20260603
libtpu: 0.0.44.dev20260713+nightly
codegen_flags: <defaults>
</compile_context>

<pallas_src>
import functools

import jax
import jax.numpy as jnp
from jax import lax
from jax.experimental import pallas as pl
from jax.experimental.pallas import tpu as pltpu
from jax.experimental.pallas import tpu_sc as plsc

N = 10000
E = 320000
F = 128
EPS = 1e-10

NC = 2
NS = 16
NT = NC * NS
L = 16
EPT = E // NT
CE = 128
NCH = 80
PAD = NCH * CE - EPT
NROW = N + L
RPT = 624
RLAST = N - (NS - 1) * RPT

PREC = jax.lax.Precision.HIGHEST


@functools.lru_cache(maxsize=None)
def _make_agg(nch):
    mesh = plsc.VectorSubcoreMesh(core_axis_name="c", subcore_axis_name="s",
                                  num_cores=NC, num_subcores=NS)
    out_type = [jax.ShapeDtypeStruct((NC, N, F), jnp.float32) for _ in range(nch)]
    scratch = (
        pltpu.VMEM((NCH, CE), jnp.int32),
        pltpu.VMEM((NCH, CE), jnp.int32),
        pltpu.VMEM((CE, F), jnp.float32),
        pltpu.VMEM_SHARED((NROW, F), jnp.float32),
        pltpu.SemaphoreType.DMA,
    )

    @functools.partial(pl.kernel, out_type=tuple(out_type), mesh=mesh,
                       scratch_types=scratch,
                       compiler_params=pltpu.CompilerParams(
                           needs_layout_passes=False))
    def agg(*refs):
        ys = refs[:nch]
        k = nch
        src_hbm, dst_hbm, zeros_hbm = refs[k:k + 3]
        k += 3
        outs = refs[k:k + nch]
        k += nch
        (srcr, dstr, rows, acc, sem) = refs[k:k + 5]

        c = lax.axis_index("c")
        s = lax.axis_index("s")
        wid = c * NS + s
        row0 = s * RPT
        last = s == NS - 1

        pltpu.sync_copy(src_hbm.at[wid], srcr)
        pltpu.sync_copy(dst_hbm.at[wid], dstr)

        for cc in range(nch):
            out = outs[cc]
            y = ys[cc]

            @pl.when(last)
            def _():
                pltpu.sync_copy(zeros_hbm, acc.at[pl.ds(row0, RLAST)])

            @pl.when(jnp.logical_not(last))
            def _():
                pltpu.sync_copy(zeros_hbm.at[pl.ds(0, RPT)],
                                acc.at[pl.ds(row0, RPT)])
            plsc.subcore_barrier()

            def echunk(g, _):
                pltpu.async_copy(y.at[srcr.at[g]], rows, sem).wait()
                pltpu.sync_copy(rows, acc.at[dstr.at[g]], add=True)
                return _
            lax.fori_loop(0, NCH, echunk, None)

            plsc.subcore_barrier()

            @pl.when(last)
            def _():
                pltpu.sync_copy(acc.at[pl.ds(row0, RLAST)],
                                out.at[c, pl.ds(row0, RLAST)])

            @pl.when(jnp.logical_not(last))
            def _():
                pltpu.sync_copy(acc.at[pl.ds(row0, RPT)],
                                out.at[c, pl.ds(row0, RPT)])

    return agg


@functools.lru_cache(maxsize=None)
def _make_deg():
    mesh = plsc.VectorSubcoreMesh(core_axis_name="c", subcore_axis_name="s",
                                  num_cores=NC, num_subcores=NS)

    @functools.partial(
        pl.kernel,
        out_type=(jax.ShapeDtypeStruct((NT, NCH, CE), jnp.float32),),
        mesh=mesh,
        scratch_types=(pltpu.VMEM((NCH * CE,), jnp.int32),
                       pltpu.VMEM((NCH, CE), jnp.float32)),
        compiler_params=pltpu.CompilerParams(needs_layout_passes=False))
    def deg(dstf_hbm, deg_out, dstf, degt):
        c = lax.axis_index("c")
        s = lax.axis_index("s")
        wid = c * NS + s
        pltpu.sync_copy(dstf_hbm.at[pl.ds(wid * NCH * CE, NCH * CE)], dstf)
        zero16 = jnp.zeros((L,), jnp.float32)
        one16 = jnp.ones((L,), jnp.float32)

        def zbody(j, _):
            degt[j // 8, pl.ds((j % 8) * L, L)] = zero16
            return _
        lax.fori_loop(0, NCH * 8, zbody, None)

        def dbody(j, _):
            idx = dstf[pl.ds(j * L, L)]
            hi = lax.shift_right_logical(idx, 7)
            lo = jnp.bitwise_and(idx, CE - 1)
            plsc.addupdate_scatter(degt, [hi, lo], one16)
            return _
        lax.fori_loop(0, (NCH * CE) // L, dbody, None)
        pltpu.sync_copy(degt, deg_out.at[wid])

    return deg


R = 1000
GRID = N // R
_row = pl.BlockSpec((R, F), lambda i: (i, 0))
_row2 = pl.BlockSpec((NC, R, F), lambda i: (0, i, 0))
_full = lambda *shape: pl.BlockSpec(shape, lambda i: tuple(0 for _ in shape))
_col1 = pl.BlockSpec((R, 1), lambda i: (i, 0))


def _dot(a, b):
    return jnp.dot(a, b, precision=PREC, preferred_element_type=jnp.float32)


def _softplus(x):
    return jnp.maximum(x, 0.0) + jnp.log1p(jnp.exp(-jnp.abs(x)))


def _stage_a(x_r, hw_r, Wlin, blin, Q, r, Wp, bp, Wpm, bpm, Wps, bps,
             xl_o, h_o, pm_o, ps_o):
    x = x_r[...]
    xl = _dot(x, Wlin[...]) + blin[...]
    hw = hw_r[...]
    e = [_dot(jnp.tanh(_dot(hw[kk], Q[...])), r[...]) for kk in range(3)]
    em = jnp.maximum(jnp.maximum(e[0], e[1]), e[2])
    ex = [jnp.exp(ei - em) for ei in e]
    se = 3.0 * (ex[0] + ex[1] + ex[2])
    h = (ex[0] * hw[0] + ex[1] * hw[1] + ex[2] * hw[2]) / se
    prior = jnp.maximum(_dot(h, Wp[...]) + bp[...], 0.0)
    xl_o[...] = xl
    h_o[...] = h
    pm_o[...] = _dot(prior, Wpm[...]) + bpm[...]
    ps_o[...] = _softplus(_dot(prior, Wps[...]) + bps[...])


def _stage_deg(degp_r, dinv_o, bm_o):
    deg = jnp.sum(degp_r[...], axis=0)
    dinv_o[...] = 1.0 / jnp.maximum(deg, 1.0)
    bm_o[...] = (deg > 0.0).astype(jnp.float32)


def _stage_b(axl_r, ah_r, dinv_r, bm_r, We0, We1, benc, yenc_o):
    axl = axl_r[0] + axl_r[1]
    ah = ah_r[0] + ah_r[1]
    pre = (_dot(axl, We0[...]) + _dot(ah, We1[...])) * dinv_r[...]
    yenc_o[...] = jnp.maximum(pre + bm_r[...] * benc[...], 0.0)


def _stage_c(aenc_r, dinv_r, bm_r, eps_r, Wmu, bmu, Wls, bls, Wlinz, blinz,
             pm_r, ps_r, zl_o, kld_o):
    i = pl.program_id(0)
    aenc = (aenc_r[0] + aenc_r[1]) * dinv_r[...]
    bm = bm_r[...]
    mu = _dot(aenc, Wmu[...]) + bm * bmu[...]
    std = _softplus(_dot(aenc, Wls[...]) + bm * bls[...])
    z = eps_r[...] * std + mu
    zl_o[...] = _dot(z, Wlinz[...]) + blinz[...]
    pm = pm_r[...]
    ps = ps_r[...]
    kld_el = (2.0 * jnp.log(ps + EPS) - 2.0 * jnp.log(std + EPS)
              + ((std + EPS) ** 2 + (mu - pm) ** 2) / (ps + EPS) ** 2 - 1.0)
    part = jnp.full((1, 1), 0.5 / N / N) * jnp.sum(kld_el)

    @pl.when(i == 0)
    def _():
        kld_o[...] = jnp.zeros((1, 1), jnp.float32)
    kld_o[...] += part


def _stage_d(axl_r, azl_r, ah_r, dinv_r, bm_r, h_r, Wx0, Wz1, Whc, bcat,
             zg_o, xhp_o, y4_o):
    dinv = dinv_r[...]
    bm = bm_r[...]
    yall = _dot(axl_r[0] + axl_r[1], Wx0[...]) \
        + _dot(azl_r[0] + azl_r[1], Wz1[...])
    yh = _dot(ah_r[0] + ah_r[1], Whc[...])
    pre_z = (yall[:, :F] + yh[:, :F]) * dinv + bm * bcat[:, :F]
    pre_r = (yall[:, F:2 * F] + yh[:, F:]) * dinv + bm * bcat[:, F:2 * F]
    zg = jax.nn.sigmoid(pre_z)
    rg = jax.nn.sigmoid(pre_r)
    zg_o[...] = zg
    xhp_o[...] = yall[:, 2 * F:] * dinv + bm * bcat[:, 2 * F:]
    y4_o[...] = rg * h_r[...]


def _stage_e(a4_r, dinv_r, bm_r, Whh, bhh, xhp_r, zg_r, h_r, hnew_o):
    pre = _dot(a4_r[0] + a4_r[1], Whh[...]) * dinv_r[...] \
        + bm_r[...] * bhh[...]
    ht = jnp.tanh(xhp_r[...] + pre)
    zg = zg_r[...]
    hnew_o[...] = zg * h_r[...] + (1.0 - zg) * ht


def _nf32(*shape):
    return jax.ShapeDtypeStruct(shape, jnp.float32)


def kernel(x, edge_index, params, eps_noise):
    p = params
    src = edge_index[0].astype(jnp.int32)
    dst = edge_index[1].astype(jnp.int32)
    src_p = jnp.pad(src.reshape(NT, EPT), ((0, 0), (0, PAD))
                    ).reshape(NT, NCH, CE)
    dst_p = jnp.pad(dst.reshape(NT, EPT), ((0, 0), (0, PAD)),
                    constant_values=N).reshape(NT, NCH, CE)
    dst_f = dst_p.reshape(-1)
    hw3 = p['hidden_window'].reshape(3, N, F)
    zrows = jnp.zeros((RLAST, F), jnp.float32)
    r1 = lambda b: b.reshape(1, F)

    (deg_parts,) = _make_deg()(dst_f)

    xl, h, pm, ps = pl.pallas_call(
        _stage_a,
        grid=(GRID,),
        in_specs=[_row, pl.BlockSpec((3, R, F), lambda i: (0, i, 0)),
                  _full(F, F), _full(1, F), _full(F, F), _full(F, 1),
                  _full(F, F), _full(1, F), _full(F, F), _full(1, F),
                  _full(F, F), _full(1, F)],
        out_specs=[_row, _row, _row, _row],
        out_shape=[_nf32(N, F)] * 4,
    )(x, hw3, p['W_lin'], r1(p['b_lin']), p['Q'], p['r'],
      p['W_p'], r1(p['b_p']), p['W_pm'], r1(p['b_pm']),
      p['W_ps'], r1(p['b_ps']))

    a_xl, a_h = _make_agg(2)(xl, h, src_p, dst_p, zrows)

    dinv_grid, bm_grid = pl.pallas_call(
        _stage_deg,
        grid=(1,),
        in_specs=[_full(NT, NCH, CE)],
        out_specs=[_full(NCH, CE), _full(NCH, CE)],
        out_shape=[_nf32(NCH, CE), _nf32(NCH, CE)],
    )(deg_parts)
    dinv = dinv_grid.reshape(NCH * CE, 1)[:N]
    bm = bm_grid.reshape(NCH * CE, 1)[:N]

    enc = pl.pallas_call(
        _stage_b,
        grid=(GRID,),
        in_specs=[_row2, _row2, _col1, _col1,
                  _full(F, F), _full(F, F), _full(1, F)],
        out_specs=_row,
        out_shape=_nf32(N, F),
    )(a_xl, a_h, dinv, bm, p['W_enc'][:F], p['W_enc'][F:], r1(p['b_enc']))

    (a_enc,) = _make_agg(1)(enc, src_p, dst_p, zrows)

    zl, kld = pl.pallas_call(
        _stage_c,
        grid=(GRID,),
        in_specs=[_row2, _col1, _col1, _row,
                  _full(F, F), _full(1, F), _full(F, F), _full(1, F),
                  _full(F, F), _full(1, F), _row, _row],
        out_specs=[_row, _full(1, 1)],
        out_shape=[_nf32(N, F), _nf32(1, 1)],
    )(a_enc, dinv, bm, eps_noise, p['W_mu'], r1(p['b_mu']),
      p['W_ls'], r1(p['b_ls']), p['W_linz'], r1(p['b_linz']), pm, ps)

    (a_zl,) = _make_agg(1)(zl, src_p, dst_p, zrows)

    Wx0 = jnp.concatenate([p['W_xz'][:F], p['W_xr'][:F], p['W_xh'][:F]], axis=1)
    Wz1 = jnp.concatenate([p['W_xz'][F:], p['W_xr'][F:], p['W_xh'][F:]], axis=1)
    Whc = jnp.concatenate([p['W_hz'], p['W_hr']], axis=1)
    bcat = jnp.concatenate([p['b_xz'] + p['b_hz'], p['b_xr'] + p['b_hr'],
                            p['b_xh']]).reshape(1, 3 * F)

    zg, xh_part, y4 = pl.pallas_call(
        _stage_d,
        grid=(GRID,),
        in_specs=[_row2, _row2, _row2, _col1, _col1, _row,
                  _full(F, 3 * F), _full(F, 3 * F), _full(F, 2 * F),
                  _full(1, 3 * F)],
        out_specs=[_row, _row, _row],
        out_shape=[_nf32(N, F)] * 3,
    )(a_xl, a_zl, a_h, dinv, bm, h, Wx0, Wz1, Whc, bcat)

    (a_4,) = _make_agg(1)(y4, src_p, dst_p, zrows)

    h_new = pl.pallas_call(
        _stage_e,
        grid=(GRID,),
        in_specs=[_row2, _col1, _col1, _full(F, F), _full(1, F),
                  _row, _row, _row],
        out_specs=_row,
        out_shape=_nf32(N, F),
    )(a_4, dinv, bm, p['W_hh'], r1(p['b_hh']), xh_part, zg, h)

    return h_new, kld.reshape(())

# --- scband reference (transcript-rebuilt; emitter-appended) ---
"""Pipeline reference for scband-rpatgn-661424963764 (READ-ONLY COPY).

The authoritative reference and input builder live on the scoring server;
editing this copy changes nothing except your own understanding.
"""

import jax, jax.numpy as jnp
import numpy as np

N = 10000
E = 320000
NFEAT = 128
NHID = 128
NOUT = 128
NW = 3
EPS = 1e-10


def _glorot(key, shape):
    lim = float(np.sqrt(6.0 / (shape[0] + shape[1])))
    return jax.random.uniform(key, shape, minval=-lim, maxval=lim, dtype=jnp.float32)


def setup_inputs(seed: int = 0):
    key = jax.random.key(seed)
    ks = jax.random.split(key, 48)
    x = jax.random.normal(ks[0], (N, NFEAT), dtype=jnp.float32)
    edge_index = jax.random.randint(ks[1], (2, E), 0, N)
    hidden_initial = _glorot(ks[2], (N, NOUT))
    params = {
        'W_lin': _glorot(ks[3], (NFEAT, NHID)), 'b_lin': jnp.zeros((NHID,), jnp.float32),
        'W_linz': _glorot(ks[4], (NOUT, NHID)), 'b_linz': jnp.zeros((NHID,), jnp.float32),
        'Q': _glorot(ks[5], (NOUT, NHID)),
        'r': _glorot(ks[6], (NHID, 1)),
        'hidden_window': jnp.concatenate([hidden_initial] * NW, axis=0),
        'W_enc': _glorot(ks[7], (2 * NHID, NHID)), 'b_enc': jnp.zeros((NHID,), jnp.float32),
        'W_mu': _glorot(ks[8], (NHID, NOUT)), 'b_mu': jnp.zeros((NOUT,), jnp.float32),
        'W_ls': _glorot(ks[9], (NHID, NOUT)), 'b_ls': jnp.zeros((NOUT,), jnp.float32),
        'W_p': _glorot(ks[10], (NHID, NHID)), 'b_p': jnp.zeros((NHID,), jnp.float32),
        'W_pm': _glorot(ks[11], (NHID, NOUT)), 'b_pm': jnp.zeros((NOUT,), jnp.float32),
        'W_ps': _glorot(ks[12], (NHID, NOUT)), 'b_ps': jnp.zeros((NOUT,), jnp.float32),
        'W_xz': _glorot(ks[13], (2 * NOUT, NOUT)), 'b_xz': jnp.zeros((NOUT,), jnp.float32),
        'W_hz': _glorot(ks[14], (NOUT, NOUT)), 'b_hz': jnp.zeros((NOUT,), jnp.float32),
        'W_xr': _glorot(ks[15], (2 * NOUT, NOUT)), 'b_xr': jnp.zeros((NOUT,), jnp.float32),
        'W_hr': _glorot(ks[16], (NOUT, NOUT)), 'b_hr': jnp.zeros((NOUT,), jnp.float32),
        'W_xh': _glorot(ks[17], (2 * NOUT, NOUT)), 'b_xh': jnp.zeros((NOUT,), jnp.float32),
        'W_hh': _glorot(ks[18], (NOUT, NOUT)), 'b_hh': jnp.zeros((NOUT,), jnp.float32),
    }
    eps_noise = jax.random.normal(ks[20], (N, NOUT), dtype=jnp.float32)
    return {'x': x, 'edge_index': edge_index, 'params': params, 'eps_noise': eps_noise}


def _gcn(h_in, W, b, src, dst, act):
    h = h_in @ W + b
    msg = jnp.take(h, src, axis=0)
    agg = jax.ops.segment_sum(msg, dst, num_segments=N)
    deg = jax.ops.segment_sum(jnp.ones((src.shape[0],), jnp.float32), dst, num_segments=N)
    out = agg / jnp.clip(deg, 1.0, None)[:, None]
    return act(out)


def _forward(x, params, eps_noise, edge_index):
    p = params
    src, dst = edge_index[0], edge_index[1]
    xl = x @ p['W_lin'] + p['b_lin']
    hw = p['hidden_window']
    e = jnp.tanh(hw @ p['Q']) @ p['r']
    a = jax.nn.softmax(e.reshape(NW, -1), axis=0)[:, :, None]
    h = jnp.mean(a * hw.reshape(NW, -1, NHID), axis=0)
    enc = _gcn(jnp.concatenate([xl, h], axis=1), p['W_enc'], p['b_enc'], src, dst, jax.nn.relu)
    idf = lambda t: t
    mu = _gcn(enc, p['W_mu'], p['b_mu'], src, dst, idf)
    std = _gcn(enc, p['W_ls'], p['b_ls'], src, dst, jax.nn.softplus)
    z = eps_noise * std + mu
    z = z @ p['W_linz'] + p['b_linz']
    prior = jax.nn.relu(h @ p['W_p'] + p['b_p'])
    prior_mean = prior @ p['W_pm'] + p['b_pm']
    prior_std = jax.nn.softplus(prior @ p['W_ps'] + p['b_ps'])
    kld_el = (2.0 * jnp.log(prior_std + EPS) - 2.0 * jnp.log(std + EPS)
              + ((std + EPS) ** 2 + (mu - prior_mean) ** 2) / (prior_std + EPS) ** 2 - 1.0)
    kld = 0.5 / N * jnp.mean(jnp.sum(kld_el, axis=1))
    inp = jnp.concatenate([xl, z], axis=1)
    zg = jax.nn.sigmoid(_gcn(inp, p['W_xz'], p['b_xz'], src, dst, idf) + _gcn(h, p['W_hz'], p['b_hz'], src, dst, idf))
    rg = jax.nn.sigmoid(_gcn(inp, p['W_xr'], p['b_xr'], src, dst, idf) + _gcn(h, p['W_hr'], p['b_hr'], src, dst, idf))
    ht = jnp.tanh(_gcn(inp, p['W_xh'], p['b_xh'], src, dst, idf) + _gcn(rg * h, p['W_hh'], p['b_hh'], src, dst, idf))
    h_new = zg * h + (1.0 - zg) * ht
    return h_new, kld


def reference(x, edge_index, params, eps_noise):
    return _forward(x, params, eps_noise, edge_index)

if __name__ == "__main__":
    import jax
    _d = setup_inputs()
    print(jax.jit(kernel)(*tuple(_d.values())))

</pallas_src>

<mosaic_0001>
#map = affine_map<(d0, d1) -> (0, 0)>
#map1 = affine_map<(d0, d1) -> (0, 0, 0)>
module attributes {stable_mosaic.version = 14 : i64} {
  func.func @agg(%arg0: i32, %arg1: i32, %arg2: memref<10000x128xf32, #tpu.memory_space<hbm>>, %arg3: memref<32x80x128xi32, #tpu.memory_space<hbm>>, %arg4: memref<32x80x128xi32, #tpu.memory_space<hbm>>, %arg5: memref<640x128xf32, #tpu.memory_space<hbm>>, %arg6: memref<2x10000x128xf32, #tpu.memory_space<hbm>>, %arg7: memref<80x128xi32, #tpu.memory_space<vmem>>, %arg8: memref<80x128xi32, #tpu.memory_space<vmem>>, %arg9: memref<128x128xf32, #tpu.memory_space<vmem>>, %arg10: memref<10016x128xf32, #tpu.memory_space<vmem_shared>>, %arg11: memref<!tpu.dma_semaphore, #tpu.memory_space<semaphore_mem>>) attributes {dimension_semantics = [#tpu.dimension_semantics<core_parallel>, #tpu.dimension_semantics<subcore_parallel>], iteration_bounds = array<i64: 2, 16>, scalar_prefetch = 0 : i64, scratch_operands = 5 : i64, tpu.core_type = #tpu.core_type<sc_vector_subcore>, window_params = [{transform_indices = #map}, {transform_indices = #map1}, {transform_indices = #map1}, {transform_indices = #map}, {transform_indices = #map1}]} {
    %mul3A = arith.constant 16 : i32
    %mul3A_0 = arith.muli %arg0, %mul3A : i32
    %add3A = arith.addi %mul3A_0, %arg1 : i32
    %mul3A_1 = arith.constant 624 : i32
    %mul3A_2 = arith.muli %arg1, %mul3A_1 : i32
    %eq3A = arith.constant 15 : i32
    %eq3A_3 = arith.cmpi eq, %arg1, %eq3A : i32
    "tpu.region"() ({
      %run_scoped3A = tpu.sem_alloc : memref<!tpu.dma_semaphore, #tpu.memory_space<semaphore_mem>>
      %dma_start3A = arith.constant 0 : i32
      %dma_start3A_22 = arith.constant 0 : i32
      %dma_start3A_23 = tpu.memref_slice %arg3[%add3A, %dma_start3A, %dma_start3A_22] : memref<32x80x128xi32, #tpu.memory_space<hbm>> -> memref<1x80x128xi32, #tpu.memory_space<hbm>>
      %dma_start3A_24 = tpu.memref_squeeze %dma_start3A_23 : memref<1x80x128xi32, #tpu.memory_space<hbm>> -> memref<80x128xi32, #tpu.memory_space<hbm>>
      %dma_start3A_25 = arith.constant 0 : i32
      %dma_start3A_26 = arith.constant 0 : i32
      %dma_start3A_27 = tpu.memref_slice %arg3[%add3A, %dma_start3A_25, %dma_start3A_26] : memref<32x80x128xi32, #tpu.memory_space<hbm>> -> memref<1x80x128xi32, #tpu.memory_space<hbm>>
      %dma_start3A_28 = tpu.memref_squeeze %dma_start3A_27 : memref<1x80x128xi32, #tpu.memory_space<hbm>> -> memref<80x128xi32, #tpu.memory_space<hbm>>
      tpu.enqueue_dma source(%dma_start3A_28 : memref<80x128xi32, #tpu.memory_space<hbm>>) target(%arg7 : memref<80x128xi32, #tpu.memory_space<vmem>>) target_semaphore(%run_scoped3A : memref<!tpu.dma_semaphore, #tpu.memory_space<semaphore_mem>>)
      %dma_wait3A = arith.constant 0 : i32
      %dma_wait3A_29 = arith.constant 0 : i32
      %dma_wait3A_30 = tpu.memref_slice %arg3[%add3A, %dma_wait3A, %dma_wait3A_29] : memref<32x80x128xi32, #tpu.memory_space<hbm>> -> memref<1x80x128xi32, #tpu.memory_space<hbm>>
      %dma_wait3A_31 = tpu.memref_squeeze %dma_wait3A_30 : memref<1x80x128xi32, #tpu.memory_space<hbm>> -> memref<80x128xi32, #tpu.memory_space<hbm>>
      %dma_wait3A_32 = arith.constant 0 : i32
      %dma_wait3A_33 = arith.constant 0 : i32
      %dma_wait3A_34 = tpu.memref_slice %arg3[%add3A, %dma_wait3A_32, %dma_wait3A_33] : memref<32x80x128xi32, #tpu.memory_space<hbm>> -> memref<1x80x128xi32, #tpu.memory_space<hbm>>
      %dma_wait3A_35 = tpu.memref_squeeze %dma_wait3A_34 : memref<1x80x128xi32, #tpu.memory_space<hbm>> -> memref<80x128xi32, #tpu.memory_space<hbm>>
      tpu.wait_dma2 semaphore(%run_scoped3A : memref<!tpu.dma_semaphore, #tpu.memory_space<semaphore_mem>>) src(%dma_wait3A_35 : memref<80x128xi32, #tpu.memory_space<hbm>>) dst(%arg7 : memref<80x128xi32, #tpu.memory_space<vmem>>)
      tpu.yield
    }) : () -> ()
    "tpu.region"() ({
      %run_scoped3A = tpu.sem_alloc : memref<!tpu.dma_semaphore, #tpu.memory_space<semaphore_mem>>
      %dma_start3A = arith.constant 0 : i32
      %dma_start3A_22 = arith.constant 0 : i32
      %dma_start3A_23 = tpu.memref_slice %arg4[%add3A, %dma_start3A, %dma_start3A_22] : memref<32x80x128xi32, #tpu.memory_space<hbm>> -> memref<1x80x128xi32, #tpu.memory_space<hbm>>
      %dma_start3A_24 = tpu.memref_squeeze %dma_start3A_23 : memref<1x80x128xi32, #tpu.memory_space<hbm>> -> memref<80x128xi32, #tpu.memory_space<hbm>>
      %dma_start3A_25 = arith.constant 0 : i32
      %dma_start3A_26 = arith.constant 0 : i32
      %dma_start3A_27 = tpu.memref_slice %arg4[%add3A, %dma_start3A_25, %dma_start3A_26] : memref<32x80x128xi32, #tpu.memory_space<hbm>> -> memref<1x80x128xi32, #tpu.memory_space<hbm>>
      %dma_start3A_28 = tpu.memref_squeeze %dma_start3A_27 : memref<1x80x128xi32, #tpu.memory_space<hbm>> -> memref<80x128xi32, #tpu.memory_space<hbm>>
      tpu.enqueue_dma source(%dma_start3A_28 : memref<80x128xi32, #tpu.memory_space<hbm>>) target(%arg8 : memref<80x128xi32, #tpu.memory_space<vmem>>) target_semaphore(%run_scoped3A : memref<!tpu.dma_semaphore, #tpu.memory_space<semaphore_mem>>)
      %dma_wait3A = arith.constant 0 : i32
      %dma_wait3A_29 = arith.constant 0 : i32
      %dma_wait3A_30 = tpu.memref_slice %arg4[%add3A, %dma_wait3A, %dma_wait3A_29] : memref<32x80x128xi32, #tpu.memory_space<hbm>> -> memref<1x80x128xi32, #tpu.memory_space<hbm>>
      %dma_wait3A_31 = tpu.memref_squeeze %dma_wait3A_30 : memref<1x80x128xi32, #tpu.memory_space<hbm>> -> memref<80x128xi32, #tpu.memory_space<hbm>>
      %dma_wait3A_32 = arith.constant 0 : i32
      %dma_wait3A_33 = arith.constant 0 : i32
      %dma_wait3A_34 = tpu.memref_slice %arg4[%add3A, %dma_wait3A_32, %dma_wait3A_33] : memref<32x80x128xi32, #tpu.memory_space<hbm>> -> memref<1x80x128xi32, #tpu.memory_space<hbm>>
      %dma_wait3A_35 = tpu.memref_squeeze %dma_wait3A_34 : memref<1x80x128xi32, #tpu.memory_space<hbm>> -> memref<80x128xi32, #tpu.memory_space<hbm>>
      tpu.wait_dma2 semaphore(%run_scoped3A : memref<!tpu.dma_semaphore, #tpu.memory_space<semaphore_mem>>) src(%dma_wait3A_35 : memref<80x128xi32, #tpu.memory_space<hbm>>) dst(%arg8 : memref<80x128xi32, #tpu.memory_space<vmem>>)
      tpu.yield
    }) : () -> ()
    %convert_element_type3A = arith.extui %eq3A_3 : i1 to i32
    %cond3A = arith.constant 0 : i32
    %cond3A_4 = arith.cmpi ne, %convert_element_type3A, %cond3A : i32
    scf.if %cond3A_4 {
      "tpu.region"() ({
        %run_scoped3A = tpu.sem_alloc : memref<!tpu.dma_semaphore, #tpu.memory_space<semaphore_mem>>
        %dma_start3A = arith.constant 0 : i32
        %dma_start3A_22 = tpu.memref_slice %arg10[%mul3A_2, %dma_start3A] : memref<10016x128xf32, #tpu.memory_space<vmem_shared>> -> memref<640x128xf32, #tpu.memory_space<vmem_shared>>
        tpu.enqueue_dma source(%arg5 : memref<640x128xf32, #tpu.memory_space<hbm>>) target(%dma_start3A_22 : memref<640x128xf32, #tpu.memory_space<vmem_shared>>) target_semaphore(%run_scoped3A : memref<!tpu.dma_semaphore, #tpu.memory_space<semaphore_mem>>)
        %dma_wait3A = arith.constant 0 : i32
        %dma_wait3A_23 = tpu.memref_slice %arg10[%mul3A_2, %dma_wait3A] : memref<10016x128xf32, #tpu.memory_space<vmem_shared>> -> memref<640x128xf32, #tpu.memory_space<vmem_shared>>
        tpu.wait_dma2 semaphore(%run_scoped3A : memref<!tpu.dma_semaphore, #tpu.memory_space<semaphore_mem>>) src(%arg5 : memref<640x128xf32, #tpu.memory_space<hbm>>) dst(%dma_wait3A_23 : memref<640x128xf32, #tpu.memory_space<vmem_shared>>)
        tpu.yield
      }) : () -> ()
    } else {
    }
    %not3A = arith.constant true
    %not3A_5 = arith.xori %eq3A_3, %not3A : i1
    %convert_element_type3A_6 = arith.extui %not3A_5 : i1 to i32
    %cond3A_7 = arith.constant 0 : i32
    %cond3A_8 = arith.cmpi ne, %convert_element_type3A_6, %cond3A_7 : i32
    scf.if %cond3A_8 {
      "tpu.region"() ({
        %run_scoped3A = tpu.sem_alloc : memref<!tpu.dma_semaphore, #tpu.memory_space<semaphore_mem>>
        %dma_start3A = arith.constant 0 : i32
        %dma_start3A_22 = tpu.memref_slice %arg10[%mul3A_2, %dma_start3A] : memref<10016x128xf32, #tpu.memory_space<vmem_shared>> -> memref<624x128xf32, #tpu.memory_space<vmem_shared>>
        %dma_start3A_23 = arith.constant 0 : i32
        %dma_start3A_24 = arith.constant 0 : i32
        %dma_start3A_25 = tpu.memref_slice %arg5[%dma_start3A_23, %dma_start3A_24] : memref<640x128xf32, #tpu.memory_space<hbm>> -> memref<624x128xf32, #tpu.memory_space<hbm>>
        tpu.enqueue_dma source(%dma_start3A_25 : memref<624x128xf32, #tpu.memory_space<hbm>>) target(%dma_start3A_22 : memref<624x128xf32, #tpu.memory_space<vmem_shared>>) target_semaphore(%run_scoped3A : memref<!tpu.dma_semaphore, #tpu.memory_space<semaphore_mem>>)
        %dma_wait3A = arith.constant 0 : i32
        %dma_wait3A_26 = tpu.memref_slice %arg10[%mul3A_2, %dma_wait3A] : memref<10016x128xf32, #tpu.memory_space<vmem_shared>> -> memref<624x128xf32, #tpu.memory_space<vmem_shared>>
        %dma_wait3A_27 = arith.constant 0 : i32
        %dma_wait3A_28 = arith.constant 0 : i32
        %dma_wait3A_29 = tpu.memref_slice %arg5[%dma_wait3A_27, %dma_wait3A_28] : memref<640x128xf32, #tpu.memory_space<hbm>> -> memref<624x128xf32, #tpu.memory_space<hbm>>
        tpu.wait_dma2 semaphore(%run_scoped3A : memref<!tpu.dma_semaphore, #tpu.memory_space<semaphore_mem>>) src(%dma_wait3A_29 : memref<624x128xf32, #tpu.memory_space<hbm>>) dst(%dma_wait3A_26 : memref<624x128xf32, #tpu.memory_space<vmem_shared>>)
        tpu.yield
      }) : () -> ()
    } else {
    }
    %barrier3A = arith.constant 0 : index
    tpu.barrier barrier_id(%barrier3A)
    %scan3A = arith.constant 0 : i32
    %scan3A_9 = arith.constant 80 : i32
    %scan3A_10 = arith.addi %scan3A, %scan3A_9 : i32
    %scan3A_11 = arith.constant 1 : i32
    scf.for %scan3A_22 = %scan3A to %scan3A_10 step %scan3A_11  : i32 {
      %dma_start3A = arith.constant 0 : i32
      %dma_start3A_23 = tpu.memref_slice %arg7[%scan3A_22, %dma_start3A] : memref<80x128xi32, #tpu.memory_space<vmem>> -> memref<1x128xi32, #tpu.memory_space<vmem>>
      %dma_start3A_24 = tpu.memref_squeeze %dma_start3A_23 : memref<1x128xi32, #tpu.memory_space<vmem>> -> memref<128xi32, #tpu.memory_space<vmem>>
      %dma_start3A_25 = arith.constant 0 : i32
      %dma_start3A_26 = arith.constant 0 : i32
      %dma_start3A_27 = tpu.memref_slice %arg2[%dma_start3A_25, %dma_start3A_26] : memref<10000x128xf32, #tpu.memory_space<hbm>> -> memref<10000x128xf32, #tpu.memory_space<hbm>>
      tpu.enqueue_indirect_dma source(%dma_start3A_27 : memref<10000x128xf32, #tpu.memory_space<hbm>>) target(%arg9 : memref<128x128xf32, #tpu.memory_space<vmem>>) offsets(%dma_start3A_24 : memref<128xi32, #tpu.memory_space<vmem>>) semaphore(%arg11 : memref<!tpu.dma_semaphore, #tpu.memory_space<semaphore_mem>>)
      %dma_wait3A = arith.constant 0 : i32
      %dma_wait3A_28 = tpu.memref_slice %arg7[%scan3A_22, %dma_wait3A] : memref<80x128xi32, #tpu.memory_space<vmem>> -> memref<1x128xi32, #tpu.memory_space<vmem>>
      %dma_wait3A_29 = tpu.memref_squeeze %dma_wait3A_28 : memref<1x128xi32, #tpu.memory_space<vmem>> -> memref<128xi32, #tpu.memory_space<vmem>>
      %dma_wait3A_30 = arith.constant 0 : i32
      %dma_wait3A_31 = arith.constant 0 : i32
      %dma_wait3A_32 = tpu.memref_slice %arg2[%dma_wait3A_30, %dma_wait3A_31] : memref<10000x128xf32, #tpu.memory_space<hbm>> -> memref<10000x128xf32, #tpu.memory_space<hbm>>
      tpu.wait_indirect_dma semaphore(%arg11 : memref<!tpu.dma_semaphore, #tpu.memory_space<semaphore_mem>>) src(%dma_wait3A_32 : memref<10000x128xf32, #tpu.memory_space<hbm>>) dst(%arg9 : memref<128x128xf32, #tpu.memory_space<vmem>>)
      "tpu.region"() ({
        %run_scoped3A = tpu.sem_alloc : memref<!tpu.dma_semaphore, #tpu.memory_space<semaphore_mem>>
        %dma_start3A_33 = arith.constant 0 : i32
        %dma_start3A_34 = tpu.memref_slice %arg8[%scan3A_22, %dma_start3A_33] : memref<80x128xi32, #tpu.memory_space<vmem>> -> memref<1x128xi32, #tpu.memory_space<vmem>>
        %dma_start3A_35 = tpu.memref_squeeze %dma_start3A_34 : memref<1x128xi32, #tpu.memory_space<vmem>> -> memref<128xi32, #tpu.memory_space<vmem>>
        %dma_start3A_36 = arith.constant 0 : i32
        %dma_start3A_37 = arith.constant 0 : i32
        %dma_start3A_38 = tpu.memref_slice %arg10[%dma_start3A_36, %dma_start3A_37] : memref<10016x128xf32, #tpu.memory_space<vmem_shared>> -> memref<10016x128xf32, #tpu.memory_space<vmem_shared>>
        tpu.enqueue_indirect_dma source(%arg9 : memref<128x128xf32, #tpu.memory_space<vmem>>) target(%dma_start3A_38 : memref<10016x128xf32, #tpu.memory_space<vmem_shared>>) offsets(%dma_start3A_35 : memref<128xi32, #tpu.memory_space<vmem>>) semaphore(%run_scoped3A : memref<!tpu.dma_semaphore, #tpu.memory_space<semaphore_mem>>) {add = true}
        %dma_wait3A_39 = arith.constant 0 : i32
        %dma_wait3A_40 = tpu.memref_slice %arg8[%scan3A_22, %dma_wait3A_39] : memref<80x128xi32, #tpu.memory_space<vmem>> -> memref<1x128xi32, #tpu.memory_space<vmem>>
        %dma_wait3A_41 = tpu.memref_squeeze %dma_wait3A_40 : memref<1x128xi32, #tpu.memory_space<vmem>> -> memref<128xi32, #tpu.memory_space<vmem>>
        %dma_wait3A_42 = arith.constant 0 : i32
        %dma_wait3A_43 = arith.constant 0 : i32
        %dma_wait3A_44 = tpu.memref_slice %arg10[%dma_wait3A_42, %dma_wait3A_43] : memref<10016x128xf32, #tpu.memory_space<vmem_shared>> -> memref<10016x128xf32, #tpu.memory_space<vmem_shared>>
        tpu.wait_indirect_dma semaphore(%run_scoped3A : memref<!tpu.dma_semaphore, #tpu.memory_space<semaphore_mem>>) src(%arg9 : memref<128x128xf32, #tpu.memory_space<vmem>>) dst(%dma_wait3A_44 : memref<10016x128xf32, #tpu.memory_space<vmem_shared>>)
        tpu.yield
      }) : () -> ()
    }
    %scan3A_12 = arith.constant 80 : i32
    %barrier3A_13 = arith.constant 0 : index
    tpu.barrier barrier_id(%barrier3A_13)
    %convert_element_type3A_14 = arith.extui %eq3A_3 : i1 to i32
    %cond3A_15 = arith.constant 0 : i32
    %cond3A_16 = arith.cmpi ne, %convert_element_type3A_14, %cond3A_15 : i32
    scf.if %cond3A_16 {
      "tpu.region"() ({
        %run_scoped3A = tpu.sem_alloc : memref<!tpu.dma_semaphore, #tpu.memory_space<semaphore_mem>>
        %dma_start3A = arith.constant 0 : i32
        %dma_start3A_22 = tpu.memref_slice %arg6[%arg0, %mul3A_2, %dma_start3A] : memref<2x10000x128xf32, #tpu.memory_space<hbm>> -> memref<1x640x128xf32, #tpu.memory_space<hbm>>
        %dma_start3A_23 = tpu.memref_squeeze %dma_start3A_22 : memref<1x640x128xf32, #tpu.memory_space<hbm>> -> memref<640x128xf32, #tpu.memory_space<hbm>>
        %dma_start3A_24 = arith.constant 0 : i32
        %dma_start3A_25 = tpu.memref_slice %arg10[%mul3A_2, %dma_start3A_24] : memref<10016x128xf32, #tpu.memory_space<vmem_shared>> -> memref<640x128xf32, #tpu.memory_space<vmem_shared>>
        tpu.enqueue_dma source(%dma_start3A_25 : memref<640x128xf32, #tpu.memory_space<vmem_shared>>) target(%dma_start3A_23 : memref<640x128xf32, #tpu.memory_space<hbm>>) target_semaphore(%run_scoped3A : memref<!tpu.dma_semaphore, #tpu.memory_space<semaphore_mem>>)
        %dma_wait3A = arith.constant 0 : i32
        %dma_wait3A_26 = tpu.memref_slice %arg6[%arg0, %mul3A_2, %dma_wait3A] : memref<2x10000x128xf32, #tpu.memory_space<hbm>> -> memref<1x640x128xf32, #tpu.memory_space<hbm>>
        %dma_wait3A_27 = tpu.memref_squeeze %dma_wait3A_26 : memref<1x640x128xf32, #tpu.memory_space<hbm>> -> memref<640x128xf32, #tpu.memory_space<hbm>>
        %dma_wait3A_28 = arith.constant 0 : i32
        %dma_wait3A_29 = tpu.memref_slice %arg10[%mul3A_2, %dma_wait3A_28] : memref<10016x128xf32, #tpu.memory_space<vmem_shared>> -> memref<640x128xf32, #tpu.memory_space<vmem_shared>>
        tpu.wait_dma2 semaphore(%run_scoped3A : memref<!tpu.dma_semaphore, #tpu.memory_space<semaphore_mem>>) src(%dma_wait3A_29 : memref<640x128xf32, #tpu.memory_space<vmem_shared>>) dst(%dma_wait3A_27 : memref<640x128xf32, #tpu.memory_space<hbm>>)
        tpu.yield
      }) : () -> ()
    } else {
    }
    %not3A_17 = arith.constant true
    %not3A_18 = arith.xori %eq3A_3, %not3A_17 : i1
    %convert_element_type3A_19 = arith.extui %not3A_18 : i1 to i32
    %cond3A_20 = arith.constant 0 : i32
    %cond3A_21 = arith.cmpi ne, %convert_element_type3A_19, %cond3A_20 : i32
    scf.if %cond3A_21 {
      "tpu.region"() ({
        %run_scoped3A = tpu.sem_alloc : memref<!tpu.dma_semaphore, #tpu.memory_space<semaphore_mem>>
        %dma_start3A = arith.constant 0 : i32
        %dma_start3A_22 = tpu.memref_slice %arg6[%arg0, %mul3A_2, %dma_start3A] : memref<2x10000x128xf32, #tpu.memory_space<hbm>> -> memref<1x624x128xf32, #tpu.memory_space<hbm>>
        %dma_start3A_23 = tpu.memref_squeeze %dma_start3A_22 : memref<1x624x128xf32, #tpu.memory_space<hbm>> -> memref<624x128xf32, #tpu.memory_space<hbm>>
        %dma_start3A_24 = arith.constant 0 : i32
        %dma_start3A_25 = tpu.memref_slice %arg10[%mul3A_2, %dma_start3A_24] : memref<10016x128xf32, #tpu.memory_space<vmem_shared>> -> memref<624x128xf32, #tpu.memory_space<vmem_shared>>
        tpu.enqueue_dma source(%dma_start3A_25 : memref<624x128xf32, #tpu.memory_space<vmem_shared>>) target(%dma_start3A_23 : memref<624x128xf32, #tpu.memory_space<hbm>>) target_semaphore(%run_scoped3A : memref<!tpu.dma_semaphore, #tpu.memory_space<semaphore_mem>>)
        %dma_wait3A = arith.constant 0 : i32
        %dma_wait3A_26 = tpu.memref_slice %arg6[%arg0, %mul3A_2, %dma_wait3A] : memref<2x10000x128xf32, #tpu.memory_space<hbm>> -> memref<1x624x128xf32, #tpu.memory_space<hbm>>
        %dma_wait3A_27 = tpu.memref_squeeze %dma_wait3A_26 : memref<1x624x128xf32, #tpu.memory_space<hbm>> -> memref<624x128xf32, #tpu.memory_space<hbm>>
        %dma_wait3A_28 = arith.constant 0 : i32
        %dma_wait3A_29 = tpu.memref_slice %arg10[%mul3A_2, %dma_wait3A_28] : memref<10016x128xf32, #tpu.memory_space<vmem_shared>> -> memref<624x128xf32, #tpu.memory_space<vmem_shared>>
        tpu.wait_dma2 semaphore(%run_scoped3A : memref<!tpu.dma_semaphore, #tpu.memory_space<semaphore_mem>>) src(%dma_wait3A_29 : memref<624x128xf32, #tpu.memory_space<vmem_shared>>) dst(%dma_wait3A_27 : memref<624x128xf32, #tpu.memory_space<hbm>>)
        tpu.yield
      }) : () -> ()
    } else {
    }
    return
  }
}

#map = affine_map<(d0, d1) -> (0)>
#map1 = affine_map<(d0, d1) -> (0, 0, 0)>
module attributes {stable_mosaic.version = 14 : i64} {
  func.func @deg(%arg0: i32, %arg1: i32, %arg2: memref<327680xi32, #tpu.memory_space<hbm>>, %arg3: memref<32x80x128xf32, #tpu.memory_space<hbm>>, %arg4: memref<10240xi32, #tpu.memory_space<vmem>>, %arg5: memref<80x128xf32, #tpu.memory_space<vmem>>) attributes {dimension_semantics = [#tpu.dimension_semantics<core_parallel>, #tpu.dimension_semantics<subcore_parallel>], iteration_bounds = array<i64: 2, 16>, scalar_prefetch = 0 : i64, scratch_operands = 2 : i64, tpu.core_type = #tpu.core_type<sc_vector_subcore>, window_params = [{transform_indices = #map}, {transform_indices = #map1}]} {
    %mul3A = arith.constant 16 : i32
    %mul3A_0 = arith.muli %arg0, %mul3A : i32
    %add3A = arith.addi %mul3A_0, %arg1 : i32
    %mul3A_1 = arith.constant 80 : i32
    %mul3A_2 = arith.muli %add3A, %mul3A_1 : i32
    %mul3A_3 = arith.constant 128 : i32
    %mul3A_4 = arith.muli %mul3A_2, %mul3A_3 : i32
    "tpu.region"() ({
      %run_scoped3A = tpu.sem_alloc : memref<!tpu.dma_semaphore, #tpu.memory_space<semaphore_mem>>
      %dma_start3A = tpu.memref_slice %arg2[%mul3A_4] : memref<327680xi32, #tpu.memory_space<hbm>> -> memref<10240xi32, #tpu.memory_space<hbm>>
      %dma_start3A_17 = tpu.memref_slice %arg2[%mul3A_4] : memref<327680xi32, #tpu.memory_space<hbm>> -> memref<10240xi32, #tpu.memory_space<hbm>>
      tpu.enqueue_dma source(%dma_start3A_17 : memref<10240xi32, #tpu.memory_space<hbm>>) target(%arg4 : memref<10240xi32, #tpu.memory_space<vmem>>) target_semaphore(%run_scoped3A : memref<!tpu.dma_semaphore, #tpu.memory_space<semaphore_mem>>)
      %dma_wait3A = tpu.memref_slice %arg2[%mul3A_4] : memref<327680xi32, #tpu.memory_space<hbm>> -> memref<10240xi32, #tpu.memory_space<hbm>>
      %dma_wait3A_18 = tpu.memref_slice %arg2[%mul3A_4] : memref<327680xi32, #tpu.memory_space<hbm>> -> memref<10240xi32, #tpu.memory_space<hbm>>
      tpu.wait_dma2 semaphore(%run_scoped3A : memref<!tpu.dma_semaphore, #tpu.memory_space<semaphore_mem>>) src(%dma_wait3A_18 : memref<10240xi32, #tpu.memory_space<hbm>>) dst(%arg4 : memref<10240xi32, #tpu.memory_space<vmem>>)
      tpu.yield
    }) : () -> ()
    %broadcast_in_dim3A = arith.constant 0.000000e+00 : f32
    %broadcast_in_dim3A_5 = vector.broadcast %broadcast_in_dim3A : f32 to vector<16xf32>
    %broadcast_in_dim3A_6 = arith.constant 1.000000e+00 : f32
    %broadcast_in_dim3A_7 = vector.broadcast %broadcast_in_dim3A_6 : f32 to vector<16xf32>
    %scan3A = arith.constant 0 : i32
    %scan3A_8 = arith.constant 640 : i32
    %scan3A_9 = arith.addi %scan3A, %scan3A_8 : i32
    %scan3A_10 = arith.constant 1 : i32
    scf.for %scan3A_17 = %scan3A to %scan3A_9 step %scan3A_10  : i32 {
      %jit3A = arith.constant 8 : i32
      %div3A = arith.divsi %scan3A_17, %jit3A : i32
      %sign3A = arith.constant 0 : i32
      %sign3A_18 = arith.cmpi sgt, %scan3A_17, %sign3A : i32
      %sign3A_19 = arith.extui %sign3A_18 : i1 to i32
      %sign3A_20 = arith.constant 0 : i32
      %sign3A_21 = arith.cmpi slt, %scan3A_17, %sign3A_20 : i32
      %sign3A_22 = arith.extui %sign3A_21 : i1 to i32
      %sign3A_23 = arith.subi %sign3A_19, %sign3A_22 : i32
      %sign3A_24 = arith.constant 0 : i32
      %sign3A_25 = arith.cmpi sgt, %jit3A, %sign3A_24 : i32
      %sign3A_26 = arith.extui %sign3A_25 : i1 to i32
      %sign3A_27 = arith.constant 0 : i32
      %sign3A_28 = arith.cmpi slt, %jit3A, %sign3A_27 : i32
      %sign3A_29 = arith.extui %sign3A_28 : i1 to i32
      %sign3A_30 = arith.subi %sign3A_26, %sign3A_29 : i32
      %ne3A = arith.cmpi ne, %sign3A_23, %sign3A_30 : i32
      %rem3A = arith.remsi %scan3A_17, %jit3A : i32
      %ne3A_31 = arith.constant 0 : i32
      %ne3A_32 = arith.cmpi ne, %rem3A, %ne3A_31 : i32
      %and3A = arith.andi %ne3A, %ne3A_32 : i1
      %sub3A = arith.constant 1 : i32
      %sub3A_33 = arith.subi %div3A, %sub3A : i32
      %select_n3A = arith.select %and3A, %sub3A_33, %div3A : i32
      %jit3A_34 = arith.constant 8 : i32
      %eq3A = arith.constant 0 : i32
      %eq3A_35 = arith.cmpi eq, %jit3A_34, %eq3A : i32
      %jit3A_36 = arith.constant 1 : i32
      %select_n3A_37 = arith.select %eq3A_35, %jit3A_36, %jit3A_34 : i32
      %rem3A_38 = arith.remsi %scan3A_17, %select_n3A_37 : i32
      %ne3A_39 = arith.constant 0 : i32
      %ne3A_40 = arith.cmpi ne, %rem3A_38, %ne3A_39 : i32
      %lt3A = arith.constant 0 : i32
      %lt3A_41 = arith.cmpi slt, %rem3A_38, %lt3A : i32
      %lt3A_42 = arith.constant 0 : i32
      %lt3A_43 = arith.cmpi slt, %select_n3A_37, %lt3A_42 : i32
      %ne3A_44 = arith.xori %lt3A_41, %lt3A_43 : i1
      %and3A_45 = arith.andi %ne3A_44, %ne3A_40 : i1
      %add3A_46 = arith.addi %rem3A_38, %select_n3A_37 : i32
      %select_n3A_47 = arith.select %and3A_45, %add3A_46, %rem3A_38 : i32
      %mul3A_48 = arith.constant 16 : i32
      %mul3A_49 = arith.muli %select_n3A_47, %mul3A_48 : i32
      %swap3A = arith.index_cast %select_n3A : i32 to index
      %swap3A_50 = arith.index_cast %mul3A_49 : i32 to index
      %swap3A_51 = tpu.vector_load %arg5[%swap3A, %swap3A_50] {strides = array<i32>} : memref<80x128xf32, #tpu.memory_space<vmem>>, vector<16xf32>,
      tpu.vector_store %arg5[%swap3A, %swap3A_50], %broadcast_in_dim3A_5 {strides = array<i32>} : memref<80x128xf32, #tpu.memory_space<vmem>>, vector<16xf32>,
    }
    %scan3A_11 = arith.constant 640 : i32
    %scan3A_12 = arith.constant 0 : i32
    %scan3A_13 = arith.constant 640 : i32
    %scan3A_14 = arith.addi %scan3A_12, %scan3A_13 : i32
    %scan3A_15 = arith.constant 1 : i32
    scf.for %scan3A_17 = %scan3A_12 to %scan3A_14 step %scan3A_15  : i32 {
      %mul3A_18 = arith.constant 16 : i32
      %mul3A_19 = arith.muli %scan3A_17, %mul3A_18 : i32
      %get3A = arith.index_cast %mul3A_19 : i32 to index
      %get3A_20 = tpu.vector_load %arg4[%get3A] {strides = array<i32>} : memref<10240xi32, #tpu.memory_space<vmem>>, vector<16xi32>,
      %shift_right_logical3A = arith.constant 7 : i32
      %shift_right_logical3A_21 = vector.broadcast %shift_right_logical3A : i32 to vector<16xi32>
      %shift_right_logical3A_22 = arith.shrui %get3A_20, %shift_right_logical3A_21 : vector<16xi32>
      %and3A = arith.constant 127 : i32
      %and3A_23 = vector.broadcast %and3A : i32 to vector<16xi32>
      %and3A_24 = arith.andi %get3A_20, %and3A_23 : vector<16xi32>
      tpu.vector_store_idx %arg5[%shift_right_logical3A_22, %and3A_24], %broadcast_in_dim3A_7 {add = true} : memref<80x128xf32, #tpu.memory_space<vmem>>[vector<16xi32>, vector<16xi32>], vector<16xf32>,
    }
    %scan3A_16 = arith.constant 640 : i32
    "tpu.region"() ({
      %run_scoped3A = tpu.sem_alloc : memref<!tpu.dma_semaphore, #tpu.memory_space<semaphore_mem>>
      %dma_start3A = arith.constant 0 : i32
      %dma_start3A_17 = arith.constant 0 : i32
      %dma_start3A_18 = tpu.memref_slice %arg3[%add3A, %dma_start3A, %dma_start3A_17] : memref<32x80x128xf32, #tpu.memory_space<hbm>> -> memref<1x80x128xf32, #tpu.memory_space<hbm>>
      %dma_start3A_19 = tpu.memref_squeeze %dma_start3A_18 : memref<1x80x128xf32, #tpu.memory_space<hbm>> -> memref<80x128xf32, #tpu.memory_space<hbm>>
      %dma_start3A_20 = arith.constant 0 : i32
      %dma_start3A_21 = arith.constant 0 : i32
      %dma_start3A_22 = tpu.memref_slice %arg3[%add3A, %dma_start3A_20, %dma_start3A_21] : memref<32x80x128xf32, #tpu.memory_space<hbm>> -> memref<1x80x128xf32, #tpu.memory_space<hbm>>
      %dma_start3A_23 = tpu.memref_squeeze %dma_start3A_22 : memref<1x80x128xf32, #tpu.memory_space<hbm>> -> memref<80x128xf32, #tpu.memory_space<hbm>>
      tpu.enqueue_dma source(%arg5 : memref<80x128xf32, #tpu.memory_space<vmem>>) target(%dma_start3A_23 : memref<80x128xf32, #tpu.memory_space<hbm>>) target_semaphore(%run_scoped3A : memref<!tpu.dma_semaphore, #tpu.memory_space<semaphore_mem>>)
      %dma_wait3A = arith.constant 0 : i32
      %dma_wait3A_24 = arith.constant 0 : i32
      %dma_wait3A_25 = tpu.memref_slice %arg3[%add3A, %dma_wait3A, %dma_wait3A_24] : memref<32x80x128xf32, #tpu.memory_space<hbm>> -> memref<1x80x128xf32, #tpu.memory_space<hbm>>
      %dma_wait3A_26 = tpu.memref_squeeze %dma_wait3A_25 : memref<1x80x128xf32, #tpu.memory_space<hbm>> -> memref<80x128xf32, #tpu.memory_space<hbm>>
      %dma_wait3A_27 = arith.constant 0 : i32
      %dma_wait3A_28 = arith.constant 0 : i32
      %dma_wait3A_29 = tpu.memref_slice %arg3[%add3A, %dma_wait3A_27, %dma_wait3A_28] : memref<32x80x128xf32, #tpu.memory_space<hbm>> -> memref<1x80x128xf32, #tpu.memory_space<hbm>>
      %dma_wait3A_30 = tpu.memref_squeeze %dma_wait3A_29 : memref<1x80x128xf32, #tpu.memory_space<hbm>> -> memref<80x128xf32, #tpu.memory_space<hbm>>
      tpu.wait_dma2 semaphore(%run_scoped3A : memref<!tpu.dma_semaphore, #tpu.memory_space<semaphore_mem>>) src(%arg5 : memref<80x128xf32, #tpu.memory_space<vmem>>) dst(%dma_wait3A_30 : memref<80x128xf32, #tpu.memory_space<hbm>>)
      tpu.yield
    }) : () -> ()
    return
  }
}

#map = affine_map<(d0, d1) -> (0, 0)>
#map1 = affine_map<(d0, d1) -> (0, 0, 0)>
module attributes {stable_mosaic.version = 14 : i64} {
  func.func @agg(%arg0: i32, %arg1: i32, %arg2: memref<10000x128xf32, #tpu.memory_space<hbm>>, %arg3: memref<10000x128xf32, #tpu.memory_space<hbm>>, %arg4: memref<32x80x128xi32, #tpu.memory_space<hbm>>, %arg5: memref<32x80x128xi32, #tpu.memory_space<hbm>>, %arg6: memref<640x128xf32, #tpu.memory_space<hbm>>, %arg7: memref<2x10000x128xf32, #tpu.memory_space<hbm>>, %arg8: memref<2x10000x128xf32, #tpu.memory_space<hbm>>, %arg9: memref<80x128xi32, #tpu.memory_space<vmem>>, %arg10: memref<80x128xi32, #tpu.memory_space<vmem>>, %arg11: memref<128x128xf32, #tpu.memory_space<vmem>>, %arg12: memref<10016x128xf32, #tpu.memory_space<vmem_shared>>, %arg13: memref<!tpu.dma_semaphore, #tpu.memory_space<semaphore_mem>>) attributes {dimension_semantics = [#tpu.dimension_semantics<core_parallel>, #tpu.dimension_semantics<subcore_parallel>], iteration_bounds = array<i64: 2, 16>, scalar_prefetch = 0 : i64, scratch_operands = 5 : i64, tpu.core_type = #tpu.core_type<sc_vector_subcore>, window_params = [{transform_indices = #map}, {transform_indices = #map}, {transform_indices = #map1}, {transform_indices = #map1}, {transform_indices = #map}, {transform_indices = #map1}, {transform_indices = #map1}]} {
    %mul3A = arith.constant 16 : i32
    %mul3A_0 = arith.muli %arg0, %mul3A : i32
    %add3A = arith.addi %mul3A_0, %arg1 : i32
    %mul3A_1 = arith.constant 624 : i32
    %mul3A_2 = arith.muli %arg1, %mul3A_1 : i32
    %eq3A = arith.constant 15 : i32
    %eq3A_3 = arith.cmpi eq, %arg1, %eq3A : i32
    "tpu.region"() ({
      %run_scoped3A = tpu.sem_alloc : memref<!tpu.dma_semaphore, #tpu.memory_space<semaphore_mem>>
      %dma_start3A = arith.constant 0 : i32
      %dma_start3A_45 = arith.constant 0 : i32
      %dma_start3A_46 = tpu.memref_slice %arg4[%add3A, %dma_start3A, %dma_start3A_45] : memref<32x80x128xi32, #tpu.memory_space<hbm>> -> memref<1x80x128xi32, #tpu.memory_space<hbm>>
      %dma_start3A_47 = tpu.memref_squeeze %dma_start3A_46 : memref<1x80x128xi32, #tpu.memory_space<hbm>> -> memref<80x128xi32, #tpu.memory_space<hbm>>
      %dma_start3A_48 = arith.constant 0 : i32
      %dma_start3A_49 = arith.constant 0 : i32
      %dma_start3A_50 = tpu.memref_slice %arg4[%add3A, %dma_start3A_48, %dma_start3A_49] : memref<32x80x128xi32, #tpu.memory_space<hbm>> -> memref<1x80x128xi32, #tpu.memory_space<hbm>>
      %dma_start3A_51 = tpu.memref_squeeze %dma_start3A_50 : memref<1x80x128xi32, #tpu.memory_space<hbm>> -> memref<80x128xi32, #tpu.memory_space<hbm>>
      tpu.enqueue_dma source(%dma_start3A_51 : memref<80x128xi32, #tpu.memory_space<hbm>>) target(%arg9 : memref<80x128xi32, #tpu.memory_space<vmem>>) target_semaphore(%run_scoped3A : memref<!tpu.dma_semaphore, #tpu.memory_space<semaphore_mem>>)
      %dma_wait3A = arith.constant 0 : i32
      %dma_wait3A_52 = arith.constant 0 : i32
      %dma_wait3A_53 = tpu.memref_slice %arg4[%add3A, %dma_wait3A, %dma_wait3A_52] : memref<32x80x128xi32, #tpu.memory_space<hbm>> -> memref<1x80x128xi32, #tpu.memory_space<hbm>>
      %dma_wait3A_54 = tpu.memref_squeeze %dma_wait3A_53 : memref<1x80x128xi32, #tpu.memory_space<hbm>> -> memref<80x128xi32, #tpu.memory_space<hbm>>
      %dma_wait3A_55 = arith.constant 0 : i32
      %dma_wait3A_56 = arith.constant 0 : i32
      %dma_wait3A_57 = tpu.memref_slice %arg4[%add3A, %dma_wait3A_55, %dma_wait3A_56] : memref<32x80x128xi32, #tpu.memory_space<hbm>> -> memref<1x80x128xi32, #tpu.memory_space<hbm>>
      %dma_wait3A_58 = tpu.memref_squeeze %dma_wait3A_57 : memref<1x80x128xi32, #tpu.memory_space<hbm>> -> memref<80x128xi32, #tpu.memory_space<hbm>>
      tpu.wait_dma2 semaphore(%run_scoped3A : memref<!tpu.dma_semaphore, #tpu.memory_space<semaphore_mem>>) src(%dma_wait3A_58 : memref<80x128xi32, #tpu.memory_space<hbm>>) dst(%arg9 : memref<80x128xi32, #tpu.memory_space<vmem>>)
      tpu.yield
    }) : () -> ()
    "tpu.region"() ({
      %run_scoped3A = tpu.sem_alloc : memref<!tpu.dma_semaphore, #tpu.memory_space<semaphore_mem>>
      %dma_start3A = arith.constant 0 : i32
      %dma_start3A_45 = arith.constant 0 : i32
      %dma_start3A_46 = tpu.memref_slice %arg5[%add3A, %dma_start3A, %dma_start3A_45] : memref<32x80x128xi32, #tpu.memory_space<hbm>> -> memref<1x80x128xi32, #tpu.memory_space<hbm>>
      %dma_start3A_47 = tpu.memref_squeeze %dma_start3A_46 : memref<1x80x128xi32, #tpu.memory_space<hbm>> -> memref<80x128xi32, #tpu.memory_space<hbm>>
      %dma_start3A_48 = arith.constant 0 : i32
      %dma_start3A_49 = arith.constant 0 : i32
      %dma_start3A_50 = tpu.memref_slice %arg5[%add3A, %dma_start3A_48, %dma_start3A_49] : memref<32x80x128xi32, #tpu.memory_space<hbm>> -> memref<1x80x128xi32, #tpu.memory_space<hbm>>
      %dma_start3A_51 = tpu.memref_squeeze %dma_start3A_50 : memref<1x80x128xi32, #tpu.memory_space<hbm>> -> memref<80x128xi32, #tpu.memory_space<hbm>>
      tpu.enqueue_dma source(%dma_start3A_51 : memref<80x128xi32, #tpu.memory_space<hbm>>) target(%arg10 : memref<80x128xi32, #tpu.memory_space<vmem>>) target_semaphore(%run_scoped3A : memref<!tpu.dma_semaphore, #tpu.memory_space<semaphore_mem>>)
      %dma_wait3A = arith.constant 0 : i32
      %dma_wait3A_52 = arith.constant 0 : i32
      %dma_wait3A_53 = tpu.memref_slice %arg5[%add3A, %dma_wait3A, %dma_wait3A_52] : memref<32x80x128xi32, #tpu.memory_space<hbm>> -> memref<1x80x128xi32, #tpu.memory_space<hbm>>
      %dma_wait3A_54 = tpu.memref_squeeze %dma_wait3A_53 : memref<1x80x128xi32, #tpu.memory_space<hbm>> -> memref<80x128xi32, #tpu.memory_space<hbm>>
      %dma_wait3A_55 = arith.constant 0 : i32
      %dma_wait3A_56 = arith.constant 0 : i32
      %dma_wait3A_57 = tpu.memref_slice %arg5[%add3A, %dma_wait3A_55, %dma_wait3A_56] : memref<32x80x128xi32, #tpu.memory_space<hbm>> -> memref<1x80x128xi32, #tpu.memory_space<hbm>>
      %dma_wait3A_58 = tpu.memref_squeeze %dma_wait3A_57 : memref<1x80x128xi32, #tpu.memory_space<hbm>> -> memref<80x128xi32, #tpu.memory_space<hbm>>
      tpu.wait_dma2 semaphore(%run_scoped3A : memref<!tpu.dma_semaphore, #tpu.memory_space<semaphore_mem>>) src(%dma_wait3A_58 : memref<80x128xi32, #tpu.memory_space<hbm>>) dst(%arg10 : memref<80x128xi32, #tpu.memory_space<vmem>>)
      tpu.yield
    }) : () -> ()
    %convert_element_type3A = arith.extui %eq3A_3 : i1 to i32
    %cond3A = arith.constant 0 : i32
    %cond3A_4 = arith.cmpi ne, %convert_element_type3A, %cond3A : i32
    scf.if %cond3A_4 {
      "tpu.region"() ({
        %run_scoped3A = tpu.sem_alloc : memref<!tpu.dma_semaphore, #tpu.memory_space<semaphore_mem>>
        %dma_start3A = arith.constant 0 : i32
        %dma_start3A_45 = tpu.memref_slice %arg12[%mul3A_2, %dma_start3A] : memref<10016x128xf32, #tpu.memory_space<vmem_shared>> -> memref<640x128xf32, #tpu.memory_space<vmem_shared>>
        tpu.enqueue_dma source(%arg6 : memref<640x128xf32, #tpu.memory_space<hbm>>) target(%dma_start3A_45 : memref<640x128xf32, #tpu.memory_space<vmem_shared>>) target_semaphore(%run_scoped3A : memref<!tpu.dma_semaphore, #tpu.memory_space<semaphore_mem>>)
        %dma_wait3A = arith.constant 0 : i32
        %dma_wait3A_46 = tpu.memref_slice %arg12[%mul3A_2, %dma_wait3A] : memref<10016x128xf32, #tpu.memory_space<vmem_shared>> -> memref<640x128xf32, #tpu.memory_space<vmem_shared>>
        tpu.wait_dma2 semaphore(%run_scoped3A : memref<!tpu.dma_semaphore, #tpu.memory_space<semaphore_mem>>) src(%arg6 : memref<640x128xf32, #tpu.memory_space<hbm>>) dst(%dma_wait3A_46 : memref<640x128xf32, #tpu.memory_space<vmem_shared>>)
        tpu.yield
      }) : () -> ()
    } else {
    }
    %not3A = arith.constant true
    %not3A_5 = arith.xori %eq3A_3, %not3A : i1
    %convert_element_type3A_6 = arith.extui %not3A_5 : i1 to i32
    %cond3A_7 = arith.constant 0 : i32
    %cond3A_8 = arith.cmpi ne, %convert_element_type3A_6, %cond3A_7 : i32
    scf.if %cond3A_8 {
      "tpu.region"() ({
        %run_scoped3A = tpu.sem_alloc : memref<!tpu.dma_semaphore, #tpu.memory_space<semaphore_mem>>
        %dma_start3A = arith.constant 0 : i32
        %dma_start3A_45 = tpu.memref_slice %arg12[%mul3A_2, %dma_start3A] : memref<10016x128xf32, #tpu.memory_space<vmem_shared>> -> memref<624x128xf32, #tpu.memory_space<vmem_shared>>
        %dma_start3A_46 = arith.constant 0 : i32
        %dma_start3A_47 = arith.constant 0 : i32
        %dma_start3A_48 = tpu.memref_slice %arg6[%dma_start3A_46, %dma_start3A_47] : memref<640x128xf32, #tpu.memory_space<hbm>> -> memref<624x128xf32, #tpu.memory_space<hbm>>
        tpu.enqueue_dma source(%dma_start3A_48 : memref<624x128xf32, #tpu.memory_space<hbm>>) target(%dma_start3A_45 : memref<624x128xf32, #tpu.memory_space<vmem_shared>>) target_semaphore(%run_scoped3A : memref<!tpu.dma_semaphore, #tpu.memory_space<semaphore_mem>>)
        %dma_wait3A = arith.constant 0 : i32
        %dma_wait3A_49 = tpu.memref_slice %arg12[%mul3A_2, %dma_wait3A] : memref<10016x128xf32, #tpu.memory_space<vmem_shared>> -> memref<624x128xf32, #tpu.memory_space<vmem_shared>>
        %dma_wait3A_50 = arith.constant 0 : i32
        %dma_wait3A_51 = arith.constant 0 : i32
        %dma_wait3A_52 = tpu.memref_slice %arg6[%dma_wait3A_50, %dma_wait3A_51] : memref<640x128xf32, #tpu.memory_space<hbm>> -> memref<624x128xf32, #tpu.memory_space<hbm>>
        tpu.wait_dma2 semaphore(%run_scoped3A : memref<!tpu.dma_semaphore, #tpu.memory_space<semaphore_mem>>) src(%dma_wait3A_52 : memref<624x128xf32, #tpu.memory_space<hbm>>) dst(%dma_wait3A_49 : memref<624x128xf32, #tpu.memory_space<vmem_shared>>)
        tpu.yield
      }) : () -> ()
    } else {
    }
    %barrier3A = arith.constant 0 : index
    tpu.barrier barrier_id(%barrier3A)
    %scan3A = arith.constant 0 : i32
    %scan3A_9 = arith.constant 80 : i32
    %scan3A_10 = arith.addi %scan3A, %scan3A_9 : i32
    %scan3A_11 = arith.constant 1 : i32
    scf.for %scan3A_45 = %scan3A to %scan3A_10 step %scan3A_11  : i32 {
      %dma_start3A = arith.constant 0 : i32
      %dma_start3A_46 = tpu.memref_slice %arg9[%scan3A_45, %dma_start3A] : memref<80x128xi32, #tpu.memory_space<vmem>> -> memref<1x128xi32, #tpu.memory_space<vmem>>
      %dma_start3A_47 = tpu.memref_squeeze %dma_start3A_46 : memref<1x128xi32, #tpu.memory_space<vmem>> -> memref<128xi32, #tpu.memory_space<vmem>>
      %dma_start3A_48 = arith.constant 0 : i32
      %dma_start3A_49 = arith.constant 0 : i32
      %dma_start3A_50 = tpu.memref_slice %arg2[%dma_start3A_48, %dma_start3A_49] : memref<10000x128xf32, #tpu.memory_space<hbm>> -> memref<10000x128xf32, #tpu.memory_space<hbm>>
      tpu.enqueue_indirect_dma source(%dma_start3A_50 : memref<10000x128xf32, #tpu.memory_space<hbm>>) target(%arg11 : memref<128x128xf32, #tpu.memory_space<vmem>>) offsets(%dma_start3A_47 : memref<128xi32, #tpu.memory_space<vmem>>) semaphore(%arg13 : memref<!tpu.dma_semaphore, #tpu.memory_space<semaphore_mem>>)
      %dma_wait3A = arith.constant 0 : i32
      %dma_wait3A_51 = tpu.memref_slice %arg9[%scan3A_45, %dma_wait3A] : memref<80x128xi32, #tpu.memory_space<vmem>> -> memref<1x128xi32, #tpu.memory_space<vmem>>
      %dma_wait3A_52 = tpu.memref_squeeze %dma_wait3A_51 : memref<1x128xi32, #tpu.memory_space<vmem>> -> memref<128xi32, #tpu.memory_space<vmem>>
      %dma_wait3A_53 = arith.constant 0 : i32
      %dma_wait3A_54 = arith.constant 0 : i32
      %dma_wait3A_55 = tpu.memref_slice %arg2[%dma_wait3A_53, %dma_wait3A_54] : memref<10000x128xf32, #tpu.memory_space<hbm>> -> memref<10000x128xf32, #tpu.memory_space<hbm>>
      tpu.wait_indirect_dma semaphore(%arg13 : memref<!tpu.dma_semaphore, #tpu.memory_space<semaphore_mem>>) src(%dma_wait3A_55 : memref<10000x128xf32, #tpu.memory_space<hbm>>) dst(%arg11 : memref<128x128xf32, #tpu.memory_space<vmem>>)
      "tpu.region"() ({
        %run_scoped3A = tpu.sem_alloc : memref<!tpu.dma_semaphore, #tpu.memory_space<semaphore_mem>>
        %dma_start3A_56 = arith.constant 0 : i32
        %dma_start3A_57 = tpu.memref_slice %arg10[%scan3A_45, %dma_start3A_56] : memref<80x128xi32, #tpu.memory_space<vmem>> -> memref<1x128xi32, #tpu.memory_space<vmem>>
        %dma_start3A_58 = tpu.memref_squeeze %dma_start3A_57 : memref<1x128xi32, #tpu.memory_space<vmem>> -> memref<128xi32, #tpu.memory_space<vmem>>
        %dma_start3A_59 = arith.constant 0 : i32
        %dma_start3A_60 = arith.constant 0 : i32
        %dma_start3A_61 = tpu.memref_slice %arg12[%dma_start3A_59, %dma_start3A_60] : memref<10016x128xf32, #tpu.memory_space<vmem_shared>> -> memref<10016x128xf32, #tpu.memory_space<vmem_shared>>
        tpu.enqueue_indirect_dma source(%arg11 : memref<128x128xf32, #tpu.memory_space<vmem>>) target(%dma_start3A_61 : memref<10016x128xf32, #tpu.memory_space<vmem_shared>>) offsets(%dma_start3A_58 : memref<128xi32, #tpu.memory_space<vmem>>) semaphore(%run_scoped3A : memref<!tpu.dma_semaphore, #tpu.memory_space<semaphore_mem>>) {add = true}
        %dma_wait3A_62 = arith.constant 0 : i32
        %dma_wait3A_63 = tpu.memref_slice %arg10[%scan3A_45, %dma_wait3A_62] : memref<80x128xi32, #tpu.memory_space<vmem>> -> memref<1x128xi32, #tpu.memory_space<vmem>>
        %dma_wait3A_64 = tpu.memref_squeeze %dma_wait3A_63 : memref<1x128xi32, #tpu.memory_space<vmem>> -> memref<128xi32, #tpu.memory_space<vmem>>
        %dma_wait3A_65 = arith.constant 0 : i32
        %dma_wait3A_66 = arith.constant 0 : i32
        %dma_wait3A_67 = tpu.memref_slice %arg12[%dma_wait3A_65, %dma_wait3A_66] : memref<10016x128xf32, #tpu.memory_space<vmem_shared>> -> memref<10016x128xf32, #tpu.memory_space<vmem_shared>>
        tpu.wait_indirect_dma semaphore(%run_scoped3A : memref<!tpu.dma_semaphore, #tpu.memory_space<semaphore_mem>>) src(%arg11 : memref<128x128xf32, #tpu.memory_space<vmem>>) dst(%dma_wait3A_67 : memref<10016x128xf32, #tpu.memory_space<vmem_shared>>)
        tpu.yield
      }) : () -> ()
    }
    %scan3A_12 = arith.constant 80 : i32
    %barrier3A_13 = arith.constant 0 : index
    tpu.barrier barrier_id(%barrier3A_13)
    %convert_element_type3A_14 = arith.extui %eq3A_3 : i1 to i32
    %cond3A_15 = arith.constant 0 : i32
    %cond3A_16 = arith.cmpi ne, %convert_element_type3A_14, %cond3A_15 : i32
    scf.if %cond3A_16 {
      "tpu.region"() ({
        %run_scoped3A = tpu.sem_alloc : memref<!tpu.dma_semaphore, #tpu.memory_space<semaphore_mem>>
        %dma_start3A = arith.constant 0 : i32
        %dma_start3A_45 = tpu.memref_slice %arg7[%arg0, %mul3A_2, %dma_start3A] : memref<2x10000x128xf32, #tpu.memory_space<hbm>> -> memref<1x640x128xf32, #tpu.memory_space<hbm>>
        %dma_start3A_46 = tpu.memref_squeeze %dma_start3A_45 : memref<1x640x128xf32, #tpu.memory_space<hbm>> -> memref<640x128xf32, #tpu.memory_space<hbm>>
        %dma_start3A_47 = arith.constant 0 : i32
        %dma_start3A_48 = tpu.memref_slice %arg12[%mul3A_2, %dma_start3A_47] : memref<10016x128xf32, #tpu.memory_space<vmem_shared>> -> memref<640x128xf32, #tpu.memory_space<vmem_shared>>
        tpu.enqueue_dma source(%dma_start3A_48 : memref<640x128xf32, #tpu.memory_space<vmem_shared>>) target(%dma_start3A_46 : memref<640x128xf32, #tpu.memory_space<hbm>>) target_semaphore(%run_scoped3A : memref<!tpu.dma_semaphore, #tpu.memory_space<semaphore_mem>>)
        %dma_wait3A = arith.constant 0 : i32
        %dma_wait3A_49 = tpu.memref_slice %arg7[%arg0, %mul3A_2, %dma_wait3A] : memref<2x10000x128xf32, #tpu.memory_space<hbm>> -> memref<1x640x128xf32, #tpu.memory_space<hbm>>
        %dma_wait3A_50 = tpu.memref_squeeze %dma_wait3A_49 : memref<1x640x128xf32, #tpu.memory_space<hbm>> -> memref<640x128xf32, #tpu.memory_space<hbm>>
        %dma_wait3A_51 = arith.constant 0 : i32
        %dma_wait3A_52 = tpu.memref_slice %arg12[%mul3A_2, %dma_wait3A_51] : memref<10016x128xf32, #tpu.memory_space<vmem_shared>> -> memref<640x128xf32, #tpu.memory_space<vmem_shared>>
        tpu.wait_dma2 semaphore(%run_scoped3A : memref<!tpu.dma_semaphore, #tpu.memory_space<semaphore_mem>>) src(%dma_wait3A_52 : memref<640x128xf32, #tpu.memory_space<vmem_shared>>) dst(%dma_wait3A_50 : memref<640x128xf32, #tpu.memory_space<hbm>>)
        tpu.yield
      }) : () -> ()
    } else {
    }
    %not3A_17 = arith.constant true
    %not3A_18 = arith.xori %eq3A_3, %not3A_17 : i1
    %convert_element_type3A_19 = arith.extui %not3A_18 : i1 to i32
    %cond3A_20 = arith.constant 0 : i32
    %cond3A_21 = arith.cmpi ne, %convert_element_type3A_19, %cond3A_20 : i32
    scf.if %cond3A_21 {
      "tpu.region"() ({
        %run_scoped3A = tpu.sem_alloc : memref<!tpu.dma_semaphore, #tpu.memory_space<semaphore_mem>>
        %dma_start3A = arith.constant 0 : i32
        %dma_start3A_45 = tpu.memref_slice %arg7[%arg0, %mul3A_2, %dma_start3A] : memref<2x10000x128xf32, #tpu.memory_space<hbm>> -> memref<1x624x128xf32, #tpu.memory_space<hbm>>
        %dma_start3A_46 = tpu.memref_squeeze %dma_start3A_45 : memref<1x624x128xf32, #tpu.memory_space<hbm>> -> memref<624x128xf32, #tpu.memory_space<hbm>>
        %dma_start3A_47 = arith.constant 0 : i32
        %dma_start3A_48 = tpu.memref_slice %arg12[%mul3A_2, %dma_start3A_47] : memref<10016x128xf32, #tpu.memory_space<vmem_shared>> -> memref<624x128xf32, #tpu.memory_space<vmem_shared>>
        tpu.enqueue_dma source(%dma_start3A_48 : memref<624x128xf32, #tpu.memory_space<vmem_shared>>) target(%dma_start3A_46 : memref<624x128xf32, #tpu.memory_space<hbm>>) target_semaphore(%run_scoped3A : memref<!tpu.dma_semaphore, #tpu.memory_space<semaphore_mem>>)
        %dma_wait3A = arith.constant 0 : i32
        %dma_wait3A_49 = tpu.memref_slice %arg7[%arg0, %mul3A_2, %dma_wait3A] : memref<2x10000x128xf32, #tpu.memory_space<hbm>> -> memref<1x624x128xf32, #tpu.memory_space<hbm>>
        %dma_wait3A_50 = tpu.memref_squeeze %dma_wait3A_49 : memref<1x624x128xf32, #tpu.memory_space<hbm>> -> memref<624x128xf32, #tpu.memory_space<hbm>>
        %dma_wait3A_51 = arith.constant 0 : i32
        %dma_wait3A_52 = tpu.memref_slice %arg12[%mul3A_2, %dma_wait3A_51] : memref<10016x128xf32, #tpu.memory_space<vmem_shared>> -> memref<624x128xf32, #tpu.memory_space<vmem_shared>>
        tpu.wait_dma2 semaphore(%run_scoped3A : memref<!tpu.dma_semaphore, #tpu.memory_space<semaphore_mem>>) src(%dma_wait3A_52 : memref<624x128xf32, #tpu.memory_space<vmem_shared>>) dst(%dma_wait3A_50 : memref<624x128xf32, #tpu.memory_space<hbm>>)
        tpu.yield
      }) : () -> ()
    } else {
    }
    %convert_element_type3A_22 = arith.extui %eq3A_3 : i1 to i32
    %cond3A_23 = arith.constant 0 : i32
    %cond3A_24 = arith.cmpi ne, %convert_element_type3A_22, %cond3A_23 : i32
    scf.if %cond3A_24 {
      "tpu.region"() ({
        %run_scoped3A = tpu.sem_alloc : memref<!tpu.dma_semaphore, #tpu.memory_space<semaphore_mem>>
        %dma_start3A = arith.constant 0 : i32
        %dma_start3A_45 = tpu.memref_slice %arg12[%mul3A_2, %dma_start3A] : memref<10016x128xf32, #tpu.memory_space<vmem_shared>> -> memref<640x128xf32, #tpu.memory_space<vmem_shared>>
        tpu.enqueue_dma source(%arg6 : memref<640x128xf32, #tpu.memory_space<hbm>>) target(%dma_start3A_45 : memref<640x128xf32, #tpu.memory_space<vmem_shared>>) target_semaphore(%run_scoped3A : memref<!tpu.dma_semaphore, #tpu.memory_space<semaphore_mem>>)
        %dma_wait3A = arith.constant 0 : i32
        %dma_wait3A_46 = tpu.memref_slice %arg12[%mul3A_2, %dma_wait3A] : memref<10016x128xf32, #tpu.memory_space<vmem_shared>> -> memref<640x128xf32, #tpu.memory_space<vmem_shared>>
        tpu.wait_dma2 semaphore(%run_scoped3A : memref<!tpu.dma_semaphore, #tpu.memory_space<semaphore_mem>>) src(%arg6 : memref<640x128xf32, #tpu.memory_space<hbm>>) dst(%dma_wait3A_46 : memref<640x128xf32, #tpu.memory_space<vmem_shared>>)
        tpu.yield
      }) : () -> ()
    } else {
    }
    %not3A_25 = arith.constant true
    %not3A_26 = arith.xori %eq3A_3, %not3A_25 : i1
    %convert_element_type3A_27 = arith.extui %not3A_26 : i1 to i32
    %cond3A_28 = arith.constant 0 : i32
    %cond3A_29 = arith.cmpi ne, %convert_element_type3A_27, %cond3A_28 : i32
    scf.if %cond3A_29 {
      "tpu.region"() ({
        %run_scoped3A = tpu.sem_alloc : memref<!tpu.dma_semaphore, #tpu.memory_space<semaphore_mem>>
        %dma_start3A = arith.constant 0 : i32
        %dma_start3A_45 = tpu.memref_slice %arg12[%mul3A_2, %dma_start3A] : memref<10016x128xf32, #tpu.memory_space<vmem_shared>> -> memref<624x128xf32, #tpu.memory_space<vmem_shared>>
        %dma_start3A_46 = arith.constant 0 : i32
        %dma_start3A_47 = arith.constant 0 : i32
        %dma_start3A_48 = tpu.memref_slice %arg6[%dma_start3A_46, %dma_start3A_47] : memref<640x128xf32, #tpu.memory_space<hbm>> -> memref<624x128xf32, #tpu.memory_space<hbm>>
        tpu.enqueue_dma source(%dma_start3A_48 : memref<624x128xf32, #tpu.memory_space<hbm>>) target(%dma_start3A_45 : memref<624x128xf32, #tpu.memory_space<vmem_shared>>) target_semaphore(%run_scoped3A : memref<!tpu.dma_semaphore, #tpu.memory_space<semaphore_mem>>)
        %dma_wait3A = arith.constant 0 : i32
        %dma_wait3A_49 = tpu.memref_slice %arg12[%mul3A_2, %dma_wait3A] : memref<10016x128xf32, #tpu.memory_space<vmem_shared>> -> memref<624x128xf32, #tpu.memory_space<vmem_shared>>
        %dma_wait3A_50 = arith.constant 0 : i32
        %dma_wait3A_51 = arith.constant 0 : i32
        %dma_wait3A_52 = tpu.memref_slice %arg6[%dma_wait3A_50, %dma_wait3A_51] : memref<640x128xf32, #tpu.memory_space<hbm>> -> memref<624x128xf32, #tpu.memory_space<hbm>>
        tpu.wait_dma2 semaphore(%run_scoped3A : memref<!tpu.dma_semaphore, #tpu.memory_space<semaphore_mem>>) src(%dma_wait3A_52 : memref<624x128xf32, #tpu.memory_space<hbm>>) dst(%dma_wait3A_49 : memref<624x128xf32, #tpu.memory_space<vmem_shared>>)
        tpu.yield
      }) : () -> ()
    } else {
    }
    %barrier3A_30 = arith.constant 0 : index
    tpu.barrier barrier_id(%barrier3A_30)
    %scan3A_31 = arith.constant 0 : i32
    %scan3A_32 = arith.constant 80 : i32
    %scan3A_33 = arith.addi %scan3A_31, %scan3A_32 : i32
    %scan3A_34 = arith.constant 1 : i32
    scf.for %scan3A_45 = %scan3A_31 to %scan3A_33 step %scan3A_34  : i32 {
      %dma_start3A = arith.constant 0 : i32
      %dma_start3A_46 = tpu.memref_slice %arg9[%scan3A_45, %dma_start3A] : memref<80x128xi32, #tpu.memory_space<vmem>> -> memref<1x128xi32, #tpu.memory_space<vmem>>
      %dma_start3A_47 = tpu.memref_squeeze %dma_start3A_46 : memref<1x128xi32, #tpu.memory_space<vmem>> -> memref<128xi32, #tpu.memory_space<vmem>>
      %dma_start3A_48 = arith.constant 0 : i32
      %dma_start3A_49 = arith.constant 0 : i32
      %dma_start3A_50 = tpu.memref_slice %arg3[%dma_start3A_48, %dma_start3A_49] : memref<10000x128xf32, #tpu.memory_space<hbm>> -> memref<10000x128xf32, #tpu.memory_space<hbm>>
      tpu.enqueue_indirect_dma source(%dma_start3A_50 : memref<10000x128xf32, #tpu.memory_space<hbm>>) target(%arg11 : memref<128x128xf32, #tpu.memory_space<vmem>>) offsets(%dma_start3A_47 : memref<128xi32, #tpu.memory_space<vmem>>) semaphore(%arg13 : memref<!tpu.dma_semaphore, #tpu.memory_space<semaphore_mem>>)
      %dma_wait3A = arith.constant 0 : i32
      %dma_wait3A_51 = tpu.memref_slice %arg9[%scan3A_45, %dma_wait3A] : memref<80x128xi32, #tpu.memory_space<vmem>> -> memref<1x128xi32, #tpu.memory_space<vmem>>
      %dma_wait3A_52 = tpu.memref_squeeze %dma_wait3A_51 : memref<1x128xi32, #tpu.memory_space<vmem>> -> memref<128xi32, #tpu.memory_space<vmem>>
      %dma_wait3A_53 = arith.constant 0 : i32
      %dma_wait3A_54 = arith.constant 0 : i32
      %dma_wait3A_55 = tpu.memref_slice %arg3[%dma_wait3A_53, %dma_wait3A_54] : memref<10000x128xf32, #tpu.memory_space<hbm>> -> memref<10000x128xf32, #tpu.memory_space<hbm>>
      tpu.wait_indirect_dma semaphore(%arg13 : memref<!tpu.dma_semaphore, #tpu.memory_space<semaphore_mem>>) src(%dma_wait3A_55 : memref<10000x128xf32, #tpu.memory_space<hbm>>) dst(%arg11 : memref<128x128xf32, #tpu.memory_space<vmem>>)
      "tpu.region"() ({
        %run_scoped3A = tpu.sem_alloc : memref<!tpu.dma_semaphore, #tpu.memory_space<semaphore_mem>>
        %dma_start3A_56 = arith.constant 0 : i32
        %dma_start3A_57 = tpu.memref_slice %arg10[%scan3A_45, %dma_start3A_56] : memref<80x128xi32, #tpu.memory_space<vmem>> -> memref<1x128xi32, #tpu.memory_space<vmem>>
        %dma_start3A_58 = tpu.memref_squeeze %dma_start3A_57 : memref<1x128xi32, #tpu.memory_space<vmem>> -> memref<128xi32, #tpu.memory_space<vmem>>
        %dma_start3A_59 = arith.constant 0 : i32
        %dma_start3A_60 = arith.constant 0 : i32
        %dma_start3A_61 = tpu.memref_slice %arg12[%dma_start3A_59, %dma_start3A_60] : memref<10016x128xf32, #tpu.memory_space<vmem_shared>> -> memref<10016x128xf32, #tpu.memory_space<vmem_shared>>
        tpu.enqueue_indirect_dma source(%arg11 : memref<128x128xf32, #tpu.memory_space<vmem>>) target(%dma_start3A_61 : memref<10016x128xf32, #tpu.memory_space<vmem_shared>>) offsets(%dma_start3A_58 : memref<128xi32, #tpu.memory_space<vmem>>) semaphore(%run_scoped3A : memref<!tpu.dma_semaphore, #tpu.memory_space<semaphore_mem>>) {add = true}
        %dma_wait3A_62 = arith.constant 0 : i32
        %dma_wait3A_63 = tpu.memref_slice %arg10[%scan3A_45, %dma_wait3A_62] : memref<80x128xi32, #tpu.memory_space<vmem>> -> memref<1x128xi32, #tpu.memory_space<vmem>>
        %dma_wait3A_64 = tpu.memref_squeeze %dma_wait3A_63 : memref<1x128xi32, #tpu.memory_space<vmem>> -> memref<128xi32, #tpu.memory_space<vmem>>
        %dma_wait3A_65 = arith.constant 0 : i32
        %dma_wait3A_66 = arith.constant 0 : i32
        %dma_wait3A_67 = tpu.memref_slice %arg12[%dma_wait3A_65, %dma_wait3A_66] : memref<10016x128xf32, #tpu.memory_space<vmem_shared>> -> memref<10016x128xf32, #tpu.memory_space<vmem_shared>>
        tpu.wait_indirect_dma semaphore(%run_scoped3A : memref<!tpu.dma_semaphore, #tpu.memory_space<semaphore_mem>>) src(%arg11 : memref<128x128xf32, #tpu.memory_space<vmem>>) dst(%dma_wait3A_67 : memref<10016x128xf32, #tpu.memory_space<vmem_shared>>)
        tpu.yield
      }) : () -> ()
    }
    %scan3A_35 = arith.constant 80 : i32
    %barrier3A_36 = arith.constant 0 : index
    tpu.barrier barrier_id(%barrier3A_36)
    %convert_element_type3A_37 = arith.extui %eq3A_3 : i1 to i32
    %cond3A_38 = arith.constant 0 : i32
    %cond3A_39 = arith.cmpi ne, %convert_element_type3A_37, %cond3A_38 : i32
    scf.if %cond3A_39 {
      "tpu.region"() ({
        %run_scoped3A = tpu.sem_alloc : memref<!tpu.dma_semaphore, #tpu.memory_space<semaphore_mem>>
        %dma_start3A = arith.constant 0 : i32
        %dma_start3A_45 = tpu.memref_slice %arg8[%arg0, %mul3A_2, %dma_start3A] : memref<2x10000x128xf32, #tpu.memory_space<hbm>> -> memref<1x640x128xf32, #tpu.memory_space<hbm>>
        %dma_start3A_46 = tpu.memref_squeeze %dma_start3A_45 : memref<1x640x128xf32, #tpu.memory_space<hbm>> -> memref<640x128xf32, #tpu.memory_space<hbm>>
        %dma_start3A_47 = arith.constant 0 : i32
        %dma_start3A_48 = tpu.memref_slice %arg12[%mul3A_2, %dma_start3A_47] : memref<10016x128xf32, #tpu.memory_space<vmem_shared>> -> memref<640x128xf32, #tpu.memory_space<vmem_shared>>
        tpu.enqueue_dma source(%dma_start3A_48 : memref<640x128xf32, #tpu.memory_space<vmem_shared>>) target(%dma_start3A_46 : memref<640x128xf32, #tpu.memory_space<hbm>>) target_semaphore(%run_scoped3A : memref<!tpu.dma_semaphore, #tpu.memory_space<semaphore_mem>>)
        %dma_wait3A = arith.constant 0 : i32
        %dma_wait3A_49 = tpu.memref_slice %arg8[%arg0, %mul3A_2, %dma_wait3A] : memref<2x10000x128xf32, #tpu.memory_space<hbm>> -> memref<1x640x128xf32, #tpu.memory_space<hbm>>
        %dma_wait3A_50 = tpu.memref_squeeze %dma_wait3A_49 : memref<1x640x128xf32, #tpu.memory_space<hbm>> -> memref<640x128xf32, #tpu.memory_space<hbm>>
        %dma_wait3A_51 = arith.constant 0 : i32
        %dma_wait3A_52 = tpu.memref_slice %arg12[%mul3A_2, %dma_wait3A_51] : memref<10016x128xf32, #tpu.memory_space<vmem_shared>> -> memref<640x128xf32, #tpu.memory_space<vmem_shared>>
        tpu.wait_dma2 semaphore(%run_scoped3A : memref<!tpu.dma_semaphore, #tpu.memory_space<semaphore_mem>>) src(%dma_wait3A_52 : memref<640x128xf32, #tpu.memory_space<vmem_shared>>) dst(%dma_wait3A_50 : memref<640x128xf32, #tpu.memory_space<hbm>>)
        tpu.yield
      }) : () -> ()
    } else {
    }
    %not3A_40 = arith.constant true
    %not3A_41 = arith.xori %eq3A_3, %not3A_40 : i1
    %convert_element_type3A_42 = arith.extui %not3A_41 : i1 to i32
    %cond3A_43 = arith.constant 0 : i32
    %cond3A_44 = arith.cmpi ne, %convert_element_type3A_42, %cond3A_43 : i32
    scf.if %cond3A_44 {
      "tpu.region"() ({
        %run_scoped3A = tpu.sem_alloc : memref<!tpu.dma_semaphore, #tpu.memory_space<semaphore_mem>>
        %dma_start3A = arith.constant 0 : i32
        %dma_start3A_45 = tpu.memref_slice %arg8[%arg0, %mul3A_2, %dma_start3A] : memref<2x10000x128xf32, #tpu.memory_space<hbm>> -> memref<1x624x128xf32, #tpu.memory_space<hbm>>
        %dma_start3A_46 = tpu.memref_squeeze %dma_start3A_45 : memref<1x624x128xf32, #tpu.memory_space<hbm>> -> memref<624x128xf32, #tpu.memory_space<hbm>>
        %dma_start3A_47 = arith.constant 0 : i32
        %dma_start3A_48 = tpu.memref_slice %arg12[%mul3A_2, %dma_start3A_47] : memref<10016x128xf32, #tpu.memory_space<vmem_shared>> -> memref<624x128xf32, #tpu.memory_space<vmem_shared>>
        tpu.enqueue_dma source(%dma_start3A_48 : memref<624x128xf32, #tpu.memory_space<vmem_shared>>) target(%dma_start3A_46 : memref<624x128xf32, #tpu.memory_space<hbm>>) target_semaphore(%run_scoped3A : memref<!tpu.dma_semaphore, #tpu.memory_space<semaphore_mem>>)
        %dma_wait3A = arith.constant 0 : i32
        %dma_wait3A_49 = tpu.memref_slice %arg8[%arg0, %mul3A_2, %dma_wait3A] : memref<2x10000x128xf32, #tpu.memory_space<hbm>> -> memref<1x624x128xf32, #tpu.memory_space<hbm>>
        %dma_wait3A_50 = tpu.memref_squeeze %dma_wait3A_49 : memref<1x624x128xf32, #tpu.memory_space<hbm>> -> memref<624x128xf32, #tpu.memory_space<hbm>>
        %dma_wait3A_51 = arith.constant 0 : i32
        %dma_wait3A_52 = tpu.memref_slice %arg12[%mul3A_2, %dma_wait3A_51] : memref<10016x128xf32, #tpu.memory_space<vmem_shared>> -> memref<624x128xf32, #tpu.memory_space<vmem_shared>>
        tpu.wait_dma2 semaphore(%run_scoped3A : memref<!tpu.dma_semaphore, #tpu.memory_space<semaphore_mem>>) src(%dma_wait3A_52 : memref<624x128xf32, #tpu.memory_space<vmem_shared>>) dst(%dma_wait3A_50 : memref<624x128xf32, #tpu.memory_space<hbm>>)
        tpu.yield
      }) : () -> ()
    } else {
    }
    return
  }
}

#map = affine_map<(d0, d1) -> (0, 0)>
#map1 = affine_map<(d0, d1) -> (0, 0, 0)>
module attributes {stable_mosaic.version = 14 : i64} {
  func.func @agg(%arg0: i32, %arg1: i32, %arg2: memref<10000x128xf32, #tpu.memory_space<hbm>>, %arg3: memref<32x80x128xi32, #tpu.memory_space<hbm>>, %arg4: memref<32x80x128xi32, #tpu.memory_space<hbm>>, %arg5: memref<640x128xf32, #tpu.memory_space<hbm>>, %arg6: memref<2x10000x128xf32, #tpu.memory_space<hbm>>, %arg7: memref<80x128xi32, #tpu.memory_space<vmem>>, %arg8: memref<80x128xi32, #tpu.memory_space<vmem>>, %arg9: memref<128x128xf32, #tpu.memory_space<vmem>>, %arg10: memref<10016x128xf32, #tpu.memory_space<vmem_shared>>, %arg11: memref<!tpu.dma_semaphore, #tpu.memory_space<semaphore_mem>>) attributes {dimension_semantics = [#tpu.dimension_semantics<core_parallel>, #tpu.dimension_semantics<subcore_parallel>], iteration_bounds = array<i64: 2, 16>, scalar_prefetch = 0 : i64, scratch_operands = 5 : i64, tpu.core_type = #tpu.core_type<sc_vector_subcore>, window_params = [{transform_indices = #map}, {transform_indices = #map1}, {transform_indices = #map1}, {transform_indices = #map}, {transform_indices = #map1}]} {
    %mul3A = arith.constant 16 : i32
    %mul3A_0 = arith.muli %arg0, %mul3A : i32
    %add3A = arith.addi %mul3A_0, %arg1 : i32
    %mul3A_1 = arith.constant 624 : i32
    %mul3A_2 = arith.muli %arg1, %mul3A_1 : i32
    %eq3A = arith.constant 15 : i32
    %eq3A_3 = arith.cmpi eq, %arg1, %eq3A : i32
    "tpu.region"() ({
      %run_scoped3A = tpu.sem_alloc : memref<!tpu.dma_semaphore, #tpu.memory_space<semaphore_mem>>
      %dma_start3A = arith.constant 0 : i32
      %dma_start3A_22 = arith.constant 0 : i32
      %dma_start3A_23 = tpu.memref_slice %arg3[%add3A, %dma_start3A, %dma_start3A_22] : memref<32x80x128xi32, #tpu.memory_space<hbm>> -> memref<1x80x128xi32, #tpu.memory_space<hbm>>
      %dma_start3A_24 = tpu.memref_squeeze %dma_start3A_23 : memref<1x80x128xi32, #tpu.memory_space<hbm>> -> memref<80x128xi32, #tpu.memory_space<hbm>>
      %dma_start3A_25 = arith.constant 0 : i32
      %dma_start3A_26 = arith.constant 0 : i32
      %dma_start3A_27 = tpu.memref_slice %arg3[%add3A, %dma_start3A_25, %dma_start3A_26] : memref<32x80x128xi32, #tpu.memory_space<hbm>> -> memref<1x80x128xi32, #tpu.memory_space<hbm>>
      %dma_start3A_28 = tpu.memref_squeeze %dma_start3A_27 : memref<1x80x128xi32, #tpu.memory_space<hbm>> -> memref<80x128xi32, #tpu.memory_space<hbm>>
      tpu.enqueue_dma source(%dma_start3A_28 : memref<80x128xi32, #tpu.memory_space<hbm>>) target(%arg7 : memref<80x128xi32, #tpu.memory_space<vmem>>) target_semaphore(%run_scoped3A : memref<!tpu.dma_semaphore, #tpu.memory_space<semaphore_mem>>)
      %dma_wait3A = arith.constant 0 : i32
      %dma_wait3A_29 = arith.constant 0 : i32
      %dma_wait3A_30 = tpu.memref_slice %arg3[%add3A, %dma_wait3A, %dma_wait3A_29] : memref<32x80x128xi32, #tpu.memory_space<hbm>> -> memref<1x80x128xi32, #tpu.memory_space<hbm>>
      %dma_wait3A_31 = tpu.memref_squeeze %dma_wait3A_30 : memref<1x80x128xi32, #tpu.memory_space<hbm>> -> memref<80x128xi32, #tpu.memory_space<hbm>>
      %dma_wait3A_32 = arith.constant 0 : i32
      %dma_wait3A_33 = arith.constant 0 : i32
      %dma_wait3A_34 = tpu.memref_slice %arg3[%add3A, %dma_wait3A_32, %dma_wait3A_33] : memref<32x80x128xi32, #tpu.memory_space<hbm>> -> memref<1x80x128xi32, #tpu.memory_space<hbm>>
      %dma_wait3A_35 = tpu.memref_squeeze %dma_wait3A_34 : memref<1x80x128xi32, #tpu.memory_space<hbm>> -> memref<80x128xi32, #tpu.memory_space<hbm>>
      tpu.wait_dma2 semaphore(%run_scoped3A : memref<!tpu.dma_semaphore, #tpu.memory_space<semaphore_mem>>) src(%dma_wait3A_35 : memref<80x128xi32, #tpu.memory_space<hbm>>) dst(%arg7 : memref<80x128xi32, #tpu.memory_space<vmem>>)
      tpu.yield
    }) : () -> ()
    "tpu.region"() ({
      %run_scoped3A = tpu.sem_alloc : memref<!tpu.dma_semaphore, #tpu.memory_space<semaphore_mem>>
      %dma_start3A = arith.constant 0 : i32
      %dma_start3A_22 = arith.constant 0 : i32
      %dma_start3A_23 = tpu.memref_slice %arg4[%add3A, %dma_start3A, %dma_start3A_22] : memref<32x80x128xi32, #tpu.memory_space<hbm>> -> memref<1x80x128xi32, #tpu.memory_space<hbm>>
      %dma_start3A_24 = tpu.memref_squeeze %dma_start3A_23 : memref<1x80x128xi32, #tpu.memory_space<hbm>> -> memref<80x128xi32, #tpu.memory_space<hbm>>
      %dma_start3A_25 = arith.constant 0 : i32
      %dma_start3A_26 = arith.constant 0 : i32
      %dma_start3A_27 = tpu.memref_slice %arg4[%add3A, %dma_start3A_25, %dma_start3A_26] : memref<32x80x128xi32, #tpu.memory_space<hbm>> -> memref<1x80x128xi32, #tpu.memory_space<hbm>>
      %dma_start3A_28 = tpu.memref_squeeze %dma_start3A_27 : memref<1x80x128xi32, #tpu.memory_space<hbm>> -> memref<80x128xi32, #tpu.memory_space<hbm>>
      tpu.enqueue_dma source(%dma_start3A_28 : memref<80x128xi32, #tpu.memory_space<hbm>>) target(%arg8 : memref<80x128xi32, #tpu.memory_space<vmem>>) target_semaphore(%run_scoped3A : memref<!tpu.dma_semaphore, #tpu.memory_space<semaphore_mem>>)
      %dma_wait3A = arith.constant 0 : i32
      %dma_wait3A_29 = arith.constant 0 : i32
      %dma_wait3A_30 = tpu.memref_slice %arg4[%add3A, %dma_wait3A, %dma_wait3A_29] : memref<32x80x128xi32, #tpu.memory_space<hbm>> -> memref<1x80x128xi32, #tpu.memory_space<hbm>>
      %dma_wait3A_31 = tpu.memref_squeeze %dma_wait3A_30 : memref<1x80x128xi32, #tpu.memory_space<hbm>> -> memref<80x128xi32, #tpu.memory_space<hbm>>
      %dma_wait3A_32 = arith.constant 0 : i32
      %dma_wait3A_33 = arith.constant 0 : i32
      %dma_wait3A_34 = tpu.memref_slice %arg4[%add3A, %dma_wait3A_32, %dma_wait3A_33] : memref<32x80x128xi32, #tpu.memory_space<hbm>> -> memref<1x80x128xi32, #tpu.memory_space<hbm>>
      %dma_wait3A_35 = tpu.memref_squeeze %dma_wait3A_34 : memref<1x80x128xi32, #tpu.memory_space<hbm>> -> memref<80x128xi32, #tpu.memory_space<hbm>>
      tpu.wait_dma2 semaphore(%run_scoped3A : memref<!tpu.dma_semaphore, #tpu.memory_space<semaphore_mem>>) src(%dma_wait3A_35 : memref<80x128xi32, #tpu.memory_space<hbm>>) dst(%arg8 : memref<80x128xi32, #tpu.memory_space<vmem>>)
      tpu.yield
    }) : () -> ()
    %convert_element_type3A = arith.extui %eq3A_3 : i1 to i32
    %cond3A = arith.constant 0 : i32
    %cond3A_4 = arith.cmpi ne, %convert_element_type3A, %cond3A : i32
    scf.if %cond3A_4 {
      "tpu.region"() ({
        %run_scoped3A = tpu.sem_alloc : memref<!tpu.dma_semaphore, #tpu.memory_space<semaphore_mem>>
        %dma_start3A = arith.constant 0 : i32
        %dma_start3A_22 = tpu.memref_slice %arg10[%mul3A_2, %dma_start3A] : memref<10016x128xf32, #tpu.memory_space<vmem_shared>> -> memref<640x128xf32, #tpu.memory_space<vmem_shared>>
        tpu.enqueue_dma source(%arg5 : memref<640x128xf32, #tpu.memory_space<hbm>>) target(%dma_start3A_22 : memref<640x128xf32, #tpu.memory_space<vmem_shared>>) target_semaphore(%run_scoped3A : memref<!tpu.dma_semaphore, #tpu.memory_space<semaphore_mem>>)
        %dma_wait3A = arith.constant 0 : i32
        %dma_wait3A_23 = tpu.memref_slice %arg10[%mul3A_2, %dma_wait3A] : memref<10016x128xf32, #tpu.memory_space<vmem_shared>> -> memref<640x128xf32, #tpu.memory_space<vmem_shared>>
        tpu.wait_dma2 semaphore(%run_scoped3A : memref<!tpu.dma_semaphore, #tpu.memory_space<semaphore_mem>>) src(%arg5 : memref<640x128xf32, #tpu.memory_space<hbm>>) dst(%dma_wait3A_23 : memref<640x128xf32, #tpu.memory_space<vmem_shared>>)
        tpu.yield
      }) : () -> ()
    } else {
    }
    %not3A = arith.constant true
    %not3A_5 = arith.xori %eq3A_3, %not3A : i1
    %convert_element_type3A_6 = arith.extui %not3A_5 : i1 to i32
    %cond3A_7 = arith.constant 0 : i32
    %cond3A_8 = arith.cmpi ne, %convert_element_type3A_6, %cond3A_7 : i32
    scf.if %cond3A_8 {
      "tpu.region"() ({
        %run_scoped3A = tpu.sem_alloc : memref<!tpu.dma_semaphore, #tpu.memory_space<semaphore_mem>>
        %dma_start3A = arith.constant 0 : i32
        %dma_start3A_22 = tpu.memref_slice %arg10[%mul3A_2, %dma_start3A] : memref<10016x128xf32, #tpu.memory_space<vmem_shared>> -> memref<624x128xf32, #tpu.memory_space<vmem_shared>>
        %dma_start3A_23 = arith.constant 0 : i32
        %dma_start3A_24 = arith.constant 0 : i32
        %dma_start3A_25 = tpu.memref_slice %arg5[%dma_start3A_23, %dma_start3A_24] : memref<640x128xf32, #tpu.memory_space<hbm>> -> memref<624x128xf32, #tpu.memory_space<hbm>>
        tpu.enqueue_dma source(%dma_start3A_25 : memref<624x128xf32, #tpu.memory_space<hbm>>) target(%dma_start3A_22 : memref<624x128xf32, #tpu.memory_space<vmem_shared>>) target_semaphore(%run_scoped3A : memref<!tpu.dma_semaphore, #tpu.memory_space<semaphore_mem>>)
        %dma_wait3A = arith.constant 0 : i32
        %dma_wait3A_26 = tpu.memref_slice %arg10[%mul3A_2, %dma_wait3A] : memref<10016x128xf32, #tpu.memory_space<vmem_shared>> -> memref<624x128xf32, #tpu.memory_space<vmem_shared>>
        %dma_wait3A_27 = arith.constant 0 : i32
        %dma_wait3A_28 = arith.constant 0 : i32
        %dma_wait3A_29 = tpu.memref_slice %arg5[%dma_wait3A_27, %dma_wait3A_28] : memref<640x128xf32, #tpu.memory_space<hbm>> -> memref<624x128xf32, #tpu.memory_space<hbm>>
        tpu.wait_dma2 semaphore(%run_scoped3A : memref<!tpu.dma_semaphore, #tpu.memory_space<semaphore_mem>>) src(%dma_wait3A_29 : memref<624x128xf32, #tpu.memory_space<hbm>>) dst(%dma_wait3A_26 : memref<624x128xf32, #tpu.memory_space<vmem_shared>>)
        tpu.yield
      }) : () -> ()
    } else {
    }
    %barrier3A = arith.constant 0 : index
    tpu.barrier barrier_id(%barrier3A)
    %scan3A = arith.constant 0 : i32
    %scan3A_9 = arith.constant 80 : i32
    %scan3A_10 = arith.addi %scan3A, %scan3A_9 : i32
    %scan3A_11 = arith.constant 1 : i32
    scf.for %scan3A_22 = %scan3A to %scan3A_10 step %scan3A_11  : i32 {
      %dma_start3A = arith.constant 0 : i32
      %dma_start3A_23 = tpu.memref_slice %arg7[%scan3A_22, %dma_start3A] : memref<80x128xi32, #tpu.memory_space<vmem>> -> memref<1x128xi32, #tpu.memory_space<vmem>>
      %dma_start3A_24 = tpu.memref_squeeze %dma_start3A_23 : memref<1x128xi32, #tpu.memory_space<vmem>> -> memref<128xi32, #tpu.memory_space<vmem>>
      %dma_start3A_25 = arith.constant 0 : i32
      %dma_start3A_26 = arith.constant 0 : i32
      %dma_start3A_27 = tpu.memref_slice %arg2[%dma_start3A_25, %dma_start3A_26] : memref<10000x128xf32, #tpu.memory_space<hbm>> -> memref<10000x128xf32, #tpu.memory_space<hbm>>
      tpu.enqueue_indirect_dma source(%dma_start3A_27 : memref<10000x128xf32, #tpu.memory_space<hbm>>) target(%arg9 : memref<128x128xf32, #tpu.memory_space<vmem>>) offsets(%dma_start3A_24 : memref<128xi32, #tpu.memory_space<vmem>>) semaphore(%arg11 : memref<!tpu.dma_semaphore, #tpu.memory_space<semaphore_mem>>)
      %dma_wait3A = arith.constant 0 : i32
      %dma_wait3A_28 = tpu.memref_slice %arg7[%scan3A_22, %dma_wait3A] : memref<80x128xi32, #tpu.memory_space<vmem>> -> memref<1x128xi32, #tpu.memory_space<vmem>>
      %dma_wait3A_29 = tpu.memref_squeeze %dma_wait3A_28 : memref<1x128xi32, #tpu.memory_space<vmem>> -> memref<128xi32, #tpu.memory_space<vmem>>
      %dma_wait3A_30 = arith.constant 0 : i32
      %dma_wait3A_31 = arith.constant 0 : i32
      %dma_wait3A_32 = tpu.memref_slice %arg2[%dma_wait3A_30, %dma_wait3A_31] : memref<10000x128xf32, #tpu.memory_space<hbm>> -> memref<10000x128xf32, #tpu.memory_space<hbm>>
      tpu.wait_indirect_dma semaphore(%arg11 : memref<!tpu.dma_semaphore, #tpu.memory_space<semaphore_mem>>) src(%dma_wait3A_32 : memref<10000x128xf32, #tpu.memory_space<hbm>>) dst(%arg9 : memref<128x128xf32, #tpu.memory_space<vmem>>)
      "tpu.region"() ({
        %run_scoped3A = tpu.sem_alloc : memref<!tpu.dma_semaphore, #tpu.memory_space<semaphore_mem>>
        %dma_start3A_33 = arith.constant 0 : i32
        %dma_start3A_34 = tpu.memref_slice %arg8[%scan3A_22, %dma_start3A_33] : memref<80x128xi32, #tpu.memory_space<vmem>> -> memref<1x128xi32, #tpu.memory_space<vmem>>
        %dma_start3A_35 = tpu.memref_squeeze %dma_start3A_34 : memref<1x128xi32, #tpu.memory_space<vmem>> -> memref<128xi32, #tpu.memory_space<vmem>>
        %dma_start3A_36 = arith.constant 0 : i32
        %dma_start3A_37 = arith.constant 0 : i32
        %dma_start3A_38 = tpu.memref_slice %arg10[%dma_start3A_36, %dma_start3A_37] : memref<10016x128xf32, #tpu.memory_space<vmem_shared>> -> memref<10016x128xf32, #tpu.memory_space<vmem_shared>>
        tpu.enqueue_indirect_dma source(%arg9 : memref<128x128xf32, #tpu.memory_space<vmem>>) target(%dma_start3A_38 : memref<10016x128xf32, #tpu.memory_space<vmem_shared>>) offsets(%dma_start3A_35 : memref<128xi32, #tpu.memory_space<vmem>>) semaphore(%run_scoped3A : memref<!tpu.dma_semaphore, #tpu.memory_space<semaphore_mem>>) {add = true}
        %dma_wait3A_39 = arith.constant 0 : i32
        %dma_wait3A_40 = tpu.memref_slice %arg8[%scan3A_22, %dma_wait3A_39] : memref<80x128xi32, #tpu.memory_space<vmem>> -> memref<1x128xi32, #tpu.memory_space<vmem>>
        %dma_wait3A_41 = tpu.memref_squeeze %dma_wait3A_40 : memref<1x128xi32, #tpu.memory_space<vmem>> -> memref<128xi32, #tpu.memory_space<vmem>>
        %dma_wait3A_42 = arith.constant 0 : i32
        %dma_wait3A_43 = arith.constant 0 : i32
        %dma_wait3A_44 = tpu.memref_slice %arg10[%dma_wait3A_42, %dma_wait3A_43] : memref<10016x128xf32, #tpu.memory_space<vmem_shared>> -> memref<10016x128xf32, #tpu.memory_space<vmem_shared>>
        tpu.wait_indirect_dma semaphore(%run_scoped3A : memref<!tpu.dma_semaphore, #tpu.memory_space<semaphore_mem>>) src(%arg9 : memref<128x128xf32, #tpu.memory_space<vmem>>) dst(%dma_wait3A_44 : memref<10016x128xf32, #tpu.memory_space<vmem_shared>>)
        tpu.yield
      }) : () -> ()
    }
    %scan3A_12 = arith.constant 80 : i32
    %barrier3A_13 = arith.constant 0 : index
    tpu.barrier barrier_id(%barrier3A_13)
    %convert_element_type3A_14 = arith.extui %eq3A_3 : i1 to i32
    %cond3A_15 = arith.constant 0 : i32
    %cond3A_16 = arith.cmpi ne, %convert_element_type3A_14, %cond3A_15 : i32
    scf.if %cond3A_16 {
      "tpu.region"() ({
        %run_scoped3A = tpu.sem_alloc : memref<!tpu.dma_semaphore, #tpu.memory_space<semaphore_mem>>
        %dma_start3A = arith.constant 0 : i32
        %dma_start3A_22 = tpu.memref_slice %arg6[%arg0, %mul3A_2, %dma_start3A] : memref<2x10000x128xf32, #tpu.memory_space<hbm>> -> memref<1x640x128xf32, #tpu.memory_space<hbm>>
        %dma_start3A_23 = tpu.memref_squeeze %dma_start3A_22 : memref<1x640x128xf32, #tpu.memory_space<hbm>> -> memref<640x128xf32, #tpu.memory_space<hbm>>
        %dma_start3A_24 = arith.constant 0 : i32
        %dma_start3A_25 = tpu.memref_slice %arg10[%mul3A_2, %dma_start3A_24] : memref<10016x128xf32, #tpu.memory_space<vmem_shared>> -> memref<640x128xf32, #tpu.memory_space<vmem_shared>>
        tpu.enqueue_dma source(%dma_start3A_25 : memref<640x128xf32, #tpu.memory_space<vmem_shared>>) target(%dma_start3A_23 : memref<640x128xf32, #tpu.memory_space<hbm>>) target_semaphore(%run_scoped3A : memref<!tpu.dma_semaphore, #tpu.memory_space<semaphore_mem>>)
        %dma_wait3A = arith.constant 0 : i32
        %dma_wait3A_26 = tpu.memref_slice %arg6[%arg0, %mul3A_2, %dma_wait3A] : memref<2x10000x128xf32, #tpu.memory_space<hbm>> -> memref<1x640x128xf32, #tpu.memory_space<hbm>>
        %dma_wait3A_27 = tpu.memref_squeeze %dma_wait3A_26 : memref<1x640x128xf32, #tpu.memory_space<hbm>> -> memref<640x128xf32, #tpu.memory_space<hbm>>
        %dma_wait3A_28 = arith.constant 0 : i32
        %dma_wait3A_29 = tpu.memref_slice %arg10[%mul3A_2, %dma_wait3A_28] : memref<10016x128xf32, #tpu.memory_space<vmem_shared>> -> memref<640x128xf32, #tpu.memory_space<vmem_shared>>
        tpu.wait_dma2 semaphore(%run_scoped3A : memref<!tpu.dma_semaphore, #tpu.memory_space<semaphore_mem>>) src(%dma_wait3A_29 : memref<640x128xf32, #tpu.memory_space<vmem_shared>>) dst(%dma_wait3A_27 : memref<640x128xf32, #tpu.memory_space<hbm>>)
        tpu.yield
      }) : () -> ()
    } else {
    }
    %not3A_17 = arith.constant true
    %not3A_18 = arith.xori %eq3A_3, %not3A_17 : i1
    %convert_element_type3A_19 = arith.extui %not3A_18 : i1 to i32
    %cond3A_20 = arith.constant 0 : i32
    %cond3A_21 = arith.cmpi ne, %convert_element_type3A_19, %cond3A_20 : i32
    scf.if %cond3A_21 {
      "tpu.region"() ({
        %run_scoped3A = tpu.sem_alloc : memref<!tpu.dma_semaphore, #tpu.memory_space<semaphore_mem>>
        %dma_start3A = arith.constant 0 : i32
        %dma_start3A_22 = tpu.memref_slice %arg6[%arg0, %mul3A_2, %dma_start3A] : memref<2x10000x128xf32, #tpu.memory_space<hbm>> -> memref<1x624x128xf32, #tpu.memory_space<hbm>>
        %dma_start3A_23 = tpu.memref_squeeze %dma_start3A_22 : memref<1x624x128xf32, #tpu.memory_space<hbm>> -> memref<624x128xf32, #tpu.memory_space<hbm>>
        %dma_start3A_24 = arith.constant 0 : i32
        %dma_start3A_25 = tpu.memref_slice %arg10[%mul3A_2, %dma_start3A_24] : memref<10016x128xf32, #tpu.memory_space<vmem_shared>> -> memref<624x128xf32, #tpu.memory_space<vmem_shared>>
        tpu.enqueue_dma source(%dma_start3A_25 : memref<624x128xf32, #tpu.memory_space<vmem_shared>>) target(%dma_start3A_23 : memref<624x128xf32, #tpu.memory_space<hbm>>) target_semaphore(%run_scoped3A : memref<!tpu.dma_semaphore, #tpu.memory_space<semaphore_mem>>)
        %dma_wait3A = arith.constant 0 : i32
        %dma_wait3A_26 = tpu.memref_slice %arg6[%arg0, %mul3A_2, %dma_wait3A] : memref<2x10000x128xf32, #tpu.memory_space<hbm>> -> memref<1x624x128xf32, #tpu.memory_space<hbm>>
        %dma_wait3A_27 = tpu.memref_squeeze %dma_wait3A_26 : memref<1x624x128xf32, #tpu.memory_space<hbm>> -> memref<624x128xf32, #tpu.memory_space<hbm>>
        %dma_wait3A_28 = arith.constant 0 : i32
        %dma_wait3A_29 = tpu.memref_slice %arg10[%mul3A_2, %dma_wait3A_28] : memref<10016x128xf32, #tpu.memory_space<vmem_shared>> -> memref<624x128xf32, #tpu.memory_space<vmem_shared>>
        tpu.wait_dma2 semaphore(%run_scoped3A : memref<!tpu.dma_semaphore, #tpu.memory_space<semaphore_mem>>) src(%dma_wait3A_29 : memref<624x128xf32, #tpu.memory_space<vmem_shared>>) dst(%dma_wait3A_27 : memref<624x128xf32, #tpu.memory_space<hbm>>)
        tpu.yield
      }) : () -> ()
    } else {
    }
    return
  }
}

#map = affine_map<(d0, d1) -> (0, 0)>
#map1 = affine_map<(d0, d1) -> (0, 0, 0)>
module attributes {stable_mosaic.version = 14 : i64} {
  func.func @agg(%arg0: i32, %arg1: i32, %arg2: memref<10000x128xf32, #tpu.memory_space<hbm>>, %arg3: memref<32x80x128xi32, #tpu.memory_space<hbm>>, %arg4: memref<32x80x128xi32, #tpu.memory_space<hbm>>, %arg5: memref<640x128xf32, #tpu.memory_space<hbm>>, %arg6: memref<2x10000x128xf32, #tpu.memory_space<hbm>>, %arg7: memref<80x128xi32, #tpu.memory_space<vmem>>, %arg8: memref<80x128xi32, #tpu.memory_space<vmem>>, %arg9: memref<128x128xf32, #tpu.memory_space<vmem>>, %arg10: memref<10016x128xf32, #tpu.memory_space<vmem_shared>>, %arg11: memref<!tpu.dma_semaphore, #tpu.memory_space<semaphore_mem>>) attributes {dimension_semantics = [#tpu.dimension_semantics<core_parallel>, #tpu.dimension_semantics<subcore_parallel>], iteration_bounds = array<i64: 2, 16>, scalar_prefetch = 0 : i64, scratch_operands = 5 : i64, tpu.core_type = #tpu.core_type<sc_vector_subcore>, window_params = [{transform_indices = #map}, {transform_indices = #map1}, {transform_indices = #map1}, {transform_indices = #map}, {transform_indices = #map1}]} {
    %mul3A = arith.constant 16 : i32
    %mul3A_0 = arith.muli %arg0, %mul3A : i32
    %add3A = arith.addi %mul3A_0, %arg1 : i32
    %mul3A_1 = arith.constant 624 : i32
    %mul3A_2 = arith.muli %arg1, %mul3A_1 : i32
    %eq3A = arith.constant 15 : i32
    %eq3A_3 = arith.cmpi eq, %arg1, %eq3A : i32
    "tpu.region"() ({
      %run_scoped3A = tpu.sem_alloc : memref<!tpu.dma_semaphore, #tpu.memory_space<semaphore_mem>>
      %dma_start3A = arith.constant 0 : i32
      %dma_start3A_22 = arith.constant 0 : i32
      %dma_start3A_23 = tpu.memref_slice %arg3[%add3A, %dma_start3A, %dma_start3A_22] : memref<32x80x128xi32, #tpu.memory_space<hbm>> -> memref<1x80x128xi32, #tpu.memory_space<hbm>>
      %dma_start3A_24 = tpu.memref_squeeze %dma_start3A_23 : memref<1x80x128xi32, #tpu.memory_space<hbm>> -> memref<80x128xi32, #tpu.memory_space<hbm>>
      %dma_start3A_25 = arith.constant 0 : i32
      %dma_start3A_26 = arith.constant 0 : i32
      %dma_start3A_27 = tpu.memref_slice %arg3[%add3A, %dma_start3A_25, %dma_start3A_26] : memref<32x80x128xi32, #tpu.memory_space<hbm>> -> memref<1x80x128xi32, #tpu.memory_space<hbm>>
      %dma_start3A_28 = tpu.memref_squeeze %dma_start3A_27 : memref<1x80x128xi32, #tpu.memory_space<hbm>> -> memref<80x128xi32, #tpu.memory_space<hbm>>
      tpu.enqueue_dma source(%dma_start3A_28 : memref<80x128xi32, #tpu.memory_space<hbm>>) target(%arg7 : memref<80x128xi32, #tpu.memory_space<vmem>>) target_semaphore(%run_scoped3A : memref<!tpu.dma_semaphore, #tpu.memory_space<semaphore_mem>>)
      %dma_wait3A = arith.constant 0 : i32
      %dma_wait3A_29 = arith.constant 0 : i32
      %dma_wait3A_30 = tpu.memref_slice %arg3[%add3A, %dma_wait3A, %dma_wait3A_29] : memref<32x80x128xi32, #tpu.memory_space<hbm>> -> memref<1x80x128xi32, #tpu.memory_space<hbm>>
      %dma_wait3A_31 = tpu.memref_squeeze %dma_wait3A_30 : memref<1x80x128xi32, #tpu.memory_space<hbm>> -> memref<80x128xi32, #tpu.memory_space<hbm>>
      %dma_wait3A_32 = arith.constant 0 : i32
      %dma_wait3A_33 = arith.constant 0 : i32
      %dma_wait3A_34 = tpu.memref_slice %arg3[%add3A, %dma_wait3A_32, %dma_wait3A_33] : memref<32x80x128xi32, #tpu.memory_space<hbm>> -> memref<1x80x128xi32, #tpu.memory_space<hbm>>
      %dma_wait3A_35 = tpu.memref_squeeze %dma_wait3A_34 : memref<1x80x128xi32, #tpu.memory_space<hbm>> -> memref<80x128xi32, #tpu.memory_space<hbm>>
      tpu.wait_dma2 semaphore(%run_scoped3A : memref<!tpu.dma_semaphore, #tpu.memory_space<semaphore_mem>>) src(%dma_wait3A_35 : memref<80x128xi32, #tpu.memory_space<hbm>>) dst(%arg7 : memref<80x128xi32, #tpu.memory_space<vmem>>)
      tpu.yield
    }) : () -> ()
    "tpu.region"() ({
      %run_scoped3A = tpu.sem_alloc : memref<!tpu.dma_semaphore, #tpu.memory_space<semaphore_mem>>
      %dma_start3A = arith.constant 0 : i32
      %dma_start3A_22 = arith.constant 0 : i32
      %dma_start3A_23 = tpu.memref_slice %arg4[%add3A, %dma_start3A, %dma_start3A_22] : memref<32x80x128xi32, #tpu.memory_space<hbm>> -> memref<1x80x128xi32, #tpu.memory_space<hbm>>
      %dma_start3A_24 = tpu.memref_squeeze %dma_start3A_23 : memref<1x80x128xi32, #tpu.memory_space<hbm>> -> memref<80x128xi32, #tpu.memory_space<hbm>>
      %dma_start3A_25 = arith.constant 0 : i32
      %dma_start3A_26 = arith.constant 0 : i32
      %dma_start3A_27 = tpu.memref_slice %arg4[%add3A, %dma_start3A_25, %dma_start3A_26] : memref<32x80x128xi32, #tpu.memory_space<hbm>> -> memref<1x80x128xi32, #tpu.memory_space<hbm>>
      %dma_start3A_28 = tpu.memref_squeeze %dma_start3A_27 : memref<1x80x128xi32, #tpu.memory_space<hbm>> -> memref<80x128xi32, #tpu.memory_space<hbm>>
      tpu.enqueue_dma source(%dma_start3A_28 : memref<80x128xi32, #tpu.memory_space<hbm>>) target(%arg8 : memref<80x128xi32, #tpu.memory_space<vmem>>) target_semaphore(%run_scoped3A : memref<!tpu.dma_semaphore, #tpu.memory_space<semaphore_mem>>)
      %dma_wait3A = arith.constant 0 : i32
      %dma_wait3A_29 = arith.constant 0 : i32
      %dma_wait3A_30 = tpu.memref_slice %arg4[%add3A, %dma_wait3A, %dma_wait3A_29] : memref<32x80x128xi32, #tpu.memory_space<hbm>> -> memref<1x80x128xi32, #tpu.memory_space<hbm>>
      %dma_wait3A_31 = tpu.memref_squeeze %dma_wait3A_30 : memref<1x80x128xi32, #tpu.memory_space<hbm>> -> memref<80x128xi32, #tpu.memory_space<hbm>>
      %dma_wait3A_32 = arith.constant 0 : i32
      %dma_wait3A_33 = arith.constant 0 : i32
      %dma_wait3A_34 = tpu.memref_slice %arg4[%add3A, %dma_wait3A_32, %dma_wait3A_33] : memref<32x80x128xi32, #tpu.memory_space<hbm>> -> memref<1x80x128xi32, #tpu.memory_space<hbm>>
      %dma_wait3A_35 = tpu.memref_squeeze %dma_wait3A_34 : memref<1x80x128xi32, #tpu.memory_space<hbm>> -> memref<80x128xi32, #tpu.memory_space<hbm>>
      tpu.wait_dma2 semaphore(%run_scoped3A : memref<!tpu.dma_semaphore, #tpu.memory_space<semaphore_mem>>) src(%dma_wait3A_35 : memref<80x128xi32, #tpu.memory_space<hbm>>) dst(%arg8 : memref<80x128xi32, #tpu.memory_space<vmem>>)
      tpu.yield
    }) : () -> ()
    %convert_element_type3A = arith.extui %eq3A_3 : i1 to i32
    %cond3A = arith.constant 0 : i32
    %cond3A_4 = arith.cmpi ne, %convert_element_type3A, %cond3A : i32
    scf.if %cond3A_4 {
      "tpu.region"() ({
        %run_scoped3A = tpu.sem_alloc : memref<!tpu.dma_semaphore, #tpu.memory_space<semaphore_mem>>
        %dma_start3A = arith.constant 0 : i32
        %dma_start3A_22 = tpu.memref_slice %arg10[%mul3A_2, %dma_start3A] : memref<10016x128xf32, #tpu.memory_space<vmem_shared>> -> memref<640x128xf32, #tpu.memory_space<vmem_shared>>
        tpu.enqueue_dma source(%arg5 : memref<640x128xf32, #tpu.memory_space<hbm>>) target(%dma_start3A_22 : memref<640x128xf32, #tpu.memory_space<vmem_shared>>) target_semaphore(%run_scoped3A : memref<!tpu.dma_semaphore, #tpu.memory_space<semaphore_mem>>)
        %dma_wait3A = arith.constant 0 : i32
        %dma_wait3A_23 = tpu.memref_slice %arg10[%mul3A_2, %dma_wait3A] : memref<10016x128xf32, #tpu.memory_space<vmem_shared>> -> memref<640x128xf32, #tpu.memory_space<vmem_shared>>
        tpu.wait_dma2 semaphore(%run_scoped3A : memref<!tpu.dma_semaphore, #tpu.memory_space<semaphore_mem>>) src(%arg5 : memref<640x128xf32, #tpu.memory_space<hbm>>) dst(%dma_wait3A_23 : memref<640x128xf32, #tpu.memory_space<vmem_shared>>)
        tpu.yield
      }) : () -> ()
    } else {
    }
    %not3A = arith.constant true
    %not3A_5 = arith.xori %eq3A_3, %not3A : i1
    %convert_element_type3A_6 = arith.extui %not3A_5 : i1 to i32
    %cond3A_7 = arith.constant 0 : i32
    %cond3A_8 = arith.cmpi ne, %convert_element_type3A_6, %cond3A_7 : i32
    scf.if %cond3A_8 {
      "tpu.region"() ({
        %run_scoped3A = tpu.sem_alloc : memref<!tpu.dma_semaphore, #tpu.memory_space<semaphore_mem>>
        %dma_start3A = arith.constant 0 : i32
        %dma_start3A_22 = tpu.memref_slice %arg10[%mul3A_2, %dma_start3A] : memref<10016x128xf32, #tpu.memory_space<vmem_shared>> -> memref<624x128xf32, #tpu.memory_space<vmem_shared>>
        %dma_start3A_23 = arith.constant 0 : i32
        %dma_start3A_24 = arith.constant 0 : i32
        %dma_start3A_25 = tpu.memref_slice %arg5[%dma_start3A_23, %dma_start3A_24] : memref<640x128xf32, #tpu.memory_space<hbm>> -> memref<624x128xf32, #tpu.memory_space<hbm>>
        tpu.enqueue_dma source(%dma_start3A_25 : memref<624x128xf32, #tpu.memory_space<hbm>>) target(%dma_start3A_22 : memref<624x128xf32, #tpu.memory_space<vmem_shared>>) target_semaphore(%run_scoped3A : memref<!tpu.dma_semaphore, #tpu.memory_space<semaphore_mem>>)
        %dma_wait3A = arith.constant 0 : i32
        %dma_wait3A_26 = tpu.memref_slice %arg10[%mul3A_2, %dma_wait3A] : memref<10016x128xf32, #tpu.memory_space<vmem_shared>> -> memref<624x128xf32, #tpu.memory_space<vmem_shared>>
        %dma_wait3A_27 = arith.constant 0 : i32
        %dma_wait3A_28 = arith.constant 0 : i32
        %dma_wait3A_29 = tpu.memref_slice %arg5[%dma_wait3A_27, %dma_wait3A_28] : memref<640x128xf32, #tpu.memory_space<hbm>> -> memref<624x128xf32, #tpu.memory_space<hbm>>
        tpu.wait_dma2 semaphore(%run_scoped3A : memref<!tpu.dma_semaphore, #tpu.memory_space<semaphore_mem>>) src(%dma_wait3A_29 : memref<624x128xf32, #tpu.memory_space<hbm>>) dst(%dma_wait3A_26 : memref<624x128xf32, #tpu.memory_space<vmem_shared>>)
        tpu.yield
      }) : () -> ()
    } else {
    }
    %barrier3A = arith.constant 0 : index
    tpu.barrier barrier_id(%barrier3A)
    %scan3A = arith.constant 0 : i32
    %scan3A_9 = arith.constant 80 : i32
    %scan3A_10 = arith.addi %scan3A, %scan3A_9 : i32
    %scan3A_11 = arith.constant 1 : i32
    scf.for %scan3A_22 = %scan3A to %scan3A_10 step %scan3A_11  : i32 {
      %dma_start3A = arith.constant 0 : i32
      %dma_start3A_23 = tpu.memref_slice %arg7[%scan3A_22, %dma_start3A] : memref<80x128xi32, #tpu.memory_space<vmem>> -> memref<1x128xi32, #tpu.memory_space<vmem>>
      %dma_start3A_24 = tpu.memref_squeeze %dma_start3A_23 : memref<1x128xi32, #tpu.memory_space<vmem>> -> memref<128xi32, #tpu.memory_space<vmem>>
      %dma_start3A_25 = arith.constant 0 : i32
      %dma_start3A_26 = arith.constant 0 : i32
      %dma_start3A_27 = tpu.memref_slice %arg2[%dma_start3A_25, %dma_start3A_26] : memref<10000x128xf32, #tpu.memory_space<hbm>> -> memref<10000x128xf32, #tpu.memory_space<hbm>>
      tpu.enqueue_indirect_dma source(%dma_start3A_27 : memref<10000x128xf32, #tpu.memory_space<hbm>>) target(%arg9 : memref<128x128xf32, #tpu.memory_space<vmem>>) offsets(%dma_start3A_24 : memref<128xi32, #tpu.memory_space<vmem>>) semaphore(%arg11 : memref<!tpu.dma_semaphore, #tpu.memory_space<semaphore_mem>>)
      %dma_wait3A = arith.constant 0 : i32
      %dma_wait3A_28 = tpu.memref_slice %arg7[%scan3A_22, %dma_wait3A] : memref<80x128xi32, #tpu.memory_space<vmem>> -> memref<1x128xi32, #tpu.memory_space<vmem>>
      %dma_wait3A_29 = tpu.memref_squeeze %dma_wait3A_28 : memref<1x128xi32, #tpu.memory_space<vmem>> -> memref<128xi32, #tpu.memory_space<vmem>>
      %dma_wait3A_30 = arith.constant 0 : i32
      %dma_wait3A_31 = arith.constant 0 : i32
      %dma_wait3A_32 = tpu.memref_slice %arg2[%dma_wait3A_30, %dma_wait3A_31] : memref<10000x128xf32, #tpu.memory_space<hbm>> -> memref<10000x128xf32, #tpu.memory_space<hbm>>
      tpu.wait_indirect_dma semaphore(%arg11 : memref<!tpu.dma_semaphore, #tpu.memory_space<semaphore_mem>>) src(%dma_wait3A_32 : memref<10000x128xf32, #tpu.memory_space<hbm>>) dst(%arg9 : memref<128x128xf32, #tpu.memory_space<vmem>>)
      "tpu.region"() ({
        %run_scoped3A = tpu.sem_alloc : memref<!tpu.dma_semaphore, #tpu.memory_space<semaphore_mem>>
        %dma_start3A_33 = arith.constant 0 : i32
        %dma_start3A_34 = tpu.memref_slice %arg8[%scan3A_22, %dma_start3A_33] : memref<80x128xi32, #tpu.memory_space<vmem>> -> memref<1x128xi32, #tpu.memory_space<vmem>>
        %dma_start3A_35 = tpu.memref_squeeze %dma_start3A_34 : memref<1x128xi32, #tpu.memory_space<vmem>> -> memref<128xi32, #tpu.memory_space<vmem>>
        %dma_start3A_36 = arith.constant 0 : i32
        %dma_start3A_37 = arith.constant 0 : i32
        %dma_start3A_38 = tpu.memref_slice %arg10[%dma_start3A_36, %dma_start3A_37] : memref<10016x128xf32, #tpu.memory_space<vmem_shared>> -> memref<10016x128xf32, #tpu.memory_space<vmem_shared>>
        tpu.enqueue_indirect_dma source(%arg9 : memref<128x128xf32, #tpu.memory_space<vmem>>) target(%dma_start3A_38 : memref<10016x128xf32, #tpu.memory_space<vmem_shared>>) offsets(%dma_start3A_35 : memref<128xi32, #tpu.memory_space<vmem>>) semaphore(%run_scoped3A : memref<!tpu.dma_semaphore, #tpu.memory_space<semaphore_mem>>) {add = true}
        %dma_wait3A_39 = arith.constant 0 : i32
        %dma_wait3A_40 = tpu.memref_slice %arg8[%scan3A_22, %dma_wait3A_39] : memref<80x128xi32, #tpu.memory_space<vmem>> -> memref<1x128xi32, #tpu.memory_space<vmem>>
        %dma_wait3A_41 = tpu.memref_squeeze %dma_wait3A_40 : memref<1x128xi32, #tpu.memory_space<vmem>> -> memref<128xi32, #tpu.memory_space<vmem>>
        %dma_wait3A_42 = arith.constant 0 : i32
        %dma_wait3A_43 = arith.constant 0 : i32
        %dma_wait3A_44 = tpu.memref_slice %arg10[%dma_wait3A_42, %dma_wait3A_43] : memref<10016x128xf32, #tpu.memory_space<vmem_shared>> -> memref<10016x128xf32, #tpu.memory_space<vmem_shared>>
        tpu.wait_indirect_dma semaphore(%run_scoped3A : memref<!tpu.dma_semaphore, #tpu.memory_space<semaphore_mem>>) src(%arg9 : memref<128x128xf32, #tpu.memory_space<vmem>>) dst(%dma_wait3A_44 : memref<10016x128xf32, #tpu.memory_space<vmem_shared>>)
        tpu.yield
      }) : () -> ()
    }
    %scan3A_12 = arith.constant 80 : i32
    %barrier3A_13 = arith.constant 0 : index
    tpu.barrier barrier_id(%barrier3A_13)
    %convert_element_type3A_14 = arith.extui %eq3A_3 : i1 to i32
    %cond3A_15 = arith.constant 0 : i32
    %cond3A_16 = arith.cmpi ne, %convert_element_type3A_14, %cond3A_15 : i32
    scf.if %cond3A_16 {
      "tpu.region"() ({
        %run_scoped3A = tpu.sem_alloc : memref<!tpu.dma_semaphore, #tpu.memory_space<semaphore_mem>>
        %dma_start3A = arith.constant 0 : i32
        %dma_start3A_22 = tpu.memref_slice %arg6[%arg0, %mul3A_2, %dma_start3A] : memref<2x10000x128xf32, #tpu.memory_space<hbm>> -> memref<1x640x128xf32, #tpu.memory_space<hbm>>
        %dma_start3A_23 = tpu.memref_squeeze %dma_start3A_22 : memref<1x640x128xf32, #tpu.memory_space<hbm>> -> memref<640x128xf32, #tpu.memory_space<hbm>>
        %dma_start3A_24 = arith.constant 0 : i32
        %dma_start3A_25 = tpu.memref_slice %arg10[%mul3A_2, %dma_start3A_24] : memref<10016x128xf32, #tpu.memory_space<vmem_shared>> -> memref<640x128xf32, #tpu.memory_space<vmem_shared>>
        tpu.enqueue_dma source(%dma_start3A_25 : memref<640x128xf32, #tpu.memory_space<vmem_shared>>) target(%dma_start3A_23 : memref<640x128xf32, #tpu.memory_space<hbm>>) target_semaphore(%run_scoped3A : memref<!tpu.dma_semaphore, #tpu.memory_space<semaphore_mem>>)
        %dma_wait3A = arith.constant 0 : i32
        %dma_wait3A_26 = tpu.memref_slice %arg6[%arg0, %mul3A_2, %dma_wait3A] : memref<2x10000x128xf32, #tpu.memory_space<hbm>> -> memref<1x640x128xf32, #tpu.memory_space<hbm>>
        %dma_wait3A_27 = tpu.memref_squeeze %dma_wait3A_26 : memref<1x640x128xf32, #tpu.memory_space<hbm>> -> memref<640x128xf32, #tpu.memory_space<hbm>>
        %dma_wait3A_28 = arith.constant 0 : i32
        %dma_wait3A_29 = tpu.memref_slice %arg10[%mul3A_2, %dma_wait3A_28] : memref<10016x128xf32, #tpu.memory_space<vmem_shared>> -> memref<640x128xf32, #tpu.memory_space<vmem_shared>>
        tpu.wait_dma2 semaphore(%run_scoped3A : memref<!tpu.dma_semaphore, #tpu.memory_space<semaphore_mem>>) src(%dma_wait3A_29 : memref<640x128xf32, #tpu.memory_space<vmem_shared>>) dst(%dma_wait3A_27 : memref<640x128xf32, #tpu.memory_space<hbm>>)
        tpu.yield
      }) : () -> ()
    } else {
    }
    %not3A_17 = arith.constant true
    %not3A_18 = arith.xori %eq3A_3, %not3A_17 : i1
    %convert_element_type3A_19 = arith.extui %not3A_18 : i1 to i32
    %cond3A_20 = arith.constant 0 : i32
    %cond3A_21 = arith.cmpi ne, %convert_element_type3A_19, %cond3A_20 : i32
    scf.if %cond3A_21 {
      "tpu.region"() ({
        %run_scoped3A = tpu.sem_alloc : memref<!tpu.dma_semaphore, #tpu.memory_space<semaphore_mem>>
        %dma_start3A = arith.constant 0 : i32
        %dma_start3A_22 = tpu.memref_slice %arg6[%arg0, %mul3A_2, %dma_start3A] : memref<2x10000x128xf32, #tpu.memory_space<hbm>> -> memref<1x624x128xf32, #tpu.memory_space<hbm>>
        %dma_start3A_23 = tpu.memref_squeeze %dma_start3A_22 : memref<1x624x128xf32, #tpu.memory_space<hbm>> -> memref<624x128xf32, #tpu.memory_space<hbm>>
        %dma_start3A_24 = arith.constant 0 : i32
        %dma_start3A_25 = tpu.memref_slice %arg10[%mul3A_2, %dma_start3A_24] : memref<10016x128xf32, #tpu.memory_space<vmem_shared>> -> memref<624x128xf32, #tpu.memory_space<vmem_shared>>
        tpu.enqueue_dma source(%dma_start3A_25 : memref<624x128xf32, #tpu.memory_space<vmem_shared>>) target(%dma_start3A_23 : memref<624x128xf32, #tpu.memory_space<hbm>>) target_semaphore(%run_scoped3A : memref<!tpu.dma_semaphore, #tpu.memory_space<semaphore_mem>>)
        %dma_wait3A = arith.constant 0 : i32
        %dma_wait3A_26 = tpu.memref_slice %arg6[%arg0, %mul3A_2, %dma_wait3A] : memref<2x10000x128xf32, #tpu.memory_space<hbm>> -> memref<1x624x128xf32, #tpu.memory_space<hbm>>
        %dma_wait3A_27 = tpu.memref_squeeze %dma_wait3A_26 : memref<1x624x128xf32, #tpu.memory_space<hbm>> -> memref<624x128xf32, #tpu.memory_space<hbm>>
        %dma_wait3A_28 = arith.constant 0 : i32
        %dma_wait3A_29 = tpu.memref_slice %arg10[%mul3A_2, %dma_wait3A_28] : memref<10016x128xf32, #tpu.memory_space<vmem_shared>> -> memref<624x128xf32, #tpu.memory_space<vmem_shared>>
        tpu.wait_dma2 semaphore(%run_scoped3A : memref<!tpu.dma_semaphore, #tpu.memory_space<semaphore_mem>>) src(%dma_wait3A_29 : memref<624x128xf32, #tpu.memory_space<vmem_shared>>) dst(%dma_wait3A_27 : memref<624x128xf32, #tpu.memory_space<hbm>>)
        tpu.yield
      }) : () -> ()
    } else {
    }
    return
  }
}

module attributes {stable_mosaic.version = 14 : i64} {
  func.func @_stage_a(%arg0: i32, %arg1: memref<1000x128xf32, #tpu.memory_space<vmem>>, %arg2: memref<3x1000x128xf32, #tpu.memory_space<vmem>>, %arg3: memref<128x128xf32, #tpu.memory_space<vmem>>, %arg4: memref<1x128xf32, #tpu.memory_space<vmem>>, %arg5: memref<128x128xf32, #tpu.memory_space<vmem>>, %arg6: memref<128x1xf32, #tpu.memory_space<vmem>>, %arg7: memref<128x128xf32, #tpu.memory_space<vmem>>, %arg8: memref<1x128xf32, #tpu.memory_space<vmem>>, %arg9: memref<128x128xf32, #tpu.memory_space<vmem>>, %arg10: memref<1x128xf32, #tpu.memory_space<vmem>>, %arg11: memref<128x128xf32, #tpu.memory_space<vmem>>, %arg12: memref<1x128xf32, #tpu.memory_space<vmem>>, %arg13: memref<1000x128xf32, #tpu.memory_space<vmem>>, %arg14: memref<1000x128xf32, #tpu.memory_space<vmem>>, %arg15: memref<1000x128xf32, #tpu.memory_space<vmem>>, %arg16: memref<1000x128xf32, #tpu.memory_space<vmem>>) attributes {dimension_semantics = [#tpu.dimension_semantics<arbitrary>], iteration_bounds = array<i64: 10>, scalar_prefetch = 0 : i64, scratch_operands = 0 : i64, tpu.core_type = #tpu.core_type<tc>, window_params = [{transform_indices = @transform_0, window_bounds = array<i64: 1000, 128>}, {transform_indices = @transform_1, window_bounds = array<i64: 3, 1000, 128>}, {pipeline_mode = #tpu.pipeline_mode<synchronous>, transform_indices = @transform_2, window_bounds = array<i64: 128, 128>}, {pipeline_mode = #tpu.pipeline_mode<synchronous>, transform_indices = @transform_3, window_bounds = array<i64: 1, 128>}, {pipeline_mode = #tpu.pipeline_mode<synchronous>, transform_indices = @transform_4, window_bounds = array<i64: 128, 128>}, {pipeline_mode = #tpu.pipeline_mode<synchronous>, transform_indices = @transform_5, window_bounds = array<i64: 128, 1>}, {pipeline_mode = #tpu.pipeline_mode<synchronous>, transform_indices = @transform_6, window_bounds = array<i64: 128, 128>}, {pipeline_mode = #tpu.pipeline_mode<synchronous>, transform_indices = @transform_7, window_bounds = array<i64: 1, 128>}, {pipeline_mode = #tpu.pipeline_mode<synchronous>, transform_indices = @transform_8, window_bounds = array<i64: 128, 128>}, {pipeline_mode = #tpu.pipeline_mode<synchronous>, transform_indices = @transform_9, window_bounds = array<i64: 1, 128>}, {pipeline_mode = #tpu.pipeline_mode<synchronous>, transform_indices = @transform_10, window_bounds = array<i64: 128, 128>}, {pipeline_mode = #tpu.pipeline_mode<synchronous>, transform_indices = @transform_11, window_bounds = array<i64: 1, 128>}, {transform_indices = @transform_12, window_bounds = array<i64: 1000, 128>}, {transform_indices = @transform_13, window_bounds = array<i64: 1000, 128>}, {transform_indices = @transform_14, window_bounds = array<i64: 1000, 128>}, {transform_indices = @transform_15, window_bounds = array<i64: 1000, 128>}]} {
    %get3A = arith.constant 0 : index
    %get3A_0 = arith.constant 0 : index
    %get3A_1 = vector.load %arg1[%get3A, %get3A_0] : memref<1000x128xf32, #tpu.memory_space<vmem>>, vector<1000x128xf32>
    %get3A_2 = arith.constant 0 : index
    %get3A_3 = arith.constant 0 : index
    %get3A_4 = vector.load %arg3[%get3A_2, %get3A_3] : memref<128x128xf32, #tpu.memory_space<vmem>>, vector<128x128xf32>
    %dot_general3A = arith.constant dense<0.000000e+00> : vector<1000x128xf32>
    %dot_general3A_5 = tpu.matmul %get3A_1, %get3A_4, %dot_general3A {dimension_numbers = #tpu.dot_dimension_numbers<[1], [0], [0], [1], [0, 0, 1, 1], [], []>, precision = #tpu.contract_precision<fp32>, transpose_lhs_hint = false} : vector<1000x128xf32>, vector<128x128xf32>, vector<1000x128xf32> -> vector<1000x128xf32>
    %get3A_6 = arith.constant 0 : index
    %get3A_7 = arith.constant 0 : index
    %get3A_8 = vector.load %arg4[%get3A_6, %get3A_7] : memref<1x128xf32, #tpu.memory_space<vmem>>, vector<1x128xf32>
    %add3A = vector.broadcast %get3A_8 : vector<1x128xf32> to vector<1000x128xf32>
    %add3A_9 = arith.addf %dot_general3A_5, %add3A : vector<1000x128xf32>
    %get3A_10 = arith.constant 0 : index
    %get3A_11 = arith.constant 0 : index
    %get3A_12 = arith.constant 0 : index
    %get3A_13 = vector.load %arg2[%get3A_10, %get3A_11, %get3A_12] : memref<3x1000x128xf32, #tpu.memory_space<vmem>>, vector<3x1000x128xf32>
    %slice3A = vector.extract_strided_slice %get3A_13 {offsets = [0, 0, 0], sizes = [1, 1000, 128], strides = [1, 1, 1]} : vector<3x1000x128xf32> to vector<1x1000x128xf32>
    %squeeze3A = vector.shape_cast %slice3A : vector<1x1000x128xf32> to vector<1000x128xf32>
    %get3A_14 = arith.constant 0 : index
    %get3A_15 = arith.constant 0 : index
    %get3A_16 = vector.load %arg5[%get3A_14, %get3A_15] : memref<128x128xf32, #tpu.memory_space<vmem>>, vector<128x128xf32>
    %dot_general3A_17 = arith.constant dense<0.000000e+00> : vector<1000x128xf32>
    %dot_general3A_18 = tpu.matmul %squeeze3A, %get3A_16, %dot_general3A_17 {dimension_numbers = #tpu.dot_dimension_numbers<[1], [0], [0], [1], [0, 0, 1, 1], [], []>, precision = #tpu.contract_precision<fp32>, transpose_lhs_hint = false} : vector<1000x128xf32>, vector<128x128xf32>, vector<1000x128xf32> -> vector<1000x128xf32>
    %tanh3A = math.tanh %dot_general3A_18 : vector<1000x128xf32>
    %get3A_19 = arith.constant 0 : index
    %get3A_20 = arith.constant 0 : index
    %get3A_21 = vector.load %arg6[%get3A_19, %get3A_20] : memref<128x1xf32, #tpu.memory_space<vmem>>, vector<128x1xf32>
    %dot_general3A_22 = arith.constant dense<0.000000e+00> : vector<1000x1xf32>
    %dot_general3A_23 = tpu.matmul %tanh3A, %get3A_21, %dot_general3A_22 {dimension_numbers = #tpu.dot_dimension_numbers<[1], [0], [0], [1], [0, 0, 1, 1], [], []>, precision = #tpu.contract_precision<fp32>, transpose_lhs_hint = false} : vector<1000x128xf32>, vector<128x1xf32>, vector<1000x1xf32> -> vector<1000x1xf32>
    %slice3A_24 = vector.extract_strided_slice %get3A_13 {offsets = [1, 0, 0], sizes = [1, 1000, 128], strides = [1, 1, 1]} : vector<3x1000x128xf32> to vector<1x1000x128xf32>
    %squeeze3A_25 = vector.shape_cast %slice3A_24 : vector<1x1000x128xf32> to vector<1000x128xf32>
    %get3A_26 = arith.constant 0 : index
    %get3A_27 = arith.constant 0 : index
    %get3A_28 = vector.load %arg5[%get3A_26, %get3A_27] : memref<128x128xf32, #tpu.memory_space<vmem>>, vector<128x128xf32>
    %dot_general3A_29 = arith.constant dense<0.000000e+00> : vector<1000x128xf32>
    %dot_general3A_30 = tpu.matmul %squeeze3A_25, %get3A_28, %dot_general3A_29 {dimension_numbers = #tpu.dot_dimension_numbers<[1], [0], [0], [1], [0, 0, 1, 1], [], []>, precision = #tpu.contract_precision<fp32>, transpose_lhs_hint = false} : vector<1000x128xf32>, vector<128x128xf32>, vector<1000x128xf32> -> vector<1000x128xf32>
    %tanh3A_31 = math.tanh %dot_general3A_30 : vector<1000x128xf32>
    %get3A_32 = arith.constant 0 : index
    %get3A_33 = arith.constant 0 : index
    %get3A_34 = vector.load %arg6[%get3A_32, %get3A_33] : memref<128x1xf32, #tpu.memory_space<vmem>>, vector<128x1xf32>
    %dot_general3A_35 = arith.constant dense<0.000000e+00> : vector<1000x1xf32>
    %dot_general3A_36 = tpu.matmul %tanh3A_31, %get3A_34, %dot_general3A_35 {dimension_numbers = #tpu.dot_dimension_numbers<[1], [0], [0], [1], [0, 0, 1, 1], [], []>, precision = #tpu.contract_precision<fp32>, transpose_lhs_hint = false} : vector<1000x128xf32>, vector<128x1xf32>, vector<1000x1xf32> -> vector<1000x1xf32>
    %slice3A_37 = vector.extract_strided_slice %get3A_13 {offsets = [2, 0, 0], sizes = [1, 1000, 128], strides = [1, 1, 1]} : vector<3x1000x128xf32> to vector<1x1000x128xf32>
    %squeeze3A_38 = vector.shape_cast %slice3A_37 : vector<1x1000x128xf32> to vector<1000x128xf32>
    %get3A_39 = arith.constant 0 : index
    %get3A_40 = arith.constant 0 : index
    %get3A_41 = vector.load %arg5[%get3A_39, %get3A_40] : memref<128x128xf32, #tpu.memory_space<vmem>>, vector<128x128xf32>
    %dot_general3A_42 = arith.constant dense<0.000000e+00> : vector<1000x128xf32>
    %dot_general3A_43 = tpu.matmul %squeeze3A_38, %get3A_41, %dot_general3A_42 {dimension_numbers = #tpu.dot_dimension_numbers<[1], [0], [0], [1], [0, 0, 1, 1], [], []>, precision = #tpu.contract_precision<fp32>, transpose_lhs_hint = false} : vector<1000x128xf32>, vector<128x128xf32>, vector<1000x128xf32> -> vector<1000x128xf32>
    %tanh3A_44 = math.tanh %dot_general3A_43 : vector<1000x128xf32>
    %get3A_45 = arith.constant 0 : index
    %get3A_46 = arith.constant 0 : index
    %get3A_47 = vector.load %arg6[%get3A_45, %get3A_46] : memref<128x1xf32, #tpu.memory_space<vmem>>, vector<128x1xf32>
    %dot_general3A_48 = arith.constant dense<0.000000e+00> : vector<1000x1xf32>
    %dot_general3A_49 = tpu.matmul %tanh3A_44, %get3A_47, %dot_general3A_48 {dimension_numbers = #tpu.dot_dimension_numbers<[1], [0], [0], [1], [0, 0, 1, 1], [], []>, precision = #tpu.contract_precision<fp32>, transpose_lhs_hint = false} : vector<1000x128xf32>, vector<128x1xf32>, vector<1000x1xf32> -> vector<1000x1xf32>
    %max3A = arith.maximumf %dot_general3A_23, %dot_general3A_36 : vector<1000x1xf32>
    %max3A_50 = arith.maximumf %max3A, %dot_general3A_49 : vector<1000x1xf32>
    %sub3A = arith.subf %dot_general3A_23, %max3A_50 : vector<1000x1xf32>
    %exp3A = math.exp %sub3A : vector<1000x1xf32>
    %sub3A_51 = arith.subf %dot_general3A_36, %max3A_50 : vector<1000x1xf32>
    %exp3A_52 = math.exp %sub3A_51 : vector<1000x1xf32>
    %sub3A_53 = arith.subf %dot_general3A_49, %max3A_50 : vector<1000x1xf32>
    %exp3A_54 = math.exp %sub3A_53 : vector<1000x1xf32>
    %add3A_55 = arith.addf %exp3A, %exp3A_52 : vector<1000x1xf32>
    %add3A_56 = arith.addf %add3A_55, %exp3A_54 : vector<1000x1xf32>
    %mul3A = arith.constant 3.000000e+00 : f32
    %mul3A_57 = vector.broadcast %mul3A : f32 to vector<1000x1xf32>
    %mul3A_58 = arith.mulf %mul3A_57, %add3A_56 : vector<1000x1xf32>
    %slice3A_59 = vector.extract_strided_slice %get3A_13 {offsets = [0, 0, 0], sizes = [1, 1000, 128], strides = [1, 1, 1]} : vector<3x1000x128xf32> to vector<1x1000x128xf32>
    %squeeze3A_60 = vector.shape_cast %slice3A_59 : vector<1x1000x128xf32> to vector<1000x128xf32>
    %mul3A_61 = vector.broadcast %exp3A : vector<1000x1xf32> to vector<1000x128xf32>
    %mul3A_62 = arith.mulf %mul3A_61, %squeeze3A_60 : vector<1000x128xf32>
    %slice3A_63 = vector.extract_strided_slice %get3A_13 {offsets = [1, 0, 0], sizes = [1, 1000, 128], strides = [1, 1, 1]} : vector<3x1000x128xf32> to vector<1x1000x128xf32>
    %squeeze3A_64 = vector.shape_cast %slice3A_63 : vector<1x1000x128xf32> to vector<1000x128xf32>
    %mul3A_65 = vector.broadcast %exp3A_52 : vector<1000x1xf32> to vector<1000x128xf32>
    %mul3A_66 = arith.mulf %mul3A_65, %squeeze3A_64 : vector<1000x128xf32>
    %add3A_67 = arith.addf %mul3A_62, %mul3A_66 : vector<1000x128xf32>
    %slice3A_68 = vector.extract_strided_slice %get3A_13 {offsets = [2, 0, 0], sizes = [1, 1000, 128], strides = [1, 1, 1]} : vector<3x1000x128xf32> to vector<1x1000x128xf32>
    %squeeze3A_69 = vector.shape_cast %slice3A_68 : vector<1x1000x128xf32> to vector<1000x128xf32>
    %mul3A_70 = vector.broadcast %exp3A_54 : vector<1000x1xf32> to vector<1000x128xf32>
    %mul3A_71 = arith.mulf %mul3A_70, %squeeze3A_69 : vector<1000x128xf32>
    %add3A_72 = arith.addf %add3A_67, %mul3A_71 : vector<1000x128xf32>
    %div3A = vector.broadcast %mul3A_58 : vector<1000x1xf32> to vector<1000x128xf32>
    %div3A_73 = arith.divf %add3A_72, %div3A : vector<1000x128xf32>
    %get3A_74 = arith.constant 0 : index
    %get3A_75 = arith.constant 0 : index
    %get3A_76 = vector.load %arg7[%get3A_74, %get3A_75] : memref<128x128xf32, #tpu.memory_space<vmem>>, vector<128x128xf32>
    %dot_general3A_77 = arith.constant dense<0.000000e+00> : vector<1000x128xf32>
    %dot_general3A_78 = tpu.matmul %div3A_73, %get3A_76, %dot_general3A_77 {dimension_numbers = #tpu.dot_dimension_numbers<[1], [0], [0], [1], [0, 0, 1, 1], [], []>, precision = #tpu.contract_precision<fp32>, transpose_lhs_hint = false} : vector<1000x128xf32>, vector<128x128xf32>, vector<1000x128xf32> -> vector<1000x128xf32>
    %get3A_79 = arith.constant 0 : index
    %get3A_80 = arith.constant 0 : index
    %get3A_81 = vector.load %arg8[%get3A_79, %get3A_80] : memref<1x128xf32, #tpu.memory_space<vmem>>, vector<1x128xf32>
    %add3A_82 = vector.broadcast %get3A_81 : vector<1x128xf32> to vector<1000x128xf32>
    %add3A_83 = arith.addf %dot_general3A_78, %add3A_82 : vector<1000x128xf32>
    %max3A_84 = arith.constant 0.000000e+00 : f32
    %max3A_85 = vector.broadcast %max3A_84 : f32 to vector<1000x128xf32>
    %max3A_86 = arith.maximumf %add3A_83, %max3A_85 : vector<1000x128xf32>
    %swap3A = arith.constant 0 : index
    %swap3A_87 = arith.constant 0 : index
    %swap3A_88 = vector.load %arg13[%swap3A, %swap3A_87] : memref<1000x128xf32, #tpu.memory_space<vmem>>, vector<1000x128xf32>
    tpu.vector_store %arg13[%swap3A, %swap3A_87], %add3A_9 {strides = array<i32>} : memref<1000x128xf32, #tpu.memory_space<vmem>>, vector<1000x128xf32>,
    %swap3A_89 = arith.constant 0 : index
    %swap3A_90 = arith.constant 0 : index
    %swap3A_91 = vector.load %arg14[%swap3A_89, %swap3A_90] : memref<1000x128xf32, #tpu.memory_space<vmem>>, vector<1000x128xf32>
    tpu.vector_store %arg14[%swap3A_89, %swap3A_90], %div3A_73 {strides = array<i32>} : memref<1000x128xf32, #tpu.memory_space<vmem>>, vector<1000x128xf32>,
    %get3A_92 = arith.constant 0 : index
    %get3A_93 = arith.constant 0 : index
    %get3A_94 = vector.load %arg9[%get3A_92, %get3A_93] : memref<128x128xf32, #tpu.memory_space<vmem>>, vector<128x128xf32>
    %dot_general3A_95 = arith.constant dense<0.000000e+00> : vector<1000x128xf32>
    %dot_general3A_96 = tpu.matmul %max3A_86, %get3A_94, %dot_general3A_95 {dimension_numbers = #tpu.dot_dimension_numbers<[1], [0], [0], [1], [0, 0, 1, 1], [], []>, precision = #tpu.contract_precision<fp32>, transpose_lhs_hint = false} : vector<1000x128xf32>, vector<128x128xf32>, vector<1000x128xf32> -> vector<1000x128xf32>
    %get3A_97 = arith.constant 0 : index
    %get3A_98 = arith.constant 0 : index
    %get3A_99 = vector.load %arg10[%get3A_97, %get3A_98] : memref<1x128xf32, #tpu.memory_space<vmem>>, vector<1x128xf32>
    %add3A_100 = vector.broadcast %get3A_99 : vector<1x128xf32> to vector<1000x128xf32>
    %add3A_101 = arith.addf %dot_general3A_96, %add3A_100 : vector<1000x128xf32>
    %swap3A_102 = arith.constant 0 : index
    %swap3A_103 = arith.constant 0 : index
    %swap3A_104 = vector.load %arg15[%swap3A_102, %swap3A_103] : memref<1000x128xf32, #tpu.memory_space<vmem>>, vector<1000x128xf32>
    tpu.vector_store %arg15[%swap3A_102, %swap3A_103], %add3A_101 {strides = array<i32>} : memref<1000x128xf32, #tpu.memory_space<vmem>>, vector<1000x128xf32>,
    %get3A_105 = arith.constant 0 : index
    %get3A_106 = arith.constant 0 : index
    %get3A_107 = vector.load %arg11[%get3A_105, %get3A_106] : memref<128x128xf32, #tpu.memory_space<vmem>>, vector<128x128xf32>
    %dot_general3A_108 = arith.constant dense<0.000000e+00> : vector<1000x128xf32>
    %dot_general3A_109 = tpu.matmul %max3A_86, %get3A_107, %dot_general3A_108 {dimension_numbers = #tpu.dot_dimension_numbers<[1], [0], [0], [1], [0, 0, 1, 1], [], []>, precision = #tpu.contract_precision<fp32>, transpose_lhs_hint = false} : vector<1000x128xf32>, vector<128x128xf32>, vector<1000x128xf32> -> vector<1000x128xf32>
    %get3A_110 = arith.constant 0 : index
    %get3A_111 = arith.constant 0 : index
    %get3A_112 = vector.load %arg12[%get3A_110, %get3A_111] : memref<1x128xf32, #tpu.memory_space<vmem>>, vector<1x128xf32>
    %add3A_113 = vector.broadcast %get3A_112 : vector<1x128xf32> to vector<1000x128xf32>
    %add3A_114 = arith.addf %dot_general3A_109, %add3A_113 : vector<1000x128xf32>
    %max3A_115 = arith.constant 0.000000e+00 : f32
    %max3A_116 = vector.broadcast %max3A_115 : f32 to vector<1000x128xf32>
    %max3A_117 = arith.maximumf %add3A_114, %max3A_116 : vector<1000x128xf32>
    %abs3A = math.absf %add3A_114 : vector<1000x128xf32>
    %neg3A = arith.constant 0.000000e+00 : f32
    %neg3A_118 = vector.broadcast %neg3A : f32 to vector<1000x128xf32>
    %neg3A_119 = arith.subf %neg3A_118, %abs3A : vector<1000x128xf32>
    %exp3A_120 = math.exp %neg3A_119 : vector<1000x128xf32>
    %log1p3A = math.log1p %exp3A_120 : vector<1000x128xf32>
    %add3A_121 = arith.addf %max3A_117, %log1p3A : vector<1000x128xf32>
    %swap3A_122 = arith.constant 0 : index
    %swap3A_123 = arith.constant 0 : index
    %swap3A_124 = vector.load %arg16[%swap3A_122, %swap3A_123] : memref<1000x128xf32, #tpu.memory_space<vmem>>, vector<1000x128xf32>
    tpu.vector_store %arg16[%swap3A_122, %swap3A_123], %add3A_121 {strides = array<i32>} : memref<1000x128xf32, #tpu.memory_space<vmem>>, vector<1000x128xf32>,
    return
  }
  func.func @transform_0(%arg0: i32) -> (i32, i32) {
    %c0_i32 = arith.constant 0 : i32
    %c0_i32_0 = arith.constant 0 : i32
    return %arg0, %c0_i32 : i32, i32
  }
  func.func @transform_1(%arg0: i32) -> (i32, i32, i32) {
    %c0_i32 = arith.constant 0 : i32
    %c0_i32_0 = arith.constant 0 : i32
    %c0_i32_1 = arith.constant 0 : i32
    return %c0_i32, %arg0, %c0_i32_0 : i32, i32, i32
  }
  func.func @transform_2(%arg0: i32) -> (i32, i32) {
    %c0_i32 = arith.constant 0 : i32
    %c0_i32_0 = arith.constant 0 : i32
    %c0_i32_1 = arith.constant 0 : i32
    return %c0_i32, %c0_i32_0 : i32, i32
  }
  func.func @transform_3(%arg0: i32) -> (i32, i32) {
    %c0_i32 = arith.constant 0 : i32
    %c0_i32_0 = arith.constant 0 : i32
    %c0_i32_1 = arith.constant 0 : i32
    return %c0_i32, %c0_i32_0 : i32, i32
  }
  func.func @transform_4(%arg0: i32) -> (i32, i32) {
    %c0_i32 = arith.constant 0 : i32
    %c0_i32_0 = arith.constant 0 : i32
    %c0_i32_1 = arith.constant 0 : i32
    return %c0_i32, %c0_i32_0 : i32, i32
  }
  func.func @transform_5(%arg0: i32) -> (i32, i32) {
    %c0_i32 = arith.constant 0 : i32
    %c0_i32_0 = arith.constant 0 : i32
    %c0_i32_1 = arith.constant 0 : i32
    return %c0_i32, %c0_i32_0 : i32, i32
  }
  func.func @transform_6(%arg0: i32) -> (i32, i32) {
    %c0_i32 = arith.constant 0 : i32
    %c0_i32_0 = arith.constant 0 : i32
    %c0_i32_1 = arith.constant 0 : i32
    return %c0_i32, %c0_i32_0 : i32, i32
  }
  func.func @transform_7(%arg0: i32) -> (i32, i32) {
    %c0_i32 = arith.constant 0 : i32
    %c0_i32_0 = arith.constant 0 : i32
    %c0_i32_1 = arith.constant 0 : i32
    return %c0_i32, %c0_i32_0 : i32, i32
  }
  func.func @transform_8(%arg0: i32) -> (i32, i32) {
    %c0_i32 = arith.constant 0 : i32
    %c0_i32_0 = arith.constant 0 : i32
    %c0_i32_1 = arith.constant 0 : i32
    return %c0_i32, %c0_i32_0 : i32, i32
  }
  func.func @transform_9(%arg0: i32) -> (i32, i32) {
    %c0_i32 = arith.constant 0 : i32
    %c0_i32_0 = arith.constant 0 : i32
    %c0_i32_1 = arith.constant 0 : i32
    return %c0_i32, %c0_i32_0 : i32, i32
  }
  func.func @transform_10(%arg0: i32) -> (i32, i32) {
    %c0_i32 = arith.constant 0 : i32
    %c0_i32_0 = arith.constant 0 : i32
    %c0_i32_1 = arith.constant 0 : i32
    return %c0_i32, %c0_i32_0 : i32, i32
  }
  func.func @transform_11(%arg0: i32) -> (i32, i32) {
    %c0_i32 = arith.constant 0 : i32
    %c0_i32_0 = arith.constant 0 : i32
    %c0_i32_1 = arith.constant 0 : i32
    return %c0_i32, %c0_i32_0 : i32, i32
  }
  func.func @transform_12(%arg0: i32) -> (i32, i32) {
    %c0_i32 = arith.constant 0 : i32
    %c0_i32_0 = arith.constant 0 : i32
    return %arg0, %c0_i32 : i32, i32
  }
  func.func @transform_13(%arg0: i32) -> (i32, i32) {
    %c0_i32 = arith.constant 0 : i32
    %c0_i32_0 = arith.constant 0 : i32
    return %arg0, %c0_i32 : i32, i32
  }
  func.func @transform_14(%arg0: i32) -> (i32, i32) {
    %c0_i32 = arith.constant 0 : i32
    %c0_i32_0 = arith.constant 0 : i32
    return %arg0, %c0_i32 : i32, i32
  }
  func.func @transform_15(%arg0: i32) -> (i32, i32) {
    %c0_i32 = arith.constant 0 : i32
    %c0_i32_0 = arith.constant 0 : i32
    return %arg0, %c0_i32 : i32, i32
  }
}

module attributes {stable_mosaic.version = 14 : i64} {
  func.func @_stage_deg(%arg0: i32, %arg1: memref<32x80x128xf32, #tpu.memory_space<vmem>>, %arg2: memref<80x128xf32, #tpu.memory_space<vmem>>, %arg3: memref<80x128xf32, #tpu.memory_space<vmem>>) attributes {dimension_semantics = [#tpu.dimension_semantics<arbitrary>], iteration_bounds = array<i64: 1>, scalar_prefetch = 0 : i64, scratch_operands = 0 : i64, tpu.core_type = #tpu.core_type<tc>, window_params = [{pipeline_mode = #tpu.pipeline_mode<synchronous>, transform_indices = @transform_0, window_bounds = array<i64: 32, 80, 128>}, {pipeline_mode = #tpu.pipeline_mode<synchronous>, transform_indices = @transform_1, window_bounds = array<i64: 80, 128>}, {pipeline_mode = #tpu.pipeline_mode<synchronous>, transform_indices = @transform_2, window_bounds = array<i64: 80, 128>}]} {
    %get3A = arith.constant 0 : index
    %get3A_0 = arith.constant 0 : index
    %get3A_1 = arith.constant 0 : index
    %get3A_2 = vector.load %arg1[%get3A, %get3A_0, %get3A_1] : memref<32x80x128xf32, #tpu.memory_space<vmem>>, vector<32x80x128xf32>
    %reduce_sum3A = arith.constant dense<0.000000e+00> : vector<80x128xf32>
    %reduce_sum3A_3 = vector.multi_reduction <add>, %get3A_2, %reduce_sum3A [0] : vector<32x80x128xf32> to vector<80x128xf32>
    %max3A = arith.constant 1.000000e+00 : f32
    %max3A_4 = vector.broadcast %max3A : f32 to vector<80x128xf32>
    %max3A_5 = arith.maximumf %reduce_sum3A_3, %max3A_4 : vector<80x128xf32>
    %div3A = arith.constant 1.000000e+00 : f32
    %div3A_6 = vector.broadcast %div3A : f32 to vector<80x128xf32>
    %div3A_7 = arith.divf %div3A_6, %max3A_5 : vector<80x128xf32>
    %swap3A = arith.constant 0 : index
    %swap3A_8 = arith.constant 0 : index
    %swap3A_9 = vector.load %arg2[%swap3A, %swap3A_8] : memref<80x128xf32, #tpu.memory_space<vmem>>, vector<80x128xf32>
    tpu.vector_store %arg2[%swap3A, %swap3A_8], %div3A_7 {strides = array<i32>} : memref<80x128xf32, #tpu.memory_space<vmem>>, vector<80x128xf32>,
    %gt3A = arith.constant 0.000000e+00 : f32
    %gt3A_10 = vector.broadcast %gt3A : f32 to vector<80x128xf32>
    %gt3A_11 = arith.cmpf ogt, %reduce_sum3A_3, %gt3A_10 : vector<80x128xf32>
    %convert_element_type3A = arith.extui %gt3A_11 : vector<80x128xi1> to vector<80x128xi32>
    %convert_element_type3A_12 = arith.sitofp %convert_element_type3A : vector<80x128xi32> to vector<80x128xf32>
    %swap3A_13 = arith.constant 0 : index
    %swap3A_14 = arith.constant 0 : index
    %swap3A_15 = vector.load %arg3[%swap3A_13, %swap3A_14] : memref<80x128xf32, #tpu.memory_space<vmem>>, vector<80x128xf32>
    tpu.vector_store %arg3[%swap3A_13, %swap3A_14], %convert_element_type3A_12 {strides = array<i32>} : memref<80x128xf32, #tpu.memory_space<vmem>>, vector<80x128xf32>,
    return
  }
  func.func @transform_0(%arg0: i32) -> (i32, i32, i32) {
    %c0_i32 = arith.constant 0 : i32
    %c0_i32_0 = arith.constant 0 : i32
    %c0_i32_1 = arith.constant 0 : i32
    %c0_i32_2 = arith.constant 0 : i32
    return %c0_i32, %c0_i32_0, %c0_i32_1 : i32, i32, i32
  }
  func.func @transform_1(%arg0: i32) -> (i32, i32) {
    %c0_i32 = arith.constant 0 : i32
    %c0_i32_0 = arith.constant 0 : i32
    %c0_i32_1 = arith.constant 0 : i32
    return %c0_i32, %c0_i32_0 : i32, i32
  }
  func.func @transform_2(%arg0: i32) -> (i32, i32) {
    %c0_i32 = arith.constant 0 : i32
    %c0_i32_0 = arith.constant 0 : i32
    %c0_i32_1 = arith.constant 0 : i32
    return %c0_i32, %c0_i32_0 : i32, i32
  }
}

module attributes {stable_mosaic.version = 14 : i64} {
  func.func @_stage_b(%arg0: i32, %arg1: memref<2x1000x128xf32, #tpu.memory_space<vmem>>, %arg2: memref<2x1000x128xf32, #tpu.memory_space<vmem>>, %arg3: memref<1000x1xf32, #tpu.memory_space<vmem>>, %arg4: memref<1000x1xf32, #tpu.memory_space<vmem>>, %arg5: memref<128x128xf32, #tpu.memory_space<vmem>>, %arg6: memref<128x128xf32, #tpu.memory_space<vmem>>, %arg7: memref<1x128xf32, #tpu.memory_space<vmem>>, %arg8: memref<1000x128xf32, #tpu.memory_space<vmem>>) attributes {dimension_semantics = [#tpu.dimension_semantics<arbitrary>], iteration_bounds = array<i64: 10>, scalar_prefetch = 0 : i64, scratch_operands = 0 : i64, tpu.core_type = #tpu.core_type<tc>, window_params = [{transform_indices = @transform_0, window_bounds = array<i64: 2, 1000, 128>}, {transform_indices = @transform_1, window_bounds = array<i64: 2, 1000, 128>}, {transform_indices = @transform_2, window_bounds = array<i64: 1000, 1>}, {transform_indices = @transform_3, window_bounds = array<i64: 1000, 1>}, {pipeline_mode = #tpu.pipeline_mode<synchronous>, transform_indices = @transform_4, window_bounds = array<i64: 128, 128>}, {pipeline_mode = #tpu.pipeline_mode<synchronous>, transform_indices = @transform_5, window_bounds = array<i64: 128, 128>}, {pipeline_mode = #tpu.pipeline_mode<synchronous>, transform_indices = @transform_6, window_bounds = array<i64: 1, 128>}, {transform_indices = @transform_7, window_bounds = array<i64: 1000, 128>}]} {
    %get3A = arith.constant 0 : index
    %get3A_0 = arith.constant 0 : index
    %get3A_1 = arith.constant 0 : index
    %get3A_2 = vector.load %arg1[%get3A, %get3A_0, %get3A_1] : memref<2x1000x128xf32, #tpu.memory_space<vmem>>, vector<1x1000x128xf32>
    %get3A_3 = vector.shape_cast %get3A_2 : vector<1x1000x128xf32> to vector<1000x128xf32>
    %get3A_4 = arith.constant 1 : index
    %get3A_5 = arith.constant 0 : index
    %get3A_6 = arith.constant 0 : index
    %get3A_7 = vector.load %arg1[%get3A_4, %get3A_5, %get3A_6] : memref<2x1000x128xf32, #tpu.memory_space<vmem>>, vector<1x1000x128xf32>
    %get3A_8 = vector.shape_cast %get3A_7 : vector<1x1000x128xf32> to vector<1000x128xf32>
    %add3A = arith.addf %get3A_3, %get3A_8 : vector<1000x128xf32>
    %get3A_9 = arith.constant 0 : index
    %get3A_10 = arith.constant 0 : index
    %get3A_11 = arith.constant 0 : index
    %get3A_12 = vector.load %arg2[%get3A_9, %get3A_10, %get3A_11] : memref<2x1000x128xf32, #tpu.memory_space<vmem>>, vector<1x1000x128xf32>
    %get3A_13 = vector.shape_cast %get3A_12 : vector<1x1000x128xf32> to vector<1000x128xf32>
    %get3A_14 = arith.constant 1 : index
    %get3A_15 = arith.constant 0 : index
    %get3A_16 = arith.constant 0 : index
    %get3A_17 = vector.load %arg2[%get3A_14, %get3A_15, %get3A_16] : memref<2x1000x128xf32, #tpu.memory_space<vmem>>, vector<1x1000x128xf32>
    %get3A_18 = vector.shape_cast %get3A_17 : vector<1x1000x128xf32> to vector<1000x128xf32>
    %add3A_19 = arith.addf %get3A_13, %get3A_18 : vector<1000x128xf32>
    %get3A_20 = arith.constant 0 : index
    %get3A_21 = arith.constant 0 : index
    %get3A_22 = vector.load %arg5[%get3A_20, %get3A_21] : memref<128x128xf32, #tpu.memory_space<vmem>>, vector<128x128xf32>
    %dot_general3A = arith.constant dense<0.000000e+00> : vector<1000x128xf32>
    %dot_general3A_23 = tpu.matmul %add3A, %get3A_22, %dot_general3A {dimension_numbers = #tpu.dot_dimension_numbers<[1], [0], [0], [1], [0, 0, 1, 1], [], []>, precision = #tpu.contract_precision<fp32>, transpose_lhs_hint = false} : vector<1000x128xf32>, vector<128x128xf32>, vector<1000x128xf32> -> vector<1000x128xf32>
    %get3A_24 = arith.constant 0 : index
    %get3A_25 = arith.constant 0 : index
    %get3A_26 = vector.load %arg6[%get3A_24, %get3A_25] : memref<128x128xf32, #tpu.memory_space<vmem>>, vector<128x128xf32>
    %dot_general3A_27 = arith.constant dense<0.000000e+00> : vector<1000x128xf32>
    %dot_general3A_28 = tpu.matmul %add3A_19, %get3A_26, %dot_general3A_27 {dimension_numbers = #tpu.dot_dimension_numbers<[1], [0], [0], [1], [0, 0, 1, 1], [], []>, precision = #tpu.contract_precision<fp32>, transpose_lhs_hint = false} : vector<1000x128xf32>, vector<128x128xf32>, vector<1000x128xf32> -> vector<1000x128xf32>
    %add3A_29 = arith.addf %dot_general3A_23, %dot_general3A_28 : vector<1000x128xf32>
    %get3A_30 = arith.constant 0 : index
    %get3A_31 = arith.constant 0 : index
    %get3A_32 = vector.load %arg3[%get3A_30, %get3A_31] : memref<1000x1xf32, #tpu.memory_space<vmem>>, vector<1000x1xf32>
    %mul3A = vector.broadcast %get3A_32 : vector<1000x1xf32> to vector<1000x128xf32>
    %mul3A_33 = arith.mulf %add3A_29, %mul3A : vector<1000x128xf32>
    %get3A_34 = arith.constant 0 : index
    %get3A_35 = arith.constant 0 : index
    %get3A_36 = vector.load %arg4[%get3A_34, %get3A_35] : memref<1000x1xf32, #tpu.memory_space<vmem>>, vector<1000x1xf32>
    %get3A_37 = arith.constant 0 : index
    %get3A_38 = arith.constant 0 : index
    %get3A_39 = vector.load %arg7[%get3A_37, %get3A_38] : memref<1x128xf32, #tpu.memory_space<vmem>>, vector<1x128xf32>
    %mul3A_40 = vector.broadcast %get3A_36 : vector<1000x1xf32> to vector<1000x128xf32>
    %mul3A_41 = vector.broadcast %get3A_39 : vector<1x128xf32> to vector<1000x128xf32>
    %mul3A_42 = arith.mulf %mul3A_40, %mul3A_41 : vector<1000x128xf32>
    %add3A_43 = arith.addf %mul3A_33, %mul3A_42 : vector<1000x128xf32>
    %max3A = arith.constant 0.000000e+00 : f32
    %max3A_44 = vector.broadcast %max3A : f32 to vector<1000x128xf32>
    %max3A_45 = arith.maximumf %add3A_43, %max3A_44 : vector<1000x128xf32>
    %swap3A = arith.constant 0 : index
    %swap3A_46 = arith.constant 0 : index
    %swap3A_47 = vector.load %arg8[%swap3A, %swap3A_46] : memref<1000x128xf32, #tpu.memory_space<vmem>>, vector<1000x128xf32>
    tpu.vector_store %arg8[%swap3A, %swap3A_46], %max3A_45 {strides = array<i32>} : memref<1000x128xf32, #tpu.memory_space<vmem>>, vector<1000x128xf32>,
    return
  }
  func.func @transform_0(%arg0: i32) -> (i32, i32, i32) {
    %c0_i32 = arith.constant 0 : i32
    %c0_i32_0 = arith.constant 0 : i32
    %c0_i32_1 = arith.constant 0 : i32
    return %c0_i32, %arg0, %c0_i32_0 : i32, i32, i32
  }
  func.func @transform_1(%arg0: i32) -> (i32, i32, i32) {
    %c0_i32 = arith.constant 0 : i32
    %c0_i32_0 = arith.constant 0 : i32
    %c0_i32_1 = arith.constant 0 : i32
    return %c0_i32, %arg0, %c0_i32_0 : i32, i32, i32
  }
  func.func @transform_2(%arg0: i32) -> (i32, i32) {
    %c0_i32 = arith.constant 0 : i32
    %c0_i32_0 = arith.constant 0 : i32
    return %arg0, %c0_i32 : i32, i32
  }
  func.func @transform_3(%arg0: i32) -> (i32, i32) {
    %c0_i32 = arith.constant 0 : i32
    %c0_i32_0 = arith.constant 0 : i32
    return %arg0, %c0_i32 : i32, i32
  }
  func.func @transform_4(%arg0: i32) -> (i32, i32) {
    %c0_i32 = arith.constant 0 : i32
    %c0_i32_0 = arith.constant 0 : i32
    %c0_i32_1 = arith.constant 0 : i32
    return %c0_i32, %c0_i32_0 : i32, i32
  }
  func.func @transform_5(%arg0: i32) -> (i32, i32) {
    %c0_i32 = arith.constant 0 : i32
    %c0_i32_0 = arith.constant 0 : i32
    %c0_i32_1 = arith.constant 0 : i32
    return %c0_i32, %c0_i32_0 : i32, i32
  }
  func.func @transform_6(%arg0: i32) -> (i32, i32) {
    %c0_i32 = arith.constant 0 : i32
    %c0_i32_0 = arith.constant 0 : i32
    %c0_i32_1 = arith.constant 0 : i32
    return %c0_i32, %c0_i32_0 : i32, i32
  }
  func.func @transform_7(%arg0: i32) -> (i32, i32) {
    %c0_i32 = arith.constant 0 : i32
    %c0_i32_0 = arith.constant 0 : i32
    return %arg0, %c0_i32 : i32, i32
  }
}

module attributes {stable_mosaic.version = 14 : i64} {
  func.func @_stage_c(%arg0: i32, %arg1: memref<2x1000x128xf32, #tpu.memory_space<vmem>>, %arg2: memref<1000x1xf32, #tpu.memory_space<vmem>>, %arg3: memref<1000x1xf32, #tpu.memory_space<vmem>>, %arg4: memref<1000x128xf32, #tpu.memory_space<vmem>>, %arg5: memref<128x128xf32, #tpu.memory_space<vmem>>, %arg6: memref<1x128xf32, #tpu.memory_space<vmem>>, %arg7: memref<128x128xf32, #tpu.memory_space<vmem>>, %arg8: memref<1x128xf32, #tpu.memory_space<vmem>>, %arg9: memref<128x128xf32, #tpu.memory_space<vmem>>, %arg10: memref<1x128xf32, #tpu.memory_space<vmem>>, %arg11: memref<1000x128xf32, #tpu.memory_space<vmem>>, %arg12: memref<1000x128xf32, #tpu.memory_space<vmem>>, %arg13: memref<1000x128xf32, #tpu.memory_space<vmem>>, %arg14: memref<1x1xf32, #tpu.memory_space<vmem>>) attributes {dimension_semantics = [#tpu.dimension_semantics<arbitrary>], iteration_bounds = array<i64: 10>, scalar_prefetch = 0 : i64, scratch_operands = 0 : i64, tpu.core_type = #tpu.core_type<tc>, window_params = [{transform_indices = @transform_0, window_bounds = array<i64: 2, 1000, 128>}, {transform_indices = @transform_1, window_bounds = array<i64: 1000, 1>}, {transform_indices = @transform_2, window_bounds = array<i64: 1000, 1>}, {transform_indices = @transform_3, window_bounds = array<i64: 1000, 128>}, {pipeline_mode = #tpu.pipeline_mode<synchronous>, transform_indices = @transform_4, window_bounds = array<i64: 128, 128>}, {pipeline_mode = #tpu.pipeline_mode<synchronous>, transform_indices = @transform_5, window_bounds = array<i64: 1, 128>}, {pipeline_mode = #tpu.pipeline_mode<synchronous>, transform_indices = @transform_6, window_bounds = array<i64: 128, 128>}, {pipeline_mode = #tpu.pipeline_mode<synchronous>, transform_indices = @transform_7, window_bounds = array<i64: 1, 128>}, {pipeline_mode = #tpu.pipeline_mode<synchronous>, transform_indices = @transform_8, window_bounds = array<i64: 128, 128>}, {pipeline_mode = #tpu.pipeline_mode<synchronous>, transform_indices = @transform_9, window_bounds = array<i64: 1, 128>}, {transform_indices = @transform_10, window_bounds = array<i64: 1000, 128>}, {transform_indices = @transform_11, window_bounds = array<i64: 1000, 128>}, {transform_indices = @transform_12, window_bounds = array<i64: 1000, 128>}, {pipeline_mode = #tpu.pipeline_mode<synchronous>, transform_indices = @transform_13, window_bounds = array<i64: 1, 1>}]} {
    %get3A = arith.constant 0 : index
    %get3A_0 = arith.constant 0 : index
    %get3A_1 = arith.constant 0 : index
    %get3A_2 = vector.load %arg1[%get3A, %get3A_0, %get3A_1] : memref<2x1000x128xf32, #tpu.memory_space<vmem>>, vector<1x1000x128xf32>
    %get3A_3 = vector.shape_cast %get3A_2 : vector<1x1000x128xf32> to vector<1000x128xf32>
    %get3A_4 = arith.constant 1 : index
    %get3A_5 = arith.constant 0 : index
    %get3A_6 = arith.constant 0 : index
    %get3A_7 = vector.load %arg1[%get3A_4, %get3A_5, %get3A_6] : memref<2x1000x128xf32, #tpu.memory_space<vmem>>, vector<1x1000x128xf32>
    %get3A_8 = vector.shape_cast %get3A_7 : vector<1x1000x128xf32> to vector<1000x128xf32>
    %add3A = arith.addf %get3A_3, %get3A_8 : vector<1000x128xf32>
    %get3A_9 = arith.constant 0 : index
    %get3A_10 = arith.constant 0 : index
    %get3A_11 = vector.load %arg2[%get3A_9, %get3A_10] : memref<1000x1xf32, #tpu.memory_space<vmem>>, vector<1000x1xf32>
    %mul3A = vector.broadcast %get3A_11 : vector<1000x1xf32> to vector<1000x128xf32>
    %mul3A_12 = arith.mulf %add3A, %mul3A : vector<1000x128xf32>
    %get3A_13 = arith.constant 0 : index
    %get3A_14 = arith.constant 0 : index
    %get3A_15 = vector.load %arg3[%get3A_13, %get3A_14] : memref<1000x1xf32, #tpu.memory_space<vmem>>, vector<1000x1xf32>
    %get3A_16 = arith.constant 0 : index
    %get3A_17 = arith.constant 0 : index
    %get3A_18 = vector.load %arg5[%get3A_16, %get3A_17] : memref<128x128xf32, #tpu.memory_space<vmem>>, vector<128x128xf32>
    %dot_general3A = arith.constant dense<0.000000e+00> : vector<1000x128xf32>
    %dot_general3A_19 = tpu.matmul %mul3A_12, %get3A_18, %dot_general3A {dimension_numbers = #tpu.dot_dimension_numbers<[1], [0], [0], [1], [0, 0, 1, 1], [], []>, precision = #tpu.contract_precision<fp32>, transpose_lhs_hint = false} : vector<1000x128xf32>, vector<128x128xf32>, vector<1000x128xf32> -> vector<1000x128xf32>
    %get3A_20 = arith.constant 0 : index
    %get3A_21 = arith.constant 0 : index
    %get3A_22 = vector.load %arg6[%get3A_20, %get3A_21] : memref<1x128xf32, #tpu.memory_space<vmem>>, vector<1x128xf32>
    %mul3A_23 = vector.broadcast %get3A_15 : vector<1000x1xf32> to vector<1000x128xf32>
    %mul3A_24 = vector.broadcast %get3A_22 : vector<1x128xf32> to vector<1000x128xf32>
    %mul3A_25 = arith.mulf %mul3A_23, %mul3A_24 : vector<1000x128xf32>
    %add3A_26 = arith.addf %dot_general3A_19, %mul3A_25 : vector<1000x128xf32>
    %get3A_27 = arith.constant 0 : index
    %get3A_28 = arith.constant 0 : index
    %get3A_29 = vector.load %arg7[%get3A_27, %get3A_28] : memref<128x128xf32, #tpu.memory_space<vmem>>, vector<128x128xf32>
    %dot_general3A_30 = arith.constant dense<0.000000e+00> : vector<1000x128xf32>
    %dot_general3A_31 = tpu.matmul %mul3A_12, %get3A_29, %dot_general3A_30 {dimension_numbers = #tpu.dot_dimension_numbers<[1], [0], [0], [1], [0, 0, 1, 1], [], []>, precision = #tpu.contract_precision<fp32>, transpose_lhs_hint = false} : vector<1000x128xf32>, vector<128x128xf32>, vector<1000x128xf32> -> vector<1000x128xf32>
    %get3A_32 = arith.constant 0 : index
    %get3A_33 = arith.constant 0 : index
    %get3A_34 = vector.load %arg8[%get3A_32, %get3A_33] : memref<1x128xf32, #tpu.memory_space<vmem>>, vector<1x128xf32>
    %mul3A_35 = vector.broadcast %get3A_15 : vector<1000x1xf32> to vector<1000x128xf32>
    %mul3A_36 = vector.broadcast %get3A_34 : vector<1x128xf32> to vector<1000x128xf32>
    %mul3A_37 = arith.mulf %mul3A_35, %mul3A_36 : vector<1000x128xf32>
    %add3A_38 = arith.addf %dot_general3A_31, %mul3A_37 : vector<1000x128xf32>
    %max3A = arith.constant 0.000000e+00 : f32
    %max3A_39 = vector.broadcast %max3A : f32 to vector<1000x128xf32>
    %max3A_40 = arith.maximumf %add3A_38, %max3A_39 : vector<1000x128xf32>
    %abs3A = math.absf %add3A_38 : vector<1000x128xf32>
    %neg3A = arith.constant 0.000000e+00 : f32
    %neg3A_41 = vector.broadcast %neg3A : f32 to vector<1000x128xf32>
    %neg3A_42 = arith.subf %neg3A_41, %abs3A : vector<1000x128xf32>
    %exp3A = math.exp %neg3A_42 : vector<1000x128xf32>
    %log1p3A = math.log1p %exp3A : vector<1000x128xf32>
    %add3A_43 = arith.addf %max3A_40, %log1p3A : vector<1000x128xf32>
    %get3A_44 = arith.constant 0 : index
    %get3A_45 = arith.constant 0 : index
    %get3A_46 = vector.load %arg4[%get3A_44, %get3A_45] : memref<1000x128xf32, #tpu.memory_space<vmem>>, vector<1000x128xf32>
    %mul3A_47 = arith.mulf %get3A_46, %add3A_43 : vector<1000x128xf32>
    %add3A_48 = arith.addf %mul3A_47, %add3A_26 : vector<1000x128xf32>
    %get3A_49 = arith.constant 0 : index
    %get3A_50 = arith.constant 0 : index
    %get3A_51 = vector.load %arg9[%get3A_49, %get3A_50] : memref<128x128xf32, #tpu.memory_space<vmem>>, vector<128x128xf32>
    %dot_general3A_52 = arith.constant dense<0.000000e+00> : vector<1000x128xf32>
    %dot_general3A_53 = tpu.matmul %add3A_48, %get3A_51, %dot_general3A_52 {dimension_numbers = #tpu.dot_dimension_numbers<[1], [0], [0], [1], [0, 0, 1, 1], [], []>, precision = #tpu.contract_precision<fp32>, transpose_lhs_hint = false} : vector<1000x128xf32>, vector<128x128xf32>, vector<1000x128xf32> -> vector<1000x128xf32>
    %get3A_54 = arith.constant 0 : index
    %get3A_55 = arith.constant 0 : index
    %get3A_56 = vector.load %arg10[%get3A_54, %get3A_55] : memref<1x128xf32, #tpu.memory_space<vmem>>, vector<1x128xf32>
    %add3A_57 = vector.broadcast %get3A_56 : vector<1x128xf32> to vector<1000x128xf32>
    %add3A_58 = arith.addf %dot_general3A_53, %add3A_57 : vector<1000x128xf32>
    %swap3A = arith.constant 0 : index
    %swap3A_59 = arith.constant 0 : index
    %swap3A_60 = vector.load %arg13[%swap3A, %swap3A_59] : memref<1000x128xf32, #tpu.memory_space<vmem>>, vector<1000x128xf32>
    tpu.vector_store %arg13[%swap3A, %swap3A_59], %add3A_58 {strides = array<i32>} : memref<1000x128xf32, #tpu.memory_space<vmem>>, vector<1000x128xf32>,
    %get3A_61 = arith.constant 0 : index
    %get3A_62 = arith.constant 0 : index
    %get3A_63 = vector.load %arg11[%get3A_61, %get3A_62] : memref<1000x128xf32, #tpu.memory_space<vmem>>, vector<1000x128xf32>
    %get3A_64 = arith.constant 0 : index
    %get3A_65 = arith.constant 0 : index
    %get3A_66 = vector.load %arg12[%get3A_64, %get3A_65] : memref<1000x128xf32, #tpu.memory_space<vmem>>, vector<1000x128xf32>
    %add3A_67 = arith.constant 1.000000e-10 : f32
    %add3A_68 = vector.broadcast %add3A_67 : f32 to vector<1000x128xf32>
    %add3A_69 = arith.addf %get3A_66, %add3A_68 : vector<1000x128xf32>
    %log3A = math.log %add3A_69 : vector<1000x128xf32>
    %mul3A_70 = arith.constant 2.000000e+00 : f32
    %mul3A_71 = vector.broadcast %mul3A_70 : f32 to vector<1000x128xf32>
    %mul3A_72 = arith.mulf %mul3A_71, %log3A : vector<1000x128xf32>
    %add3A_73 = arith.constant 1.000000e-10 : f32
    %add3A_74 = vector.broadcast %add3A_73 : f32 to vector<1000x128xf32>
    %add3A_75 = arith.addf %add3A_43, %add3A_74 : vector<1000x128xf32>
    %log3A_76 = math.log %add3A_75 : vector<1000x128xf32>
    %mul3A_77 = arith.constant 2.000000e+00 : f32
    %mul3A_78 = vector.broadcast %mul3A_77 : f32 to vector<1000x128xf32>
    %mul3A_79 = arith.mulf %mul3A_78, %log3A_76 : vector<1000x128xf32>
    %sub3A = arith.subf %mul3A_72, %mul3A_79 : vector<1000x128xf32>
    %add3A_80 = arith.constant 1.000000e-10 : f32
    %add3A_81 = vector.broadcast %add3A_80 : f32 to vector<1000x128xf32>
    %add3A_82 = arith.addf %add3A_43, %add3A_81 : vector<1000x128xf32>
    %integer_pow3A = arith.mulf %add3A_82, %add3A_82 : vector<1000x128xf32>
    %sub3A_83 = arith.subf %add3A_26, %get3A_63 : vector<1000x128xf32>
    %integer_pow3A_84 = arith.mulf %sub3A_83, %sub3A_83 : vector<1000x128xf32>
    %add3A_85 = arith.addf %integer_pow3A, %integer_pow3A_84 : vector<1000x128xf32>
    %add3A_86 = arith.constant 1.000000e-10 : f32
    %add3A_87 = vector.broadcast %add3A_86 : f32 to vector<1000x128xf32>
    %add3A_88 = arith.addf %get3A_66, %add3A_87 : vector<1000x128xf32>
    %integer_pow3A_89 = arith.mulf %add3A_88, %add3A_88 : vector<1000x128xf32>
    %div3A = arith.divf %add3A_85, %integer_pow3A_89 : vector<1000x128xf32>
    %add3A_90 = arith.addf %sub3A, %div3A : vector<1000x128xf32>
    %sub3A_91 = arith.constant 1.000000e+00 : f32
    %sub3A_92 = vector.broadcast %sub3A_91 : f32 to vector<1000x128xf32>
    %sub3A_93 = arith.subf %add3A_90, %sub3A_92 : vector<1000x128xf32>
    %broadcast_in_dim3A = arith.constant 5.000000e-09 : f32
    %broadcast_in_dim3A_94 = vector.broadcast %broadcast_in_dim3A : f32 to vector<1x1xf32>
    %reduce_sum3A = vector.shape_cast %sub3A_93 : vector<1000x128xf32> to vector<1x1000x128xf32>
    %reduce_sum3A_95 = arith.constant dense<0.000000e+00> : vector<1xf32>
    %reduce_sum3A_96 = vector.multi_reduction <add>, %reduce_sum3A, %reduce_sum3A_95 [1, 2] : vector<1x1000x128xf32> to vector<1xf32>
    %reduce_sum3A_97 = vector.shape_cast %reduce_sum3A_96 : vector<1xf32> to vector<1x1x1xf32>
    %reduce_sum3A_98 = vector.extract %reduce_sum3A_97[0, 0, 0] : f32 from vector<1x1x1xf32>
    %mul3A_99 = vector.broadcast %reduce_sum3A_98 : f32 to vector<1x1xf32>
    %mul3A_100 = arith.mulf %broadcast_in_dim3A_94, %mul3A_99 : vector<1x1xf32>
    %eq3A = arith.constant 0 : i32
    %eq3A_101 = arith.cmpi eq, %arg0, %eq3A : i32
    %convert_element_type3A = arith.extui %eq3A_101 : i1 to i32
    %cond3A = arith.constant 0 : i32
    %cond3A_102 = arith.cmpi ne, %convert_element_type3A, %cond3A : i32
    scf.if %cond3A_102 {
      %broadcast_in_dim3A_110 = arith.constant 0.000000e+00 : f32
      %broadcast_in_dim3A_111 = vector.broadcast %broadcast_in_dim3A_110 : f32 to vector<1x1xf32>
      %swap3A_112 = arith.constant 0 : index
      %swap3A_113 = arith.constant 0 : index
      %swap3A_114 = vector.load %arg14[%swap3A_112, %swap3A_113] : memref<1x1xf32, #tpu.memory_space<vmem>>, vector<1x1xf32>
      tpu.vector_store %arg14[%swap3A_112, %swap3A_113], %broadcast_in_dim3A_111 {strides = array<i32>} : memref<1x1xf32, #tpu.memory_space<vmem>>, vector<1x1xf32>,
    } else {
    }
    %get3A_103 = arith.constant 0 : index
    %get3A_104 = arith.constant 0 : index
    %get3A_105 = vector.load %arg14[%get3A_103, %get3A_104] : memref<1x1xf32, #tpu.memory_space<vmem>>, vector<1x1xf32>
    %add3A_106 = arith.addf %get3A_105, %mul3A_100 : vector<1x1xf32>
    %swap3A_107 = arith.constant 0 : index
    %swap3A_108 = arith.constant 0 : index
    %swap3A_109 = vector.load %arg14[%swap3A_107, %swap3A_108] : memref<1x1xf32, #tpu.memory_space<vmem>>, vector<1x1xf32>
    tpu.vector_store %arg14[%swap3A_107, %swap3A_108], %add3A_106 {strides = array<i32>} : memref<1x1xf32, #tpu.memory_space<vmem>>, vector<1x1xf32>,
    return
  }
  func.func @transform_0(%arg0: i32) -> (i32, i32, i32) {
    %c0_i32 = arith.constant 0 : i32
    %c0_i32_0 = arith.constant 0 : i32
    %c0_i32_1 = arith.constant 0 : i32
    return %c0_i32, %arg0, %c0_i32_0 : i32, i32, i32
  }
  func.func @transform_1(%arg0: i32) -> (i32, i32) {
    %c0_i32 = arith.constant 0 : i32
    %c0_i32_0 = arith.constant 0 : i32
    return %arg0, %c0_i32 : i32, i32
  }
  func.func @transform_2(%arg0: i32) -> (i32, i32) {
    %c0_i32 = arith.constant 0 : i32
    %c0_i32_0 = arith.constant 0 : i32
    return %arg0, %c0_i32 : i32, i32
  }
  func.func @transform_3(%arg0: i32) -> (i32, i32) {
    %c0_i32 = arith.constant 0 : i32
    %c0_i32_0 = arith.constant 0 : i32
    return %arg0, %c0_i32 : i32, i32
  }
  func.func @transform_4(%arg0: i32) -> (i32, i32) {
    %c0_i32 = arith.constant 0 : i32
    %c0_i32_0 = arith.constant 0 : i32
    %c0_i32_1 = arith.constant 0 : i32
    return %c0_i32, %c0_i32_0 : i32, i32
  }
  func.func @transform_5(%arg0: i32) -> (i32, i32) {
    %c0_i32 = arith.constant 0 : i32
    %c0_i32_0 = arith.constant 0 : i32
    %c0_i32_1 = arith.constant 0 : i32
    return %c0_i32, %c0_i32_0 : i32, i32
  }
  func.func @transform_6(%arg0: i32) -> (i32, i32) {
    %c0_i32 = arith.constant 0 : i32
    %c0_i32_0 = arith.constant 0 : i32
    %c0_i32_1 = arith.constant 0 : i32
    return %c0_i32, %c0_i32_0 : i32, i32
  }
  func.func @transform_7(%arg0: i32) -> (i32, i32) {
    %c0_i32 = arith.constant 0 : i32
    %c0_i32_0 = arith.constant 0 : i32
    %c0_i32_1 = arith.constant 0 : i32
    return %c0_i32, %c0_i32_0 : i32, i32
  }
  func.func @transform_8(%arg0: i32) -> (i32, i32) {
    %c0_i32 = arith.constant 0 : i32
    %c0_i32_0 = arith.constant 0 : i32
    %c0_i32_1 = arith.constant 0 : i32
    return %c0_i32, %c0_i32_0 : i32, i32
  }
  func.func @transform_9(%arg0: i32) -> (i32, i32) {
    %c0_i32 = arith.constant 0 : i32
    %c0_i32_0 = arith.constant 0 : i32
    %c0_i32_1 = arith.constant 0 : i32
    return %c0_i32, %c0_i32_0 : i32, i32
  }
  func.func @transform_10(%arg0: i32) -> (i32, i32) {
    %c0_i32 = arith.constant 0 : i32
    %c0_i32_0 = arith.constant 0 : i32
    return %arg0, %c0_i32 : i32, i32
  }
  func.func @transform_11(%arg0: i32) -> (i32, i32) {
    %c0_i32 = arith.constant 0 : i32
    %c0_i32_0 = arith.constant 0 : i32
    return %arg0, %c0_i32 : i32, i32
  }
  func.func @transform_12(%arg0: i32) -> (i32, i32) {
    %c0_i32 = arith.constant 0 : i32
    %c0_i32_0 = arith.constant 0 : i32
    return %arg0, %c0_i32 : i32, i32
  }
  func.func @transform_13(%arg0: i32) -> (i32, i32) {
    %c0_i32 = arith.constant 0 : i32
    %c0_i32_0 = arith.constant 0 : i32
    %c0_i32_1 = arith.constant 0 : i32
    return %c0_i32, %c0_i32_0 : i32, i32
  }
}

module attributes {stable_mosaic.version = 14 : i64} {
  func.func @_stage_d(%arg0: i32, %arg1: memref<2x1000x128xf32, #tpu.memory_space<vmem>>, %arg2: memref<2x1000x128xf32, #tpu.memory_space<vmem>>, %arg3: memref<2x1000x128xf32, #tpu.memory_space<vmem>>, %arg4: memref<1000x1xf32, #tpu.memory_space<vmem>>, %arg5: memref<1000x1xf32, #tpu.memory_space<vmem>>, %arg6: memref<1000x128xf32, #tpu.memory_space<vmem>>, %arg7: memref<128x384xf32, #tpu.memory_space<vmem>>, %arg8: memref<128x384xf32, #tpu.memory_space<vmem>>, %arg9: memref<128x256xf32, #tpu.memory_space<vmem>>, %arg10: memref<1x384xf32, #tpu.memory_space<vmem>>, %arg11: memref<1000x128xf32, #tpu.memory_space<vmem>>, %arg12: memref<1000x128xf32, #tpu.memory_space<vmem>>, %arg13: memref<1000x128xf32, #tpu.memory_space<vmem>>) attributes {dimension_semantics = [#tpu.dimension_semantics<arbitrary>], iteration_bounds = array<i64: 10>, scalar_prefetch = 0 : i64, scratch_operands = 0 : i64, tpu.core_type = #tpu.core_type<tc>, window_params = [{transform_indices = @transform_0, window_bounds = array<i64: 2, 1000, 128>}, {transform_indices = @transform_1, window_bounds = array<i64: 2, 1000, 128>}, {transform_indices = @transform_2, window_bounds = array<i64: 2, 1000, 128>}, {transform_indices = @transform_3, window_bounds = array<i64: 1000, 1>}, {transform_indices = @transform_4, window_bounds = array<i64: 1000, 1>}, {transform_indices = @transform_5, window_bounds = array<i64: 1000, 128>}, {pipeline_mode = #tpu.pipeline_mode<synchronous>, transform_indices = @transform_6, window_bounds = array<i64: 128, 384>}, {pipeline_mode = #tpu.pipeline_mode<synchronous>, transform_indices = @transform_7, window_bounds = array<i64: 128, 384>}, {pipeline_mode = #tpu.pipeline_mode<synchronous>, transform_indices = @transform_8, window_bounds = array<i64: 128, 256>}, {pipeline_mode = #tpu.pipeline_mode<synchronous>, transform_indices = @transform_9, window_bounds = array<i64: 1, 384>}, {transform_indices = @transform_10, window_bounds = array<i64: 1000, 128>}, {transform_indices = @transform_11, window_bounds = array<i64: 1000, 128>}, {transform_indices = @transform_12, window_bounds = array<i64: 1000, 128>}]} {
    %get3A = arith.constant 0 : index
    %get3A_0 = arith.constant 0 : index
    %get3A_1 = vector.load %arg4[%get3A, %get3A_0] : memref<1000x1xf32, #tpu.memory_space<vmem>>, vector<1000x1xf32>
    %get3A_2 = arith.constant 0 : index
    %get3A_3 = arith.constant 0 : index
    %get3A_4 = vector.load %arg5[%get3A_2, %get3A_3] : memref<1000x1xf32, #tpu.memory_space<vmem>>, vector<1000x1xf32>
    %get3A_5 = arith.constant 0 : index
    %get3A_6 = arith.constant 0 : index
    %get3A_7 = arith.constant 0 : index
    %get3A_8 = vector.load %arg1[%get3A_5, %get3A_6, %get3A_7] : memref<2x1000x128xf32, #tpu.memory_space<vmem>>, vector<1x1000x128xf32>
    %get3A_9 = vector.shape_cast %get3A_8 : vector<1x1000x128xf32> to vector<1000x128xf32>
    %get3A_10 = arith.constant 1 : index
    %get3A_11 = arith.constant 0 : index
    %get3A_12 = arith.constant 0 : index
    %get3A_13 = vector.load %arg1[%get3A_10, %get3A_11, %get3A_12] : memref<2x1000x128xf32, #tpu.memory_space<vmem>>, vector<1x1000x128xf32>
    %get3A_14 = vector.shape_cast %get3A_13 : vector<1x1000x128xf32> to vector<1000x128xf32>
    %add3A = arith.addf %get3A_9, %get3A_14 : vector<1000x128xf32>
    %get3A_15 = arith.constant 0 : index
    %get3A_16 = arith.constant 0 : index
    %get3A_17 = vector.load %arg7[%get3A_15, %get3A_16] : memref<128x384xf32, #tpu.memory_space<vmem>>, vector<128x384xf32>
    %dot_general3A = arith.constant dense<0.000000e+00> : vector<1000x384xf32>
    %dot_general3A_18 = tpu.matmul %add3A, %get3A_17, %dot_general3A {dimension_numbers = #tpu.dot_dimension_numbers<[1], [0], [0], [1], [0, 0, 1, 1], [], []>, precision = #tpu.contract_precision<fp32>, transpose_lhs_hint = false} : vector<1000x128xf32>, vector<128x384xf32>, vector<1000x384xf32> -> vector<1000x384xf32>
    %get3A_19 = arith.constant 0 : index
    %get3A_20 = arith.constant 0 : index
    %get3A_21 = arith.constant 0 : index
    %get3A_22 = vector.load %arg2[%get3A_19, %get3A_20, %get3A_21] : memref<2x1000x128xf32, #tpu.memory_space<vmem>>, vector<1x1000x128xf32>
    %get3A_23 = vector.shape_cast %get3A_22 : vector<1x1000x128xf32> to vector<1000x128xf32>
    %get3A_24 = arith.constant 1 : index
    %get3A_25 = arith.constant 0 : index
    %get3A_26 = arith.constant 0 : index
    %get3A_27 = vector.load %arg2[%get3A_24, %get3A_25, %get3A_26] : memref<2x1000x128xf32, #tpu.memory_space<vmem>>, vector<1x1000x128xf32>
    %get3A_28 = vector.shape_cast %get3A_27 : vector<1x1000x128xf32> to vector<1000x128xf32>
    %add3A_29 = arith.addf %get3A_23, %get3A_28 : vector<1000x128xf32>
    %get3A_30 = arith.constant 0 : index
    %get3A_31 = arith.constant 0 : index
    %get3A_32 = vector.load %arg8[%get3A_30, %get3A_31] : memref<128x384xf32, #tpu.memory_space<vmem>>, vector<128x384xf32>
    %dot_general3A_33 = arith.constant dense<0.000000e+00> : vector<1000x384xf32>
    %dot_general3A_34 = tpu.matmul %add3A_29, %get3A_32, %dot_general3A_33 {dimension_numbers = #tpu.dot_dimension_numbers<[1], [0], [0], [1], [0, 0, 1, 1], [], []>, precision = #tpu.contract_precision<fp32>, transpose_lhs_hint = false} : vector<1000x128xf32>, vector<128x384xf32>, vector<1000x384xf32> -> vector<1000x384xf32>
    %add3A_35 = arith.addf %dot_general3A_18, %dot_general3A_34 : vector<1000x384xf32>
    %get3A_36 = arith.constant 0 : index
    %get3A_37 = arith.constant 0 : index
    %get3A_38 = arith.constant 0 : index
    %get3A_39 = vector.load %arg3[%get3A_36, %get3A_37, %get3A_38] : memref<2x1000x128xf32, #tpu.memory_space<vmem>>, vector<1x1000x128xf32>
    %get3A_40 = vector.shape_cast %get3A_39 : vector<1x1000x128xf32> to vector<1000x128xf32>
    %get3A_41 = arith.constant 1 : index
    %get3A_42 = arith.constant 0 : index
    %get3A_43 = arith.constant 0 : index
    %get3A_44 = vector.load %arg3[%get3A_41, %get3A_42, %get3A_43] : memref<2x1000x128xf32, #tpu.memory_space<vmem>>, vector<1x1000x128xf32>
    %get3A_45 = vector.shape_cast %get3A_44 : vector<1x1000x128xf32> to vector<1000x128xf32>
    %add3A_46 = arith.addf %get3A_40, %get3A_45 : vector<1000x128xf32>
    %get3A_47 = arith.constant 0 : index
    %get3A_48 = arith.constant 0 : index
    %get3A_49 = vector.load %arg9[%get3A_47, %get3A_48] : memref<128x256xf32, #tpu.memory_space<vmem>>, vector<128x256xf32>
    %dot_general3A_50 = arith.constant dense<0.000000e+00> : vector<1000x256xf32>
    %dot_general3A_51 = tpu.matmul %add3A_46, %get3A_49, %dot_general3A_50 {dimension_numbers = #tpu.dot_dimension_numbers<[1], [0], [0], [1], [0, 0, 1, 1], [], []>, precision = #tpu.contract_precision<fp32>, transpose_lhs_hint = false} : vector<1000x128xf32>, vector<128x256xf32>, vector<1000x256xf32> -> vector<1000x256xf32>
    %slice3A = vector.extract_strided_slice %add3A_35 {offsets = [0, 0], sizes = [1000, 128], strides = [1, 1]} : vector<1000x384xf32> to vector<1000x128xf32>
    %slice3A_52 = vector.extract_strided_slice %dot_general3A_51 {offsets = [0, 0], sizes = [1000, 128], strides = [1, 1]} : vector<1000x256xf32> to vector<1000x128xf32>
    %add3A_53 = arith.addf %slice3A, %slice3A_52 : vector<1000x128xf32>
    %mul3A = vector.broadcast %get3A_1 : vector<1000x1xf32> to vector<1000x128xf32>
    %mul3A_54 = arith.mulf %add3A_53, %mul3A : vector<1000x128xf32>
    %get3A_55 = arith.constant 0 : index
    %get3A_56 = arith.constant 0 : index
    %get3A_57 = vector.load %arg10[%get3A_55, %get3A_56] : memref<1x384xf32, #tpu.memory_space<vmem>>, vector<1x128xf32>
    %mul3A_58 = vector.broadcast %get3A_4 : vector<1000x1xf32> to vector<1000x128xf32>
    %mul3A_59 = vector.broadcast %get3A_57 : vector<1x128xf32> to vector<1000x128xf32>
    %mul3A_60 = arith.mulf %mul3A_58, %mul3A_59 : vector<1000x128xf32>
    %add3A_61 = arith.addf %mul3A_54, %mul3A_60 : vector<1000x128xf32>
    %slice3A_62 = vector.extract_strided_slice %add3A_35 {offsets = [0, 128], sizes = [1000, 128], strides = [1, 1]} : vector<1000x384xf32> to vector<1000x128xf32>
    %slice3A_63 = vector.extract_strided_slice %dot_general3A_51 {offsets = [0, 128], sizes = [1000, 128], strides = [1, 1]} : vector<1000x256xf32> to vector<1000x128xf32>
    %add3A_64 = arith.addf %slice3A_62, %slice3A_63 : vector<1000x128xf32>
    %mul3A_65 = vector.broadcast %get3A_1 : vector<1000x1xf32> to vector<1000x128xf32>
    %mul3A_66 = arith.mulf %add3A_64, %mul3A_65 : vector<1000x128xf32>
    %get3A_67 = arith.constant 0 : index
    %get3A_68 = arith.constant 128 : index
    %get3A_69 = vector.load %arg10[%get3A_67, %get3A_68] : memref<1x384xf32, #tpu.memory_space<vmem>>, vector<1x128xf32>
    %mul3A_70 = vector.broadcast %get3A_4 : vector<1000x1xf32> to vector<1000x128xf32>
    %mul3A_71 = vector.broadcast %get3A_69 : vector<1x128xf32> to vector<1000x128xf32>
    %mul3A_72 = arith.mulf %mul3A_70, %mul3A_71 : vector<1000x128xf32>
    %add3A_73 = arith.addf %mul3A_66, %mul3A_72 : vector<1000x128xf32>
    %logistic3A = arith.negf %add3A_61 : vector<1000x128xf32>
    %logistic3A_74 = math.exp %logistic3A : vector<1000x128xf32>
    %logistic3A_75 = arith.constant 1.000000e+00 : f32
    %logistic3A_76 = vector.broadcast %logistic3A_75 : f32 to vector<1000x128xf32>
    %logistic3A_77 = arith.addf %logistic3A_76, %logistic3A_74 : vector<1000x128xf32>
    %logistic3A_78 = arith.divf %logistic3A_76, %logistic3A_77 : vector<1000x128xf32>
    %logistic3A_79 = arith.negf %add3A_73 : vector<1000x128xf32>
    %logistic3A_80 = math.exp %logistic3A_79 : vector<1000x128xf32>
    %logistic3A_81 = arith.constant 1.000000e+00 : f32
    %logistic3A_82 = vector.broadcast %logistic3A_81 : f32 to vector<1000x128xf32>
    %logistic3A_83 = arith.addf %logistic3A_82, %logistic3A_80 : vector<1000x128xf32>
    %logistic3A_84 = arith.divf %logistic3A_82, %logistic3A_83 : vector<1000x128xf32>
    %swap3A = arith.constant 0 : index
    %swap3A_85 = arith.constant 0 : index
    %swap3A_86 = vector.load %arg11[%swap3A, %swap3A_85] : memref<1000x128xf32, #tpu.memory_space<vmem>>, vector<1000x128xf32>
    tpu.vector_store %arg11[%swap3A, %swap3A_85], %logistic3A_78 {strides = array<i32>} : memref<1000x128xf32, #tpu.memory_space<vmem>>, vector<1000x128xf32>,
    %slice3A_87 = vector.extract_strided_slice %add3A_35 {offsets = [0, 256], sizes = [1000, 128], strides = [1, 1]} : vector<1000x384xf32> to vector<1000x128xf32>
    %mul3A_88 = vector.broadcast %get3A_1 : vector<1000x1xf32> to vector<1000x128xf32>
    %mul3A_89 = arith.mulf %slice3A_87, %mul3A_88 : vector<1000x128xf32>
    %get3A_90 = arith.constant 0 : index
    %get3A_91 = arith.constant 256 : index
    %get3A_92 = vector.load %arg10[%get3A_90, %get3A_91] : memref<1x384xf32, #tpu.memory_space<vmem>>, vector<1x128xf32>
    %mul3A_93 = vector.broadcast %get3A_4 : vector<1000x1xf32> to vector<1000x128xf32>
    %mul3A_94 = vector.broadcast %get3A_92 : vector<1x128xf32> to vector<1000x128xf32>
    %mul3A_95 = arith.mulf %mul3A_93, %mul3A_94 : vector<1000x128xf32>
    %add3A_96 = arith.addf %mul3A_89, %mul3A_95 : vector<1000x128xf32>
    %swap3A_97 = arith.constant 0 : index
    %swap3A_98 = arith.constant 0 : index
    %swap3A_99 = vector.load %arg12[%swap3A_97, %swap3A_98] : memref<1000x128xf32, #tpu.memory_space<vmem>>, vector<1000x128xf32>
    tpu.vector_store %arg12[%swap3A_97, %swap3A_98], %add3A_96 {strides = array<i32>} : memref<1000x128xf32, #tpu.memory_space<vmem>>, vector<1000x128xf32>,
    %get3A_100 = arith.constant 0 : index
    %get3A_101 = arith.constant 0 : index
    %get3A_102 = vector.load %arg6[%get3A_100, %get3A_101] : memref<1000x128xf32, #tpu.memory_space<vmem>>, vector<1000x128xf32>
    %mul3A_103 = arith.mulf %logistic3A_84, %get3A_102 : vector<1000x128xf32>
    %swap3A_104 = arith.constant 0 : index
    %swap3A_105 = arith.constant 0 : index
    %swap3A_106 = vector.load %arg13[%swap3A_104, %swap3A_105] : memref<1000x128xf32, #tpu.memory_space<vmem>>, vector<1000x128xf32>
    tpu.vector_store %arg13[%swap3A_104, %swap3A_105], %mul3A_103 {strides = array<i32>} : memref<1000x128xf32, #tpu.memory_space<vmem>>, vector<1000x128xf32>,
    return
  }
  func.func @transform_0(%arg0: i32) -> (i32, i32, i32) {
    %c0_i32 = arith.constant 0 : i32
    %c0_i32_0 = arith.constant 0 : i32
    %c0_i32_1 = arith.constant 0 : i32
    return %c0_i32, %arg0, %c0_i32_0 : i32, i32, i32
  }
  func.func @transform_1(%arg0: i32) -> (i32, i32, i32) {
    %c0_i32 = arith.constant 0 : i32
    %c0_i32_0 = arith.constant 0 : i32
    %c0_i32_1 = arith.constant 0 : i32
    return %c0_i32, %arg0, %c0_i32_0 : i32, i32, i32
  }
  func.func @transform_2(%arg0: i32) -> (i32, i32, i32) {
    %c0_i32 = arith.constant 0 : i32
    %c0_i32_0 = arith.constant 0 : i32
    %c0_i32_1 = arith.constant 0 : i32
    return %c0_i32, %arg0, %c0_i32_0 : i32, i32, i32
  }
  func.func @transform_3(%arg0: i32) -> (i32, i32) {
    %c0_i32 = arith.constant 0 : i32
    %c0_i32_0 = arith.constant 0 : i32
    return %arg0, %c0_i32 : i32, i32
  }
  func.func @transform_4(%arg0: i32) -> (i32, i32) {
    %c0_i32 = arith.constant 0 : i32
    %c0_i32_0 = arith.constant 0 : i32
    return %arg0, %c0_i32 : i32, i32
  }
  func.func @transform_5(%arg0: i32) -> (i32, i32) {
    %c0_i32 = arith.constant 0 : i32
    %c0_i32_0 = arith.constant 0 : i32
    return %arg0, %c0_i32 : i32, i32
  }
  func.func @transform_6(%arg0: i32) -> (i32, i32) {
    %c0_i32 = arith.constant 0 : i32
    %c0_i32_0 = arith.constant 0 : i32
    %c0_i32_1 = arith.constant 0 : i32
    return %c0_i32, %c0_i32_0 : i32, i32
  }
  func.func @transform_7(%arg0: i32) -> (i32, i32) {
    %c0_i32 = arith.constant 0 : i32
    %c0_i32_0 = arith.constant 0 : i32
    %c0_i32_1 = arith.constant 0 : i32
    return %c0_i32, %c0_i32_0 : i32, i32
  }
  func.func @transform_8(%arg0: i32) -> (i32, i32) {
    %c0_i32 = arith.constant 0 : i32
    %c0_i32_0 = arith.constant 0 : i32
    %c0_i32_1 = arith.constant 0 : i32
    return %c0_i32, %c0_i32_0 : i32, i32
  }
  func.func @transform_9(%arg0: i32) -> (i32, i32) {
    %c0_i32 = arith.constant 0 : i32
    %c0_i32_0 = arith.constant 0 : i32
    %c0_i32_1 = arith.constant 0 : i32
    return %c0_i32, %c0_i32_0 : i32, i32
  }
  func.func @transform_10(%arg0: i32) -> (i32, i32) {
    %c0_i32 = arith.constant 0 : i32
    %c0_i32_0 = arith.constant 0 : i32
    return %arg0, %c0_i32 : i32, i32
  }
  func.func @transform_11(%arg0: i32) -> (i32, i32) {
    %c0_i32 = arith.constant 0 : i32
    %c0_i32_0 = arith.constant 0 : i32
    return %arg0, %c0_i32 : i32, i32
  }
  func.func @transform_12(%arg0: i32) -> (i32, i32) {
    %c0_i32 = arith.constant 0 : i32
    %c0_i32_0 = arith.constant 0 : i32
    return %arg0, %c0_i32 : i32, i32
  }
}

module attributes {stable_mosaic.version = 14 : i64} {
  func.func @_stage_e(%arg0: i32, %arg1: memref<2x1000x128xf32, #tpu.memory_space<vmem>>, %arg2: memref<1000x1xf32, #tpu.memory_space<vmem>>, %arg3: memref<1000x1xf32, #tpu.memory_space<vmem>>, %arg4: memref<128x128xf32, #tpu.memory_space<vmem>>, %arg5: memref<1x128xf32, #tpu.memory_space<vmem>>, %arg6: memref<1000x128xf32, #tpu.memory_space<vmem>>, %arg7: memref<1000x128xf32, #tpu.memory_space<vmem>>, %arg8: memref<1000x128xf32, #tpu.memory_space<vmem>>, %arg9: memref<1000x128xf32, #tpu.memory_space<vmem>>) attributes {dimension_semantics = [#tpu.dimension_semantics<arbitrary>], iteration_bounds = array<i64: 10>, scalar_prefetch = 0 : i64, scratch_operands = 0 : i64, tpu.core_type = #tpu.core_type<tc>, window_params = [{transform_indices = @transform_0, window_bounds = array<i64: 2, 1000, 128>}, {transform_indices = @transform_1, window_bounds = array<i64: 1000, 1>}, {transform_indices = @transform_2, window_bounds = array<i64: 1000, 1>}, {pipeline_mode = #tpu.pipeline_mode<synchronous>, transform_indices = @transform_3, window_bounds = array<i64: 128, 128>}, {pipeline_mode = #tpu.pipeline_mode<synchronous>, transform_indices = @transform_4, window_bounds = array<i64: 1, 128>}, {transform_indices = @transform_5, window_bounds = array<i64: 1000, 128>}, {transform_indices = @transform_6, window_bounds = array<i64: 1000, 128>}, {transform_indices = @transform_7, window_bounds = array<i64: 1000, 128>}, {transform_indices = @transform_8, window_bounds = array<i64: 1000, 128>}]} {
    %get3A = arith.constant 0 : index
    %get3A_0 = arith.constant 0 : index
    %get3A_1 = arith.constant 0 : index
    %get3A_2 = vector.load %arg1[%get3A, %get3A_0, %get3A_1] : memref<2x1000x128xf32, #tpu.memory_space<vmem>>, vector<1x1000x128xf32>
    %get3A_3 = vector.shape_cast %get3A_2 : vector<1x1000x128xf32> to vector<1000x128xf32>
    %get3A_4 = arith.constant 1 : index
    %get3A_5 = arith.constant 0 : index
    %get3A_6 = arith.constant 0 : index
    %get3A_7 = vector.load %arg1[%get3A_4, %get3A_5, %get3A_6] : memref<2x1000x128xf32, #tpu.memory_space<vmem>>, vector<1x1000x128xf32>
    %get3A_8 = vector.shape_cast %get3A_7 : vector<1x1000x128xf32> to vector<1000x128xf32>
    %add3A = arith.addf %get3A_3, %get3A_8 : vector<1000x128xf32>
    %get3A_9 = arith.constant 0 : index
    %get3A_10 = arith.constant 0 : index
    %get3A_11 = vector.load %arg4[%get3A_9, %get3A_10] : memref<128x128xf32, #tpu.memory_space<vmem>>, vector<128x128xf32>
    %dot_general3A = arith.constant dense<0.000000e+00> : vector<1000x128xf32>
    %dot_general3A_12 = tpu.matmul %add3A, %get3A_11, %dot_general3A {dimension_numbers = #tpu.dot_dimension_numbers<[1], [0], [0], [1], [0, 0, 1, 1], [], []>, precision = #tpu.contract_precision<fp32>, transpose_lhs_hint = false} : vector<1000x128xf32>, vector<128x128xf32>, vector<1000x128xf32> -> vector<1000x128xf32>
    %get3A_13 = arith.constant 0 : index
    %get3A_14 = arith.constant 0 : index
    %get3A_15 = vector.load %arg2[%get3A_13, %get3A_14] : memref<1000x1xf32, #tpu.memory_space<vmem>>, vector<1000x1xf32>
    %mul3A = vector.broadcast %get3A_15 : vector<1000x1xf32> to vector<1000x128xf32>
    %mul3A_16 = arith.mulf %dot_general3A_12, %mul3A : vector<1000x128xf32>
    %get3A_17 = arith.constant 0 : index
    %get3A_18 = arith.constant 0 : index
    %get3A_19 = vector.load %arg3[%get3A_17, %get3A_18] : memref<1000x1xf32, #tpu.memory_space<vmem>>, vector<1000x1xf32>
    %get3A_20 = arith.constant 0 : index
    %get3A_21 = arith.constant 0 : index
    %get3A_22 = vector.load %arg5[%get3A_20, %get3A_21] : memref<1x128xf32, #tpu.memory_space<vmem>>, vector<1x128xf32>
    %mul3A_23 = vector.broadcast %get3A_19 : vector<1000x1xf32> to vector<1000x128xf32>
    %mul3A_24 = vector.broadcast %get3A_22 : vector<1x128xf32> to vector<1000x128xf32>
    %mul3A_25 = arith.mulf %mul3A_23, %mul3A_24 : vector<1000x128xf32>
    %add3A_26 = arith.addf %mul3A_16, %mul3A_25 : vector<1000x128xf32>
    %get3A_27 = arith.constant 0 : index
    %get3A_28 = arith.constant 0 : index
    %get3A_29 = vector.load %arg6[%get3A_27, %get3A_28] : memref<1000x128xf32, #tpu.memory_space<vmem>>, vector<1000x128xf32>
    %add3A_30 = arith.addf %get3A_29, %add3A_26 : vector<1000x128xf32>
    %tanh3A = math.tanh %add3A_30 : vector<1000x128xf32>
    %get3A_31 = arith.constant 0 : index
    %get3A_32 = arith.constant 0 : index
    %get3A_33 = vector.load %arg7[%get3A_31, %get3A_32] : memref<1000x128xf32, #tpu.memory_space<vmem>>, vector<1000x128xf32>
    %get3A_34 = arith.constant 0 : index
    %get3A_35 = arith.constant 0 : index
    %get3A_36 = vector.load %arg8[%get3A_34, %get3A_35] : memref<1000x128xf32, #tpu.memory_space<vmem>>, vector<1000x128xf32>
    %mul3A_37 = arith.mulf %get3A_33, %get3A_36 : vector<1000x128xf32>
    %sub3A = arith.constant 1.000000e+00 : f32
    %sub3A_38 = vector.broadcast %sub3A : f32 to vector<1000x128xf32>
    %sub3A_39 = arith.subf %sub3A_38, %get3A_33 : vector<1000x128xf32>
    %mul3A_40 = arith.mulf %sub3A_39, %tanh3A : vector<1000x128xf32>
    %add3A_41 = arith.addf %mul3A_37, %mul3A_40 : vector<1000x128xf32>
    %swap3A = arith.constant 0 : index
    %swap3A_42 = arith.constant 0 : index
    %swap3A_43 = vector.load %arg9[%swap3A, %swap3A_42] : memref<1000x128xf32, #tpu.memory_space<vmem>>, vector<1000x128xf32>
    tpu.vector_store %arg9[%swap3A, %swap3A_42], %add3A_41 {strides = array<i32>} : memref<1000x128xf32, #tpu.memory_space<vmem>>, vector<1000x128xf32>,
    return
  }
  func.func @transform_0(%arg0: i32) -> (i32, i32, i32) {
    %c0_i32 = arith.constant 0 : i32
    %c0_i32_0 = arith.constant 0 : i32
    %c0_i32_1 = arith.constant 0 : i32
    return %c0_i32, %arg0, %c0_i32_0 : i32, i32, i32
  }
  func.func @transform_1(%arg0: i32) -> (i32, i32) {
    %c0_i32 = arith.constant 0 : i32
    %c0_i32_0 = arith.constant 0 : i32
    return %arg0, %c0_i32 : i32, i32
  }
  func.func @transform_2(%arg0: i32) -> (i32, i32) {
    %c0_i32 = arith.constant 0 : i32
    %c0_i32_0 = arith.constant 0 : i32
    return %arg0, %c0_i32 : i32, i32
  }
  func.func @transform_3(%arg0: i32) -> (i32, i32) {
    %c0_i32 = arith.constant 0 : i32
    %c0_i32_0 = arith.constant 0 : i32
    %c0_i32_1 = arith.constant 0 : i32
    return %c0_i32, %c0_i32_0 : i32, i32
  }
  func.func @transform_4(%arg0: i32) -> (i32, i32) {
    %c0_i32 = arith.constant 0 : i32
    %c0_i32_0 = arith.constant 0 : i32
    %c0_i32_1 = arith.constant 0 : i32
    return %c0_i32, %c0_i32_0 : i32, i32
  }
  func.func @transform_5(%arg0: i32) -> (i32, i32) {
    %c0_i32 = arith.constant 0 : i32
    %c0_i32_0 = arith.constant 0 : i32
    return %arg0, %c0_i32 : i32, i32
  }
  func.func @transform_6(%arg0: i32) -> (i32, i32) {
    %c0_i32 = arith.constant 0 : i32
    %c0_i32_0 = arith.constant 0 : i32
    return %arg0, %c0_i32 : i32, i32
  }
  func.func @transform_7(%arg0: i32) -> (i32, i32) {
    %c0_i32 = arith.constant 0 : i32
    %c0_i32_0 = arith.constant 0 : i32
    return %arg0, %c0_i32 : i32, i32
  }
  func.func @transform_8(%arg0: i32) -> (i32, i32) {
    %c0_i32 = arith.constant 0 : i32
    %c0_i32_0 = arith.constant 0 : i32
    return %arg0, %c0_i32 : i32, i32
  }
}

</mosaic_0001>

<sc_bundles>
// kernel: kernel.13.cloned.1.call-start
scs
__scs_entry_jumppad:
0x0: {  	(pc) =	sbr.rel $0x88, $3  }
0x1: {  	(tag) =	ssettag $0x0;
	lr =	simm.s32 $0x1  }
0x2: {  	[smem:$0x3F7F] =	sst lr;
	_ =	strace $0xD0000000  }
0x3: {  	_ = 	snop  }
0x4: {  	_ = 	snop  }
0x5: {  	_ = 	snop  }
0x6: {  	_ = 	snop  }
0x7: {  	_ = 	snop  }
__scs_overlays_trampoline_lowered:
0x8: {  	[smem:$0x3F8E] =	sst s0  }
0x9: {  	[smem:$0x3F8F] =	sst s1  }
0xa: {  	[smem:$0x3F90] =	sst s2  }
0xb: {  	[smem:$0x3F91] =	sst s3  }
0xc: {  	[smem:$0x3F92] =	sst s4  }
0xd: {  	[smem:$0x3F93] =	sst s5  }
0xe: {  	[smem:$0x3F94] =	sst s6  }
0xf: {  	[smem:$0x3F95] =	sst s7  }
0x10: {  	[smem:$0x3F96] =	sst s8  }
0x11: {  	[smem:$0x3F97] =	sst s9;
	s0 =	simm.s32 @!p0 $0x0  }
0x12: {  	s1 =	sld [smem:$0x3F7D];
	s0 =	simm.s32 @p0 $0x1  }
0x13: {  	[smem:$0x3F98] =	sst s0;
	s0 =	simm.s32 @!p1 $0x0  }
0x14: {  	s2 =	sld [smem:$0x3F7C];
	s0 =	simm.s32 @p1 $0x1  }
0x15: {  	[smem:$0x3F99] =	sst s0;
	s0 =	simm.s32 @!p2 $0x0  }
0x16: {  	s3 =	sld [smem:$0x3FDB];
	s0 =	simm.s32 @p2 $0x1  }
0x17: {  	s4 =	simm.s32 $0x1BF5;
	[smem:$0x3F9B] =	sst s0  }
0x18: {  	s0 =	sld [smem:$0x3F7E];
	_ =	swait.ge [sflag:s4], $0x0  }
0x19: {  	s7 =	sld [smem:$0x3F7F]  }
0x1a: {  	s8 =	sadd.s32 $0xFFFFE003, lr  }
0x1b: {  	s9 =	sadd.s32 $0xFFFFFEF7, lr;
	s5 =	simm.s32 $0xFFFFFFFF;
	p2 =	slt.u32 s8, $0xFFFFF086  }
0x1c: {  	p1 =	slt.u32 s9, $0xF7A;
	s5 =	simm.s32 @!p2 $0x0  }
0x1d: {  	s5 =	simm.s32 @p1 $0x1;
	p0 =	seq.s32 s7, s2  }
0x1e: {  	s7 =	smul.u32 @!p0 $0xF7A, s2;
	p2 =	seq.s32 @!p0 s5, $0x0  }
0x1f: {  	s9 =	smul.u32 $0xF7A, s1;
	s8 =	simm.s32 @!p0 $0x1BF5;
	p2 =	por !p2, p0  }
0x20: {  	[sflag:s8] =	ssyncset.s32 @!p0 $0xFFFFF086;
	s6 =	sadd.s32 @!p0 s3, s7;
	s7 =	simm.s32 @!p0 $0x108  }
0x21: {  	s3 =	sadd.s32 s3, s9;
	s6 =	sadd.s32 @!p0 $0x88, s6;
	s7 =	simm.s32 @p2 $0x1082  }
0x22: {  	[simem:s7], [sflag:s8] =	dma.local @!p0 [hbm:s6], $0xF7A  }
0x23: {  	s9 =	sor.u32 $0xD0000000, s2;
	s6 =	simm.s32 $0x108;
	_ =	swait.ge @!p0 [sflag:s8], $0x0  }
0x24: {  	s3 =	sadd.s32 $0x88, s3;
	s6 =	simm.s32 @!p1 $0x1082;
	[sflag:s4] =	ssyncset.s32 $0xFFFFF086  }
0x25: {  	[simem:s6], [sflag:s4] =	dma.local [hbm:s3], $0xF7A  }
0x26: {  	[smem:$0x3F7F] =	sst s1;
	(tag) =	ssettag s2;
	_ =	strace s9  }
0x27: {  	s1 =	sld [smem:$0x3F8F]  }
0x28: {  	s2 =	sld [smem:$0x3F90]  }
0x29: {  	s4 =	sld [smem:$0x3F92]  }
0x2a: {  	p0 =	seq.s32 s5, $0x0;
	s5 =	sld [smem:$0x3F93]  }
0x2b: {  	s6 =	sld [smem:$0x3F94]  }
0x2c: {  	s7 =	sld [smem:$0x3F95]  }
0x2d: {  	s3 =	simm.s32 $0x108;
	s8 =	sld [smem:$0x3F96]  }
0x2e: {  	s3 =	simm.s32 @!p0 $0x1082;
	s9 =	sld [smem:$0x3F97]  }
0x2f: {  	lr =	sadd.s32 s0, s3;
	s0 =	sld [smem:$0x3F8E]  }
0x30: {  	s3 =	sld [smem:$0x3F91]  }
0x31: {  	[smem:$0x3F9A] =	sst s10  }
0x32: {  	s10 =	sld [smem:$0x3F98];
	_ =	sdelay $0x3  }
0x33: {  	p0 =	seq.s32 s10, $0x1;
	s10 =	sld [smem:$0x3F9A];
	_ =	sdelay $0x3  }
0x34: {  	[smem:$0x3F9A] =	sst s10  }
0x35: {  	s10 =	sld [smem:$0x3F99];
	_ =	sdelay $0x3  }
0x36: {  	p1 =	seq.s32 s10, $0x1;
	s10 =	sld [smem:$0x3F9A];
	_ =	sdelay $0x3  }
0x37: {  	[smem:$0x3F9A] =	sst s10  }
0x38: {  	s10 =	sld [smem:$0x3F9B]  }
0x39: {  	_ = 	snop;
	(pc) =	sbr.ind lr, $3  }
0x3a: {  	_ = 	snop  }
0x3b: {  	_ = 	snop  }
0x3c: {  	p2 =	seq.s32 s10, $0x1;
	s10 =	sld [smem:$0x3F9A]  }
0x3d: {  	_ =	shalt  }
0x3e: {  	_ =	shalt  }
0x3f: {  	_ =	shalt  }
0x40: {  	_ =	shalt  }
0x41: {  	_ =	shalt  }
0x42: {  	_ =	shalt  }
0x43: {  	_ =	shalt  }
0x44: {  	_ =	shalt  }
0x45: {  	_ =	shalt  }
0x46: {  	_ =	shalt  }
0x47: {  	_ =	shalt  }
0x48: {  	_ =	shalt  }
0x49: {  	_ =	shalt  }
0x4a: {  	_ =	shalt  }
0x4b: {  	_ =	shalt  }
0x4c: {  	_ =	shalt  }
0x4d: {  	_ =	shalt  }
0x4e: {  	_ =	shalt  }
0x4f: {  	_ =	shalt  }
0x50: {  	_ =	shalt  }
0x51: {  	_ =	shalt  }
0x52: {  	_ =	shalt  }
0x53: {  	_ =	shalt  }
0x54: {  	_ =	shalt  }
0x55: {  	_ =	shalt  }
0x56: {  	_ =	shalt  }
0x57: {  	_ =	shalt  }
0x58: {  	_ =	shalt  }
0x59: {  	_ =	shalt  }
0x5a: {  	_ =	shalt  }
0x5b: {  	_ =	shalt  }
0x5c: {  	_ =	shalt  }
0x5d: {  	_ =	shalt  }
0x5e: {  	_ =	shalt  }
0x5f: {  	_ =	shalt  }
0x60: {  	_ =	shalt  }
0x61: {  	_ =	shalt  }
0x62: {  	_ =	shalt  }
0x63: {  	_ =	shalt  }
0x64: {  	_ =	shalt  }
0x65: {  	_ =	shalt  }
0x66: {  	_ =	shalt  }
0x67: {  	_ =	shalt  }
0x68: {  	_ =	shalt  }
0x69: {  	_ =	shalt  }
0x6a: {  	_ =	shalt  }
0x6b: {  	_ =	shalt  }
0x6c: {  	_ =	shalt  }
0x6d: {  	_ =	shalt  }
0x6e: {  	_ =	shalt  }
0x6f: {  	_ =	shalt  }
0x70: {  	_ =	shalt  }
0x71: {  	_ =	shalt  }
0x72: {  	_ =	shalt  }
0x73: {  	_ =	shalt  }
0x74: {  	_ =	shalt  }
0x75: {  	_ =	shalt  }
0x76: {  	_ =	shalt  }
0x77: {  	_ =	shalt  }
0x78: {  	_ =	shalt  }
0x79: {  	_ =	shalt  }
0x7a: {  	_ =	shalt  }
0x7b: {  	_ =	shalt  }
0x7c: {  	_ =	shalt  }
0x7d: {  	_ =	shalt  }
0x7e: {  	_ =	shalt  }
0x7f: {  	_ =	shalt  }
0x80: {  	_ =	shalt  }
0x81: {  	_ =	shalt  }
0x82: {  	_ =	shalt  }
0x83: {  	_ =	shalt  }
0x84: {  	_ =	shalt  }
0x85: {  	_ =	shalt  }
0x86: {  	_ =	shalt  }
0x87: {  	_ =	shalt  }
.Lfunc_end0:
.L_simem_size_0:
called_computation_lowered:
.L_overlay_start_0:
0x88: {  	s2 =	sld [smem:$0x3FD9]  }
0x89: {  	s3 =	sld [smem:$0x3FFE];
	_ =	sdelay $0x1  }
0x8a: {  	s1 =	srdreg.scid  }
0x8b: {  	s0 =	sand.u32 $0x1, s1  }
0x8c: {  	s16 =	sshll.u32 s0, $0xA;
	s2 =	sadd.s32 s3, s2  }
0x8d: {  	s2 =	sadd.s32 s2, s16  }
0x8e: {  	[smem:$0x3FA6] =	sst s2  }
0x8f: {  	_ = 	snop  }
0x90: {  	(tm) =	ssettm $0x1  }
0x91: {  	s17 =	sld [smem:$0x3FFB];
	_ =	sdelay $0x3  }
0x92: {  	_ =	strace s17  }
0x93: {  	s2 =	sld [smem:$0x3FFC];
	_ =	sdelay $0x3  }
0x94: {  	_ =	strace s2  }
0x95: {  	s2 =	sld [smem:$0x3FFD];
	_ =	sdelay $0x3  }
0x96: {  	_ =	strace s2  }
0x97: {  	_ =	strace $0x8FFFFFFF  }
0x98: {  	s18 =	sld [smem:$0x3FDB];
	_ =	sdelay $0x1  }
0x99: {  	s19 =	simm.s32 $_scs_section_size  }
0x9a: {  	s4 =	simm.s32 $_size__tile_overlayer_lowered;
	s5 =	simm.s32 $_tile_overlayer_lowered  }
0x9b: {  	s22 =	simm.s32 $0x1BFF;
	s21 =	sshll.u32 s5, $0x1;
	s2 =	sadd.s32 s19, s18  }
0x9c: {  	s6 =	simm.s32 $0x0;
	s20 =	sshll.u32 s4, $0x1;
	s4 =	sadd.s32 s21, s2  }
0x9d: {  	[timem:s6], [sflag:s22] =	dma.local [hbm:s4], s20  }
0x9e: {  	_ =	swait.ge [sflag:s22], s20  }
0x9f: {  	s3 =	ssub.s32 $0x0, s20;
	[sflag:s22] =	ssyncset.done $0x0  }
0xa0: {  	[sflag:s22] =	ssyncadd.s32 s3;
	_ =	sdelay $0x1  }
0xa1: {  	s23 =	simm.s32 $0x1B8B  }
0xa2: {  	_ =	swait.ge [sflag:s23], $0x1  }
0xa3: {  	[sflag:s23] =	ssyncset.done $0x0  }
0xa4: {  	s25 =	simm.s32 $0x1B8E;
	s24 =	sld [smem:$0x3FFE];
	[sflag:s23] =	ssyncadd.s32 $0xFFFFFFFF  }
0xa5: {  	s26 =	simm.s32 $execute0_lowered;
	[smem:$0x3FD2] =	sst s25  }
0xa6: {  	s4 =	sshll.u32 s26, $0x1;
	_ =	strace $0x80000046;
	[dreg:$0x1] =	wrdreg $0xFFFFFFFF  }
0xa7: {  	s28 =	simm.s32 $_size_execute0_lowered;
	s2 =	sadd.s32 s2, s4;
	[dreg:$0x0] =	wrdreg $0x0  }
0xa8: {  	s4 =	sshll.u32 s28, $0x1;
	[dreg:$0x2] =	wrdreg s2  }
0xa9: {  	[dreg:$0x3] =	wrdreg s4  }
0xaa: {  	[dreg:$0x4] =	wrdreg $0xC0  }
0xab: {  	_ =	task [dreg:s6], $0x5FFFF  }
0xac: {  	[dreg:$0x1] =	wrdreg $0xFFFFFFFF  }
0xad: {  	[dreg:$0x0] =	wrdreg $0x60  }
0xae: {  	[dreg:$0x2] =	wrdreg s24  }
0xaf: {  	[dreg:$0x3] =	wrdreg $0x9  }
0xb0: {  	_ =	task.clear_ibuf [dreg:s6], $0x4FFFF;
	_ =	strace $0x90000046  }
0xb1: {  	s29 =	simm.s32 $0x9;
	_ =	strace $0x80000048  }
0xb2: {  	_ =	swait.ge [sflag:s29], $0x1  }
0xb3: {  	[sflag:s29] =	ssyncadd.s32 $0xFFFFFFFF  }
0xb4: {  	_ =	strace $0x90000048  }
0xb5: {  	_ =	sfence  }
0xb6: {  	s30 =	sld [smem:$0x0];
	_ =	sdelay $0x2  }
0xb7: {  	s31 =	sshll.u32 s1, $0xD;
	s1 =	sshrl.u32 s1, $0x2  }
0xb8: {  	s3 =	sand.u32 $0x4000, s31;
	s1 =	sadd.s32 s1, s30  }
0xb9: {  	s0 =	sor.u32 s3, s0;
	s1 =	sshll.u32 s1, $0x11  }
0xba: {  	s0 =	sor.u32 s1, s0  }
0xbb: {  	s0 =	sadd.s32 $0x8F2B, s0  }
0xbc: {  	[sflag:s0] =	ssyncadd.remote.s32 $0x1  }
0xbd: {  	_ =	sfence.sel $0xFFFF  }
0xbe: {  	[dreg:$0x0] =	wrdreg $0xFFFFFFFF;
	(pc) =	sbr.abs _section_cstart, $3  }
0xbf: {  	[dreg:$0x1] =	wrdreg $0xFFFFFFFF  }
0xc0: {  	_ =	task.clear_ibuf [dreg:s6], $0x2FFFF;
	_ =	strace $0x9FFFFFFF  }
0xc1: {  	(tm) =	ssettm $0x7FFFFFFF  }
tec
execute0_lowered:
.L_overlay_start_1:
0x0: {  	(tag) =	ssettag $0x1  }
0x1: {  	s0 =	srdreg.scid  }
0x2: {  	s4 =	rddreg [dreg:$0x0];
	s3 =	sand.u32 $0x1, s0  }
0x3: {  	s1 =	stileid.u32;
	s7 =	simm.s32 $0x2800;
	s2 =	sshll.u32 s3, $0x4  }
0x4: {  	s0 =	rddreg [dreg:$0x1];
	s3 =	ssub.s32 $0x2, s3;
	s5 =	sor.u32 s1, s2  }
0x5: {  	s2 =	simm.s32 $0x0;
	s6 =	sshrl.u32 s3, $0x1;
	s5 =	smul.u32 $0x500, s5  }
0x6: {  	s8 =	simm.s32 $0x0;
	[smem:$0x7FF] =	sst s2;
	s31 =	ssub.s32 s3, s6  }
0x7: {  	s6 =	simm.s32 $0x1;
	_ =	strace $0x80000047;
	s4 =	sadd.s32 s5, s4  }
0x8: {  	v0 =	vimm.f32 $0.0e+00;
	v1 =	vimm.f32 $1.000000000e+00;
	s5 =	smax.u32 s31, $0x1;
	s3 =	sadd.s32 $0x8200, s4;
	s4 =	sadd.s32 $0x12200, s4  }
.LBB2_1:
0x9: {  	[tilespmem:s2], [sflag:$0x1] =	stream.linear.gather [hbm4b:s3+s2], $0x2800, $0x38;
	[tilespmem:$0x5000] =	vst v63  }
0xa: {  	_ =	swait.ge [sflag:s6], $0x2800  }
0xb: {  	[sflag:s6] =	ssyncset.done $0x0  }
0xc: {  	s9 =	simm.s32 $0x0;
	s10 =	simm.s32 $0x0;
	[sflag:s6] =	ssyncadd.s32 $0xFFFFD800  }
.LBB2_2:
0xd: {  	p0 =	sne.s32 s10, $0x9FC0  }
.Ltmp0:
0xe: {  	_ = 	snop;
	(pc) =	sbr.rel @p0 .LBB2_2-.Ltmp0, $4  }
0xf: {  	s11 =	sand.u32 $0xFE00, s10  }
0x10: {  	s12 =	sand.u32 $0x70, s9;
	s11 =	sshrl.u32 s11, $0x2  }
0x11: {  	s11 =	sor.u32 s12, s11  }
0x12: {  	s9 =	sadd.s32 $0x10, s9;
	s10 =	sadd.s32 $0x40, s10;
	[tilespmem:s11+$0x2800] =	vst v0  }
0x13: {  	s10 =	simm.s32 $0x0;
	s9 =	simm.s32 $0x40  }
.LBB2_4:
0x14: {  	p0 =	sne.s32 s9, $0x9FC0;
	v2 =	vld [tilespmem:s10+$0x0];
	_ =	sdelay $0x3  }
.Ltmp1:
0x15: {  	(pc) =	sbr.rel @p0 .LBB2_4-.Ltmp1, $2  }
0x16: {  	_ =	sdelay $0x2  }
0x17: {  	s10 =	sshra.s32 s9, $0x2;
	s9 =	sadd.s32 $0x40, s9;
	[tilespmem:v2+s7+$0x0] =	vst.idx.add.f32.msk $0xffff, v1  }
0x18: {  	v2 =	vld [tilespmem:s10+$0x0];
	_ =	sdelay $0x5  }
0x19: {  	s8 =	sadd.s32 $0x1, s8  }
0x1a: {  	p0 =	sne.s32 s8, s5  }
.Ltmp2:
0x1b: {  	[tilespmem:v2+s7+$0x0] =	vst.idx.add.f32.msk $0xffff, v1;
	(pc) =	sbr.rel @p0 .LBB2_1-.Ltmp2, $4  }
0x1c: {  	[hbm4b:s4+s2] =	stream.linear.scatter [tilespmem:s7], [sflag:$0x1], $0x2800, $0x38;
	[tilespmem:$0x5000] =	vst v63  }
0x1d: {  	_ =	swait.ge [sflag:s6], $0x2800  }
0x1e: {  	[sflag:s6] =	ssyncset.done $0x0  }
0x1f: {  	[sflag:s6] =	ssyncadd.s32 $0xFFFFD800  }
0x20: {  	_ =	sfence.sel $0x180000  }
0x21: {  	[bflag:$0x0] =	sbarrier.arrive $0xFFFF  }
0x22: {  	p0 =	sne.s32 s1, $0x0;
	_ =	strace $0x90000047  }
0x23: {  	s0 =	sadd.s32 @!p0 $0x100000, s0;
	[bflag:$0x2] =	sbarrier.arrive $0xFFFF  }
0x24: {  	[sflag:s0] =	ssyncadd.tile.s32 @!p0 $0x1;
	_ =	shalt  }
.Lfunc_end2:
_tile_overlayer_lowered:
.L_overlay_start_2:
0x25: {  	(tag) =	ssettag $0x2  }
0x26: {  	s0 =	rddreg [dreg:$0x0];
	s2 =	stileid.u32  }
0x27: {  	s1 =	rddreg [dreg:$0x1];
	p0 =	sne.s32 s2, $0x0  }
0x28: {  	s3 =	rddreg [dreg:$0x2];
	[bflag:$0x3] =	sbarrier.arrive $0xFFFF;
	s2 =	simm.s32 @!p0 $0x1C01  }
0x29: {  	[timem:s3], [sflag:s2] =	dma.local @!p0 [hbm:s0], s1  }
0x2a: {  	s0 =	simm.s32 @!p0 $0x1  }
0x2b: {  	_ =	swait.ge @!p0 [sflag:s0], s1  }
0x2c: {  	s1 =	ssub.s32 @!p0 $0x0, s1;
	[sflag:s0] =	ssyncset.done @!p0 $0x0  }
0x2d: {  	[sflag:s0] =	ssyncadd.s32 @!p0 s1  }
0x2e: {  	[bflag:$0x3] =	sbarrier.arrive $0xFFFF  }
0x2f: {  	_ =	shalt  }

// kernel: kernel.16.cloned.1.call-start
scs
__scs_entry_jumppad:
0x0: {  	(pc) =	sbr.rel $0x88, $3  }
0x1: {  	(tag) =	ssettag $0x0;
	lr =	simm.s32 $0x1  }
0x2: {  	[smem:$0x3F7F] =	sst lr;
	_ =	strace $0xD0000000  }
0x3: {  	_ = 	snop  }
0x4: {  	_ = 	snop  }
0x5: {  	_ = 	snop  }
0x6: {  	_ = 	snop  }
0x7: {  	_ = 	snop  }
__scs_overlays_trampoline_lowered:
0x8: {  	[smem:$0x3F8E] =	sst s0  }
0x9: {  	[smem:$0x3F8F] =	sst s1  }
0xa: {  	[smem:$0x3F90] =	sst s2  }
0xb: {  	[smem:$0x3F91] =	sst s3  }
0xc: {  	[smem:$0x3F92] =	sst s4  }
0xd: {  	[smem:$0x3F93] =	sst s5  }
0xe: {  	[smem:$0x3F94] =	sst s6  }
0xf: {  	[smem:$0x3F95] =	sst s7  }
0x10: {  	[smem:$0x3F96] =	sst s8  }
0x11: {  	[smem:$0x3F97] =	sst s9;
	s0 =	simm.s32 @!p0 $0x0  }
0x12: {  	s1 =	sld [smem:$0x3F7D];
	s0 =	simm.s32 @p0 $0x1  }
0x13: {  	[smem:$0x3F98] =	sst s0;
	s0 =	simm.s32 @!p1 $0x0  }
0x14: {  	s2 =	sld [smem:$0x3F7C];
	s0 =	simm.s32 @p1 $0x1  }
0x15: {  	[smem:$0x3F99] =	sst s0;
	s0 =	simm.s32 @!p2 $0x0  }
0x16: {  	s3 =	sld [smem:$0x3FDB];
	s0 =	simm.s32 @p2 $0x1  }
0x17: {  	s4 =	simm.s32 $0x1BF5;
	[smem:$0x3F9B] =	sst s0  }
0x18: {  	s0 =	sld [smem:$0x3F7E];
	_ =	swait.ge [sflag:s4], $0x0  }
0x19: {  	s7 =	sld [smem:$0x3F7F]  }
0x1a: {  	s8 =	sadd.s32 $0xFFFFE003, lr  }
0x1b: {  	s9 =	sadd.s32 $0xFFFFFEF7, lr;
	s5 =	simm.s32 $0xFFFFFFFF;
	p2 =	slt.u32 s8, $0xFFFFF086  }
0x1c: {  	p1 =	slt.u32 s9, $0xF7A;
	s5 =	simm.s32 @!p2 $0x0  }
0x1d: {  	s5 =	simm.s32 @p1 $0x1;
	p0 =	seq.s32 s7, s2  }
0x1e: {  	s7 =	smul.u32 @!p0 $0xF7A, s2;
	p2 =	seq.s32 @!p0 s5, $0x0  }
0x1f: {  	s9 =	smul.u32 $0xF7A, s1;
	s8 =	simm.s32 @!p0 $0x1BF5;
	p2 =	por !p2, p0  }
0x20: {  	[sflag:s8] =	ssyncset.s32 @!p0 $0xFFFFF086;
	s6 =	sadd.s32 @!p0 s3, s7;
	s7 =	simm.s32 @!p0 $0x108  }
0x21: {  	s3 =	sadd.s32 s3, s9;
	s6 =	sadd.s32 @!p0 $0x88, s6;
	s7 =	simm.s32 @p2 $0x1082  }
0x22: {  	[simem:s7], [sflag:s8] =	dma.local @!p0 [hbm:s6], $0xF7A  }
0x23: {  	s9 =	sor.u32 $0xD0000000, s2;
	s6 =	simm.s32 $0x108;
	_ =	swait.ge @!p0 [sflag:s8], $0x0  }
0x24: {  	s3 =	sadd.s32 $0x88, s3;
	s6 =	simm.s32 @!p1 $0x1082;
	[sflag:s4] =	ssyncset.s32 $0xFFFFF086  }
0x25: {  	[simem:s6], [sflag:s4] =	dma.local [hbm:s3], $0xF7A  }
0x26: {  	[smem:$0x3F7F] =	sst s1;
	(tag) =	ssettag s2;
	_ =	strace s9  }
0x27: {  	s1 =	sld [smem:$0x3F8F]  }
0x28: {  	s2 =	sld [smem:$0x3F90]  }
0x29: {  	s4 =	sld [smem:$0x3F92]  }
0x2a: {  	p0 =	seq.s32 s5, $0x0;
	s5 =	sld [smem:$0x3F93]  }
0x2b: {  	s6 =	sld [smem:$0x3F94]  }
0x2c: {  	s7 =	sld [smem:$0x3F95]  }
0x2d: {  	s3 =	simm.s32 $0x108;
	s8 =	sld [smem:$0x3F96]  }
0x2e: {  	s3 =	simm.s32 @!p0 $0x1082;
	s9 =	sld [smem:$0x3F97]  }
0x2f: {  	lr =	sadd.s32 s0, s3;
	s0 =	sld [smem:$0x3F8E]  }
0x30: {  	s3 =	sld [smem:$0x3F91]  }
0x31: {  	[smem:$0x3F9A] =	sst s10  }
0x32: {  	s10 =	sld [smem:$0x3F98];
	_ =	sdelay $0x3  }
0x33: {  	p0 =	seq.s32 s10, $0x1;
	s10 =	sld [smem:$0x3F9A];
	_ =	sdelay $0x3  }
0x34: {  	[smem:$0x3F9A] =	sst s10  }
0x35: {  	s10 =	sld [smem:$0x3F99];
	_ =	sdelay $0x3  }
0x36: {  	p1 =	seq.s32 s10, $0x1;
	s10 =	sld [smem:$0x3F9A];
	_ =	sdelay $0x3  }
0x37: {  	[smem:$0x3F9A] =	sst s10  }
0x38: {  	s10 =	sld [smem:$0x3F9B]  }
0x39: {  	_ = 	snop;
	(pc) =	sbr.ind lr, $3  }
0x3a: {  	_ = 	snop  }
0x3b: {  	_ = 	snop  }
0x3c: {  	p2 =	seq.s32 s10, $0x1;
	s10 =	sld [smem:$0x3F9A]  }
0x3d: {  	_ =	shalt  }
0x3e: {  	_ =	shalt  }
0x3f: {  	_ =	shalt  }
0x40: {  	_ =	shalt  }
0x41: {  	_ =	shalt  }
0x42: {  	_ =	shalt  }
0x43: {  	_ =	shalt  }
0x44: {  	_ =	shalt  }
0x45: {  	_ =	shalt  }
0x46: {  	_ =	shalt  }
0x47: {  	_ =	shalt  }
0x48: {  	_ =	shalt  }
0x49: {  	_ =	shalt  }
0x4a: {  	_ =	shalt  }
0x4b: {  	_ =	shalt  }
0x4c: {  	_ =	shalt  }
0x4d: {  	_ =	shalt  }
0x4e: {  	_ =	shalt  }
0x4f: {  	_ =	shalt  }
0x50: {  	_ =	shalt  }
0x51: {  	_ =	shalt  }
0x52: {  	_ =	shalt  }
0x53: {  	_ =	shalt  }
0x54: {  	_ =	shalt  }
0x55: {  	_ =	shalt  }
0x56: {  	_ =	shalt  }
0x57: {  	_ =	shalt  }
0x58: {  	_ =	shalt  }
0x59: {  	_ =	shalt  }
0x5a: {  	_ =	shalt  }
0x5b: {  	_ =	shalt  }
0x5c: {  	_ =	shalt  }
0x5d: {  	_ =	shalt  }
0x5e: {  	_ =	shalt  }
0x5f: {  	_ =	shalt  }
0x60: {  	_ =	shalt  }
0x61: {  	_ =	shalt  }
0x62: {  	_ =	shalt  }
0x63: {  	_ =	shalt  }
0x64: {  	_ =	shalt  }
0x65: {  	_ =	shalt  }
0x66: {  	_ =	shalt  }
0x67: {  	_ =	shalt  }
0x68: {  	_ =	shalt  }
0x69: {  	_ =	shalt  }
0x6a: {  	_ =	shalt  }
0x6b: {  	_ =	shalt  }
0x6c: {  	_ =	shalt  }
0x6d: {  	_ =	shalt  }
0x6e: {  	_ =	shalt  }
0x6f: {  	_ =	shalt  }
0x70: {  	_ =	shalt  }
0x71: {  	_ =	shalt  }
0x72: {  	_ =	shalt  }
0x73: {  	_ =	shalt  }
0x74: {  	_ =	shalt  }
0x75: {  	_ =	shalt  }
0x76: {  	_ =	shalt  }
0x77: {  	_ =	shalt  }
0x78: {  	_ =	shalt  }
0x79: {  	_ =	shalt  }
0x7a: {  	_ =	shalt  }
0x7b: {  	_ =	shalt  }
0x7c: {  	_ =	shalt  }
0x7d: {  	_ =	shalt  }
0x7e: {  	_ =	shalt  }
0x7f: {  	_ =	shalt  }
0x80: {  	_ =	shalt  }
0x81: {  	_ =	shalt  }
0x82: {  	_ =	shalt  }
0x83: {  	_ =	shalt  }
0x84: {  	_ =	shalt  }
0x85: {  	_ =	shalt  }
0x86: {  	_ =	shalt  }
0x87: {  	_ =	shalt  }
.Lfunc_end0:
.L_simem_size_0:
called_computation.1_lowered:
.L_overlay_start_0:
0x88: {  	s2 =	sld [smem:$0x3FD9]  }
0x89: {  	s3 =	sld [smem:$0x3FFE];
	_ =	sdelay $0x1  }
0x8a: {  	s1 =	srdreg.scid  }
0x8b: {  	s0 =	sand.u32 $0x1, s1  }
0x8c: {  	s15 =	sshll.u32 s0, $0xA;
	s2 =	sadd.s32 s3, s2  }
0x8d: {  	s2 =	sadd.s32 s2, s15  }
0x8e: {  	[smem:$0x3FA6] =	sst s2  }
0x8f: {  	_ = 	snop  }
0x90: {  	s2 =	sld [smem:$0x3FD0];
	_ =	sdelay $0x2  }
0x91: {  	s16 =	simm.s32 $0xB;
	s4 =	simm.s32 $0x10  }
0x92: {  	[smem:s4], [sflag:s16] =	dma.local [hbm:s2], $0x1  }
0x93: {  	_ =	swait.eq [sflag:s16], $0x1  }
0x94: {  	[sflag:s16] =	ssyncset.done $0x0  }
0x95: {  	[sflag:s16] =	ssyncadd.s32 $0xFFFFFFFF  }
0x96: {  	s17 =	sld [smem:$0x10];
	(tm) =	ssettm $0x1  }
0x97: {  	s18 =	sld [smem:$0x3FFB];
	_ =	sdelay $0x3  }
0x98: {  	_ =	strace s18  }
0x99: {  	s2 =	sld [smem:$0x3FFC];
	_ =	sdelay $0x3  }
0x9a: {  	_ =	strace s2  }
0x9b: {  	s2 =	sld [smem:$0x3FFD];
	_ =	sdelay $0x3  }
0x9c: {  	_ =	strace s2  }
0x9d: {  	_ =	strace $0x8FFFFFFF  }
0x9e: {  	s19 =	sld [smem:$0x3FDB];
	_ =	sdelay $0x1  }
0x9f: {  	s20 =	simm.s32 $_scs_section_size  }
0xa0: {  	s5 =	simm.s32 $_size__tile_overlayer_lowered;
	s6 =	simm.s32 $_tile_overlayer_lowered  }
0xa1: {  	s7 =	simm.s32 $0x1BFF;
	s21 =	sshll.u32 s6, $0x1;
	s4 =	sadd.s32 s20, s19  }
0xa2: {  	s22 =	simm.s32 $0x0;
	s5 =	sshll.u32 s5, $0x1;
	s6 =	sadd.s32 s21, s4  }
0xa3: {  	[timem:s22], [sflag:s7] =	dma.local [hbm:s6], s5  }
0xa4: {  	_ =	swait.ge [sflag:s7], s5  }
0xa5: {  	s5 =	ssub.s32 $0x0, s5;
	[sflag:s7] =	ssyncset.done $0x0  }
0xa6: {  	[sflag:s7] =	ssyncadd.s32 s5;
	_ =	sdelay $0x1  }
0xa7: {  	s23 =	simm.s32 $0x1B8B  }
0xa8: {  	_ =	swait.ge [sflag:s23], $0x1  }
0xa9: {  	[sflag:s23] =	ssyncset.done $0x0  }
0xaa: {  	[sflag:s23] =	ssyncadd.s32 $0xFFFFFFFF  }
0xab: {  	s5 =	sld [smem:$0x0]  }
0xac: {  	s6 =	sand.u32 $0xFFFFFFFE, s1  }
0xad: {  	p0 =	sne.s32 s1, s6  }
0xae: {  	s6 =	sshll.u32 @p0 s6, $0xE  }
0xaf: {  	s6 =	sadd.s32 @p0 $0x11B8D, s6;
	s7 =	sshll.u32 @p0 s5, $0x11  }
0xb0: {  	s6 =	sor.u32 @p0 s7, s6  }
0xb1: {  	[sflag:s6] =	ssyncadd.remote.s32 @p0 $0x1;
	_ =	sdelay $0x1  }
0xb2: {  	s6 =	simm.s32 @p0 $0x1B8D  }
0xb3: {  	_ =	swait.eq @p0 [sflag:s6], $0x1  }
0xb4: {  	[sflag:s6] =	ssyncadd.s32 @p0 $0xFFFFFFFF  }
0xb5: {  	s7 =	sshll.u32 @!p0 s1, $0xE  }
0xb6: {  	s7 =	sor.u32 @!p0 $0x4000, s7;
	s6 =	simm.s32 @!p0 $0x1B8D  }
0xb7: {  	s5 =	sshll.u32 @!p0 s5, $0x11;
	s7 =	sadd.s32 @!p0 $0x11B8D, s7;
	_ =	swait.eq @!p0 [sflag:s6], $0x1  }
0xb8: {  	s5 =	sor.u32 @!p0 s5, s7;
	[sflag:s6] =	ssyncadd.s32 @!p0 $0xFFFFFFFF  }
0xb9: {  	s25 =	simm.s32 $0x1B8E;
	s24 =	sld [smem:$0x3FFE];
	[sflag:s5] =	ssyncadd.remote.s32 @!p0 $0x1  }
0xba: {  	s26 =	simm.s32 $execute0_lowered;
	[smem:$0x3FD2] =	sst s25  }
0xbb: {  	s6 =	sshll.u32 s26, $0x1;
	_ =	strace $0x80000049;
	[dreg:$0x1] =	wrdreg $0xFFFFFFFF  }
0xbc: {  	s28 =	simm.s32 $_size_execute0_lowered;
	s4 =	sadd.s32 s4, s6;
	[dreg:$0x0] =	wrdreg $0x0  }
0xbd: {  	s6 =	sshll.u32 s28, $0x1;
	[dreg:$0x2] =	wrdreg s4  }
0xbe: {  	[dreg:$0x3] =	wrdreg s6  }
0xbf: {  	[dreg:$0x4] =	wrdreg $0xC0  }
0xc0: {  	_ =	task [dreg:s22], $0x5FFFF  }
0xc1: {  	[dreg:$0x1] =	wrdreg $0xFFFFFFFF  }
0xc2: {  	[dreg:$0x0] =	wrdreg $0x60  }
0xc3: {  	[dreg:$0x2] =	wrdreg s17  }
0xc4: {  	[dreg:$0x3] =	wrdreg s24  }
0xc5: {  	[dreg:$0x4] =	wrdreg $0x90000  }
0xc6: {  	[dreg:$0x5] =	wrdreg $0xA  }
0xc7: {  	_ =	task.clear_ibuf [dreg:s22], $0x6FFFF;
	_ =	strace $0x90000049  }
0xc8: {  	s29 =	simm.s32 $0xA;
	_ =	strace $0x8000004B  }
0xc9: {  	_ =	swait.ge [sflag:s29], $0x1  }
0xca: {  	[sflag:s29] =	ssyncadd.s32 $0xFFFFFFFF  }
0xcb: {  	_ =	strace $0x9000004B  }
0xcc: {  	_ =	sfence  }
0xcd: {  	s30 =	sld [smem:$0x0];
	_ =	sdelay $0x2  }
0xce: {  	s31 =	sshll.u32 s1, $0xD;
	s1 =	sshrl.u32 s1, $0x2  }
0xcf: {  	s4 =	sand.u32 $0x4000, s31;
	s1 =	sadd.s32 s1, s30  }
0xd0: {  	s0 =	sor.u32 s4, s0;
	s1 =	sshll.u32 s1, $0x11  }
0xd1: {  	s0 =	sor.u32 s1, s0  }
0xd2: {  	s0 =	sadd.s32 $0x8F2B, s0  }
0xd3: {  	[sflag:s0] =	ssyncadd.remote.s32 $0x1  }
0xd4: {  	_ =	sfence.sel $0xFFFF  }
0xd5: {  	[dreg:$0x0] =	wrdreg $0xFFFFFFFF;
	(pc) =	sbr.abs _section_cstart, $3  }
0xd6: {  	[dreg:$0x1] =	wrdreg $0xFFFFFFFF  }
0xd7: {  	_ =	task.clear_ibuf [dreg:s22], $0x2FFFF;
	_ =	strace $0x9FFFFFFF  }
0xd8: {  	(tm) =	ssettm $0x7FFFFFFF  }
0xd9: {  	_ =	shalt  }
tec
execute0_lowered:
.L_overlay_start_1:
0x0: {  	(tag) =	ssettag $0x1  }
0x1: {  	s0 =	rddreg [dreg:$0x0]  }
0x2: {  	s7 =	rddreg [dreg:$0x1]  }
0x3: {  	s1 =	srdreg.scid;
	s3 =	rddreg [dreg:$0x2]  }
0x4: {  	s2 =	stileid.u32;
	s4 =	simm.s32 $0x0;
	s19 =	simm.s32 $0x80  }
0x5: {  	s20 =	simm.s32 $0x5000;
	s21 =	simm.s32 $0x1;
	s22 =	simm.s32 $0x0  }
0x6: {  	s8 =	sand.u32 $0x1, s1;
	s1 =	rddreg [dreg:$0x3];
	s10 =	smul.u32 $0x4E000, s2  }
0x7: {  	[smem:$0x7FF] =	sst s4;
	s13 =	sadd.s32 $0xA8000, s7;
	s14 =	smul.u32 $0x13800, s2  }
0x8: {  	s15 =	sadd.s32 $0xF6200, s7;
	s18 =	sadd.s32 $0x124800, s3;
	p0 =	sne.s32 s2, $0xF  }
0x9: {  	s5 =	sshll.u32 s8, $0x4;
	_ =	strace $0x8000004A;
	s11 =	ssub.s32 $0x2, s8  }
0xa: {  	s12 =	smul.u32 $0x138800, s8;
	s18 =	sshrl.u32 @!p0 s18, $0x3;
	s5 =	sor.u32 s2, s5  }
0xb: {  	s26 =	sshrl.u32 s11, $0x1;
	s28 =	sshrl.u32 s10, $0x2;
	s6 =	smul.u32 $0x500, s5  }
0xc: {  	s5 =	sadd.s32 $0x30200, s7;
	s16 =	ssub.s32 s11, s26;
	s29 =	sadd.s32 s14, s12  }
0xd: {  	s17 =	sadd.s32 s28, s3;
	s31 =	sshrl.u32 s12, $0x3;
	s14 =	simm.s32 $0x2  }
0xe: {  	s30 =	sshrl.u32 s29, $0x3;
	s12 =	sadd.s32 $0x24900, s31;
	s17 =	sshrl.u32 @p0 s17, $0x3  }
0xf: {  	s9 =	sadd.s32 s6, s7;
	s6 =	sadd.s32 $0xA5800, s7;
	s10 =	sadd.s32 s13, s12  }
0x10: {  	s11 =	sadd.s32 s15, s30;
	s7 =	sadd.s32 $0x26200, s9;
	s8 =	sadd.s32 $0x1C200, s9  }
0x11: {  	s9 =	sadd.s32 s13, s30;
	s13 =	smax.u32 s16, $0x1;
	s16 =	sshll.u32 @p0 s2, $0x6  }
0x12: {  	s12 =	sadd.s32 s15, s12;
	s15 =	simm.s32 $0x2800;
	s16 =	sor.u32 @p0 $0x1C02, s16  }
.LBB2_1:
0x13: {  	[tilespmem:s4], [sflag:$0x2] =	stream.linear.gather [hbm4b:s7+s4], $0x2800, $0x38;
	[tilespmem:$0x1C900] =	vst v63  }
0x14: {  	_ =	swait.ge [sflag:s14], $0x2800  }
0x15: {  	[sflag:s14] =	ssyncset.done $0x0  }
0x16: {  	[sflag:s14] =	ssyncadd.s32 $0xFFFFD800  }
0x17: {  	[tilespmem:s15], [sflag:$0x2] =	stream.linear.gather [hbm4b:s8+s4], $0x2800, $0x38;
	[tilespmem:$0x1C900] =	vst v63  }
0x18: {  	_ =	swait.ge [sflag:s14], $0x2800  }
0x19: {  	[sflag:s14] =	ssyncset.done $0x0  }
0x1a: {  	s23 =	simm.s32 @p0 $0x2;
	[sflag:s14] =	ssyncadd.s32 $0xFFFFD800  }
0x1b: {  	[spmem:s17], [sflag:s16] =	dma.local @p0 [hbm:s6], $0x2700  }
0x1c: {  	_ =	swait.ge @p0 [sflag:s23], $0x2700  }
0x1d: {  	[sflag:s23] =	ssyncset.done @p0 $0x0  }
0x1e: {  	[sflag:s23] =	ssyncadd.s32 @p0 $0xFFFFD900;
	s23 =	simm.s32 @!p0 $0x1FC2  }
0x1f: {  	[spmem:s18], [sflag:s23] =	dma.local @!p0 [hbm:s6], $0x2800  }
0x20: {  	s23 =	simm.s32 @!p0 $0x2  }
0x21: {  	_ =	swait.ge @!p0 [sflag:s23], $0x2800  }
0x22: {  	[sflag:s23] =	ssyncset.done @!p0 $0x0  }
0x23: {  	[sflag:s23] =	ssyncadd.s32 @!p0 $0xFFFFD800  }
0x24: {  	s30 =	simm.s32 $0x0;
	[bflag:$0x0] =	sbarrier.arrive $0xFFFF  }
0x25: {  	[tilespmem:s20], [sflag:$0x1] =	stream.indirect.gather [hbm4b:s0+s19], $0x80, s30, s19, $0xb8;
	[tilespmem:$0x1C900] =	vst v63  }
0x26: {  	_ =	swait.ge [sflag:s21], $0x4000  }
0x27: {  	[sflag:s21] =	ssyncset.done $0x0  }
0x28: {  	s31 =	simm.s32 $0x2800;
	[sflag:s21] =	ssyncadd.s32 $0xFFFFC000  }
0x29: {  	[spmem:s3] =	stream.indirect.scatter.add.f32 [tilespmem:s20], [sflag:$0x2], $0x80, s31, s19, $0xb8;
	[tilespmem:$0x1C900] =	vst v63  }
0x2a: {  	_ =	swait.ge [sflag:s14], $0x4000  }
0x2b: {  	s24 =	simm.s32 $0x400;
	s23 =	simm.s32 $0x200;
	[sflag:s14] =	ssyncset.done $0x0  }
.LBB2_2:
0x2c: {  	s25 =	sshra.s32 s23, $0x2  }
0x2d: {  	[sflag:s14] =	ssyncadd.s32 $0xFFFFC000;
	s23 =	smov.u32 s24;
	s26 =	sadd.s32 $0x200, s24  }
0x2e: {  	[tilespmem:s20], [sflag:$0x1] =	stream.indirect.gather [hbm4b:s0+s19], $0x80, s25, s19, $0xb8;
	[tilespmem:$0x1C900] =	vst v63  }
0x2f: {  	p1 =	sne.s32 s24, $0x9E00;
	_ =	swait.ge [sflag:s21], $0x4000  }
.Ltmp0:
0x30: {  	[sflag:s21] =	ssyncset.done $0x0;
	(pc) =	sbr.rel @p1 .LBB2_2-.Ltmp0, $4  }
0x31: {  	s24 =	sadd.s32 $0x2800, s25;
	[sflag:s21] =	ssyncadd.s32 $0xFFFFC000  }
0x32: {  	[spmem:s3] =	stream.indirect.scatter.add.f32 [tilespmem:s20], [sflag:$0x2], $0x80, s24, s19, $0xb8;
	[tilespmem:$0x1C900] =	vst v63  }
0x33: {  	_ =	swait.ge [sflag:s14], $0x4000  }
0x34: {  	s24 =	smov.u32 s26;
	[sflag:s14] =	ssyncset.done $0x0  }
0x35: {  	s23 =	sshra.s32 s23, $0x2;
	[sflag:s14] =	ssyncadd.s32 $0xFFFFC000  }
0x36: {  	[tilespmem:s20], [sflag:$0x1] =	stream.indirect.gather [hbm4b:s0+s19], $0x80, s23, s19, $0xb8;
	[tilespmem:$0x1C900] =	vst v63  }
0x37: {  	_ =	swait.ge [sflag:s21], $0x4000  }
0x38: {  	[sflag:s21] =	ssyncset.done $0x0  }
0x39: {  	s23 =	sadd.s32 $0x2800, s23;
	[sflag:s21] =	ssyncadd.s32 $0xFFFFC000  }
0x3a: {  	[spmem:s3] =	stream.indirect.scatter.add.f32 [tilespmem:s20], [sflag:$0x2], $0x80, s23, s19, $0xb8;
	[tilespmem:$0x1C900] =	vst v63  }
0x3b: {  	_ =	swait.ge [sflag:s14], $0x4000  }
0x3c: {  	[sflag:s14] =	ssyncset.done $0x0  }
0x3d: {  	[sflag:s14] =	ssyncadd.s32 $0xFFFFC000  }
0x3e: {  	s23 =	simm.s32 @p0 $0x2;
	[bflag:$0x0] =	sbarrier.arrive $0xFFFF  }
0x3f: {  	[hbm:s9], [sflag:s16] =	dma.local @p0 [spmem:s17], $0x2700  }
0x40: {  	_ =	swait.ge @p0 [sflag:s23], $0x2700  }
0x41: {  	[sflag:s23] =	ssyncset.done @p0 $0x0  }
0x42: {  	[sflag:s23] =	ssyncadd.s32 @p0 $0xFFFFD900  }
0x43: {  	[spmem:s17], [sflag:s16] =	dma.local @p0 [hbm:s6], $0x2700  }
0x44: {  	_ =	swait.ge @p0 [sflag:s23], $0x2700  }
0x45: {  	[sflag:s23] =	ssyncset.done @p0 $0x0  }
0x46: {  	s24 =	simm.s32 @!p0 $0x2;
	[sflag:s23] =	ssyncadd.s32 @p0 $0xFFFFD900;
	s23 =	simm.s32 @!p0 $0x1FC2  }
0x47: {  	[hbm:s10], [sflag:s23] =	dma.local @!p0 [spmem:s18], $0x2800  }
0x48: {  	_ =	swait.ge @!p0 [sflag:s24], $0x2800  }
0x49: {  	[sflag:s24] =	ssyncset.done @!p0 $0x0  }
0x4a: {  	[sflag:s24] =	ssyncadd.s32 @!p0 $0xFFFFD800  }
0x4b: {  	[spmem:s18], [sflag:s23] =	dma.local @!p0 [hbm:s6], $0x2800  }
0x4c: {  	_ =	swait.ge @!p0 [sflag:s24], $0x2800  }
0x4d: {  	[sflag:s24] =	ssyncset.done @!p0 $0x0  }
0x4e: {  	[sflag:s24] =	ssyncadd.s32 @!p0 $0xFFFFD800  }
0x4f: {  	s30 =	simm.s32 $0x0;
	[bflag:$0x0] =	sbarrier.arrive $0xFFFF  }
0x50: {  	[tilespmem:s20], [sflag:$0x1] =	stream.indirect.gather [hbm4b:s5+s19], $0x80, s30, s19, $0xb8;
	[tilespmem:$0x1C900] =	vst v63  }
0x51: {  	_ =	swait.ge [sflag:s21], $0x4000  }
0x52: {  	[sflag:s21] =	ssyncset.done $0x0  }
0x53: {  	s31 =	simm.s32 $0x2800;
	[sflag:s21] =	ssyncadd.s32 $0xFFFFC000  }
0x54: {  	[spmem:s3] =	stream.indirect.scatter.add.f32 [tilespmem:s20], [sflag:$0x2], $0x80, s31, s19, $0xb8;
	[tilespmem:$0x1C900] =	vst v63  }
0x55: {  	_ =	swait.ge [sflag:s14], $0x4000  }
0x56: {  	s23 =	simm.s32 $0x200;
	s24 =	simm.s32 $0x400;
	[sflag:s14] =	ssyncset.done $0x0  }
.LBB2_4:
0x57: {  	s25 =	sshra.s32 s23, $0x2  }
0x58: {  	[sflag:s14] =	ssyncadd.s32 $0xFFFFC000;
	s23 =	smov.u32 s24;
	s26 =	sadd.s32 $0x200, s24  }
0x59: {  	[tilespmem:s20], [sflag:$0x1] =	stream.indirect.gather [hbm4b:s5+s19], $0x80, s25, s19, $0xb8;
	[tilespmem:$0x1C900] =	vst v63  }
0x5a: {  	p1 =	sne.s32 s24, $0x9E00;
	_ =	swait.ge [sflag:s21], $0x4000  }
.Ltmp1:
0x5b: {  	[sflag:s21] =	ssyncset.done $0x0;
	(pc) =	sbr.rel @p1 .LBB2_4-.Ltmp1, $4  }
0x5c: {  	s24 =	sadd.s32 $0x2800, s25;
	[sflag:s21] =	ssyncadd.s32 $0xFFFFC000  }
0x5d: {  	[spmem:s3] =	stream.indirect.scatter.add.f32 [tilespmem:s20], [sflag:$0x2], $0x80, s24, s19, $0xb8;
	[tilespmem:$0x1C900] =	vst v63  }
0x5e: {  	_ =	swait.ge [sflag:s14], $0x4000  }
0x5f: {  	s24 =	smov.u32 s26;
	[sflag:s14] =	ssyncset.done $0x0  }
0x60: {  	s23 =	sshra.s32 s23, $0x2;
	[sflag:s14] =	ssyncadd.s32 $0xFFFFC000  }
0x61: {  	[tilespmem:s20], [sflag:$0x1] =	stream.indirect.gather [hbm4b:s5+s19], $0x80, s23, s19, $0xb8;
	[tilespmem:$0x1C900] =	vst v63  }
0x62: {  	_ =	swait.ge [sflag:s21], $0x4000  }
0x63: {  	[sflag:s21] =	ssyncset.done $0x0  }
0x64: {  	s23 =	sadd.s32 $0x2800, s23;
	[sflag:s21] =	ssyncadd.s32 $0xFFFFC000  }
0x65: {  	[spmem:s3] =	stream.indirect.scatter.add.f32 [tilespmem:s20], [sflag:$0x2], $0x80, s23, s19, $0xb8;
	[tilespmem:$0x1C900] =	vst v63  }
0x66: {  	_ =	swait.ge [sflag:s14], $0x4000  }
0x67: {  	[sflag:s14] =	ssyncset.done $0x0  }
0x68: {  	[sflag:s14] =	ssyncadd.s32 $0xFFFFC000  }
0x69: {  	s23 =	simm.s32 @p0 $0x2;
	[bflag:$0x0] =	sbarrier.arrive $0xFFFF  }
0x6a: {  	[hbm:s11], [sflag:s16] =	dma.local @p0 [spmem:s17], $0x2700  }
0x6b: {  	_ =	swait.ge @p0 [sflag:s23], $0x2700  }
0x6c: {  	s22 =	sadd.s32 $0x1, s22;
	[sflag:s23] =	ssyncset.done @p0 $0x0  }
0x6d: {  	p1 =	sne.s32 s22, s13;
	[sflag:s23] =	ssyncadd.s32 @p0 $0xFFFFD900;
	s23 =	simm.s32 @!p0 $0x1FC2  }
0x6e: {  	[hbm:s12], [sflag:s23] =	dma.local @!p0 [spmem:s18], $0x2800  }
.Ltmp2:
0x6f: {  	_ = 	snop;
	(pc) =	sbr.rel @p1 .LBB2_1-.Ltmp2, $4  }
0x70: {  	s23 =	simm.s32 @!p0 $0x2  }
0x71: {  	_ =	swait.ge @!p0 [sflag:s23], $0x2800  }
0x72: {  	[sflag:s23] =	ssyncset.done @!p0 $0x0  }
0x73: {  	[sflag:s23] =	ssyncadd.s32 @!p0 $0xFFFFD800  }
0x74: {  	_ =	sfence.sel $0x180000  }
0x75: {  	[bflag:$0x0] =	sbarrier.arrive $0xFFFF  }
0x76: {  	p0 =	sne.s32 s2, $0x0;
	_ =	strace $0x9000004A  }
0x77: {  	s0 =	sadd.s32 @!p0 $0x100000, s1;
	[bflag:$0x2] =	sbarrier.arrive $0xFFFF  }
0x78: {  	[sflag:s0] =	ssyncadd.tile.s32 @!p0 $0x1;
	_ =	shalt  }
.Lfunc_end2:
_tile_overlayer_lowered:
.L_overlay_start_2:
0x79: {  	(tag) =	ssettag $0x2  }
0x7a: {  	s0 =	rddreg [dreg:$0x0];
	s2 =	stileid.u32  }
0x7b: {  	s1 =	rddreg [dreg:$0x1];
	p0 =	sne.s32 s2, $0x0  }
0x7c: {  	s3 =	rddreg [dreg:$0x2];
	[bflag:$0x3] =	sbarrier.arrive $0xFFFF;
	s2 =	simm.s32 @!p0 $0x1C02  }
0x7d: {  	[timem:s3], [sflag:s2] =	dma.local @!p0 [hbm:s0], s1  }
0x7e: {  	s0 =	simm.s32 @!p0 $0x2  }
0x7f: {  	_ =	swait.ge @!p0 [sflag:s0], s1  }
0x80: {  	s1 =	ssub.s32 @!p0 $0x0, s1;
	[sflag:s0] =	ssyncset.done @!p0 $0x0  }
0x81: {  	[sflag:s0] =	ssyncadd.s32 @!p0 s1  }
0x82: {  	[bflag:$0x3] =	sbarrier.arrive $0xFFFF  }
0x83: {  	_ =	shalt  }

// kernel: kernel.19.cloned.1.call-start
scs
__scs_entry_jumppad:
0x0: {  	(pc) =	sbr.rel $0x88, $3  }
0x1: {  	(tag) =	ssettag $0x0;
	lr =	simm.s32 $0x1  }
0x2: {  	[smem:$0x3F7F] =	sst lr;
	_ =	strace $0xD0000000  }
0x3: {  	_ = 	snop  }
0x4: {  	_ = 	snop  }
0x5: {  	_ = 	snop  }
0x6: {  	_ = 	snop  }
0x7: {  	_ = 	snop  }
__scs_overlays_trampoline_lowered:
0x8: {  	[smem:$0x3F8E] =	sst s0  }
0x9: {  	[smem:$0x3F8F] =	sst s1  }
0xa: {  	[smem:$0x3F90] =	sst s2  }
0xb: {  	[smem:$0x3F91] =	sst s3  }
0xc: {  	[smem:$0x3F92] =	sst s4  }
0xd: {  	[smem:$0x3F93] =	sst s5  }
0xe: {  	[smem:$0x3F94] =	sst s6  }
0xf: {  	[smem:$0x3F95] =	sst s7  }
0x10: {  	[smem:$0x3F96] =	sst s8  }
0x11: {  	[smem:$0x3F97] =	sst s9;
	s0 =	simm.s32 @!p0 $0x0  }
0x12: {  	s1 =	sld [smem:$0x3F7D];
	s0 =	simm.s32 @p0 $0x1  }
0x13: {  	[smem:$0x3F98] =	sst s0;
	s0 =	simm.s32 @!p1 $0x0  }
0x14: {  	s2 =	sld [smem:$0x3F7C];
	s0 =	simm.s32 @p1 $0x1  }
0x15: {  	[smem:$0x3F99] =	sst s0;
	s0 =	simm.s32 @!p2 $0x0  }
0x16: {  	s3 =	sld [smem:$0x3FDB];
	s0 =	simm.s32 @p2 $0x1  }
0x17: {  	s4 =	simm.s32 $0x1BF5;
	[smem:$0x3F9B] =	sst s0  }
0x18: {  	s0 =	sld [smem:$0x3F7E];
	_ =	swait.ge [sflag:s4], $0x0  }
0x19: {  	s7 =	sld [smem:$0x3F7F]  }
0x1a: {  	s8 =	sadd.s32 $0xFFFFE003, lr  }
0x1b: {  	s9 =	sadd.s32 $0xFFFFFEF7, lr;
	s5 =	simm.s32 $0xFFFFFFFF;
	p2 =	slt.u32 s8, $0xFFFFF086  }
0x1c: {  	p1 =	slt.u32 s9, $0xF7A;
	s5 =	simm.s32 @!p2 $0x0  }
0x1d: {  	s5 =	simm.s32 @p1 $0x1;
	p0 =	seq.s32 s7, s2  }
0x1e: {  	s7 =	smul.u32 @!p0 $0xF7A, s2;
	p2 =	seq.s32 @!p0 s5, $0x0  }
0x1f: {  	s9 =	smul.u32 $0xF7A, s1;
	s8 =	simm.s32 @!p0 $0x1BF5;
	p2 =	por !p2, p0  }
0x20: {  	[sflag:s8] =	ssyncset.s32 @!p0 $0xFFFFF086;
	s6 =	sadd.s32 @!p0 s3, s7;
	s7 =	simm.s32 @!p0 $0x108  }
0x21: {  	s3 =	sadd.s32 s3, s9;
	s6 =	sadd.s32 @!p0 $0x88, s6;
	s7 =	simm.s32 @p2 $0x1082  }
0x22: {  	[simem:s7], [sflag:s8] =	dma.local @!p0 [hbm:s6], $0xF7A  }
0x23: {  	s9 =	sor.u32 $0xD0000000, s2;
	s6 =	simm.s32 $0x108;
	_ =	swait.ge @!p0 [sflag:s8], $0x0  }
0x24: {  	s3 =	sadd.s32 $0x88, s3;
	s6 =	simm.s32 @!p1 $0x1082;
	[sflag:s4] =	ssyncset.s32 $0xFFFFF086  }
0x25: {  	[simem:s6], [sflag:s4] =	dma.local [hbm:s3], $0xF7A  }
0x26: {  	[smem:$0x3F7F] =	sst s1;
	(tag) =	ssettag s2;
	_ =	strace s9  }
0x27: {  	s1 =	sld [smem:$0x3F8F]  }
0x28: {  	s2 =	sld [smem:$0x3F90]  }
0x29: {  	s4 =	sld [smem:$0x3F92]  }
0x2a: {  	p0 =	seq.s32 s5, $0x0;
	s5 =	sld [smem:$0x3F93]  }
0x2b: {  	s6 =	sld [smem:$0x3F94]  }
0x2c: {  	s7 =	sld [smem:$0x3F95]  }
0x2d: {  	s3 =	simm.s32 $0x108;
	s8 =	sld [smem:$0x3F96]  }
0x2e: {  	s3 =	simm.s32 @!p0 $0x1082;
	s9 =	sld [smem:$0x3F97]  }
0x2f: {  	lr =	sadd.s32 s0, s3;
	s0 =	sld [smem:$0x3F8E]  }
0x30: {  	s3 =	sld [smem:$0x3F91]  }
0x31: {  	[smem:$0x3F9A] =	sst s10  }
0x32: {  	s10 =	sld [smem:$0x3F98];
	_ =	sdelay $0x3  }
0x33: {  	p0 =	seq.s32 s10, $0x1;
	s10 =	sld [smem:$0x3F9A];
	_ =	sdelay $0x3  }
0x34: {  	[smem:$0x3F9A] =	sst s10  }
0x35: {  	s10 =	sld [smem:$0x3F99];
	_ =	sdelay $0x3  }
0x36: {  	p1 =	seq.s32 s10, $0x1;
	s10 =	sld [smem:$0x3F9A];
	_ =	sdelay $0x3  }
0x37: {  	[smem:$0x3F9A] =	sst s10  }
0x38: {  	s10 =	sld [smem:$0x3F9B]  }
0x39: {  	_ = 	snop;
	(pc) =	sbr.ind lr, $3  }
0x3a: {  	_ = 	snop  }
0x3b: {  	_ = 	snop  }
0x3c: {  	p2 =	seq.s32 s10, $0x1;
	s10 =	sld [smem:$0x3F9A]  }
0x3d: {  	_ =	shalt  }
0x3e: {  	_ =	shalt  }
0x3f: {  	_ =	shalt  }
0x40: {  	_ =	shalt  }
0x41: {  	_ =	shalt  }
0x42: {  	_ =	shalt  }
0x43: {  	_ =	shalt  }
0x44: {  	_ =	shalt  }
0x45: {  	_ =	shalt  }
0x46: {  	_ =	shalt  }
0x47: {  	_ =	shalt  }
0x48: {  	_ =	shalt  }
0x49: {  	_ =	shalt  }
0x4a: {  	_ =	shalt  }
0x4b: {  	_ =	shalt  }
0x4c: {  	_ =	shalt  }
0x4d: {  	_ =	shalt  }
0x4e: {  	_ =	shalt  }
0x4f: {  	_ =	shalt  }
0x50: {  	_ =	shalt  }
0x51: {  	_ =	shalt  }
0x52: {  	_ =	shalt  }
0x53: {  	_ =	shalt  }
0x54: {  	_ =	shalt  }
0x55: {  	_ =	shalt  }
0x56: {  	_ =	shalt  }
0x57: {  	_ =	shalt  }
0x58: {  	_ =	shalt  }
0x59: {  	_ =	shalt  }
0x5a: {  	_ =	shalt  }
0x5b: {  	_ =	shalt  }
0x5c: {  	_ =	shalt  }
0x5d: {  	_ =	shalt  }
0x5e: {  	_ =	shalt  }
0x5f: {  	_ =	shalt  }
0x60: {  	_ =	shalt  }
0x61: {  	_ =	shalt  }
0x62: {  	_ =	shalt  }
0x63: {  	_ =	shalt  }
0x64: {  	_ =	shalt  }
0x65: {  	_ =	shalt  }
0x66: {  	_ =	shalt  }
0x67: {  	_ =	shalt  }
0x68: {  	_ =	shalt  }
0x69: {  	_ =	shalt  }
0x6a: {  	_ =	shalt  }
0x6b: {  	_ =	shalt  }
0x6c: {  	_ =	shalt  }
0x6d: {  	_ =	shalt  }
0x6e: {  	_ =	shalt  }
0x6f: {  	_ =	shalt  }
0x70: {  	_ =	shalt  }
0x71: {  	_ =	shalt  }
0x72: {  	_ =	shalt  }
0x73: {  	_ =	shalt  }
0x74: {  	_ =	shalt  }
0x75: {  	_ =	shalt  }
0x76: {  	_ =	shalt  }
0x77: {  	_ =	shalt  }
0x78: {  	_ =	shalt  }
0x79: {  	_ =	shalt  }
0x7a: {  	_ =	shalt  }
0x7b: {  	_ =	shalt  }
0x7c: {  	_ =	shalt  }
0x7d: {  	_ =	shalt  }
0x7e: {  	_ =	shalt  }
0x7f: {  	_ =	shalt  }
0x80: {  	_ =	shalt  }
0x81: {  	_ =	shalt  }
0x82: {  	_ =	shalt  }
0x83: {  	_ =	shalt  }
0x84: {  	_ =	shalt  }
0x85: {  	_ =	shalt  }
0x86: {  	_ =	shalt  }
0x87: {  	_ =	shalt  }
.Lfunc_end0:
.L_simem_size_0:
called_computation.2_lowered:
.L_overlay_start_0:
0x88: {  	s2 =	sld [smem:$0x3FD9]  }
0x89: {  	s3 =	sld [smem:$0x3FFE];
	_ =	sdelay $0x1  }
0x8a: {  	s1 =	srdreg.scid  }
0x8b: {  	s0 =	sand.u32 $0x1, s1  }
0x8c: {  	s14 =	sshll.u32 s0, $0xA;
	s2 =	sadd.s32 s3, s2  }
0x8d: {  	s2 =	sadd.s32 s2, s14  }
0x8e: {  	[smem:$0x3FA6] =	sst s2  }
0x8f: {  	_ = 	snop  }
0x90: {  	s2 =	sld [smem:$0x3FD0];
	_ =	sdelay $0x2  }
0x91: {  	s15 =	simm.s32 $0xB;
	s4 =	simm.s32 $0x10  }
0x92: {  	[smem:s4], [sflag:s15] =	dma.local [hbm:s2], $0x1  }
0x93: {  	_ =	swait.eq [sflag:s15], $0x1  }
0x94: {  	[sflag:s15] =	ssyncset.done $0x0  }
0x95: {  	[sflag:s15] =	ssyncadd.s32 $0xFFFFFFFF  }
0x96: {  	s16 =	sld [smem:$0x10];
	(tm) =	ssettm $0x1  }
0x97: {  	s17 =	sld [smem:$0x3FFB];
	_ =	sdelay $0x3  }
0x98: {  	_ =	strace s17  }
0x99: {  	s3 =	sld [smem:$0x3FFC];
	_ =	sdelay $0x3  }
0x9a: {  	_ =	strace s3  }
0x9b: {  	s3 =	sld [smem:$0x3FFD];
	_ =	sdelay $0x3  }
0x9c: {  	_ =	strace s3  }
0x9d: {  	_ =	strace $0x8FFFFFFF  }
0x9e: {  	s18 =	sld [smem:$0x3FDB];
	_ =	sdelay $0x1  }
0x9f: {  	s19 =	simm.s32 $_scs_section_size  }
0xa0: {  	s5 =	simm.s32 $_size__tile_overlayer_lowered;
	s6 =	simm.s32 $_tile_overlayer_lowered  }
0xa1: {  	s22 =	simm.s32 $0x1BFF;
	s21 =	sshll.u32 s6, $0x1;
	s3 =	sadd.s32 s19, s18  }
0xa2: {  	s7 =	simm.s32 $0x0;
	s20 =	sshll.u32 s5, $0x1;
	s5 =	sadd.s32 s21, s3  }
0xa3: {  	[timem:s7], [sflag:s22] =	dma.local [hbm:s5], s20  }
0xa4: {  	_ =	swait.ge [sflag:s22], s20  }
0xa5: {  	s4 =	ssub.s32 $0x0, s20;
	[sflag:s22] =	ssyncset.done $0x0  }
0xa6: {  	[sflag:s22] =	ssyncadd.s32 s4;
	_ =	sdelay $0x1  }
0xa7: {  	s23 =	simm.s32 $0x1B8B  }
0xa8: {  	_ =	swait.ge [sflag:s23], $0x1  }
0xa9: {  	[sflag:s23] =	ssyncset.done $0x0  }
0xaa: {  	s25 =	simm.s32 $0x1B8E;
	s24 =	sld [smem:$0x3FFE];
	[sflag:s23] =	ssyncadd.s32 $0xFFFFFFFF  }
0xab: {  	s26 =	simm.s32 $execute0_lowered;
	[smem:$0x3FD2] =	sst s25  }
0xac: {  	s5 =	sshll.u32 s26, $0x1;
	_ =	strace $0x8000004C;
	[dreg:$0x1] =	wrdreg $0xFFFFFFFF  }
0xad: {  	s28 =	simm.s32 $_size_execute0_lowered;
	s3 =	sadd.s32 s3, s5;
	[dreg:$0x0] =	wrdreg $0x0  }
0xae: {  	s5 =	sshll.u32 s28, $0x1;
	[dreg:$0x2] =	wrdreg s3  }
0xaf: {  	[dreg:$0x3] =	wrdreg s5  }
0xb0: {  	[dreg:$0x4] =	wrdreg $0xC0  }
0xb1: {  	_ =	task [dreg:s7], $0x5FFFF  }
0xb2: {  	[dreg:$0x1] =	wrdreg $0xFFFFFFFF  }
0xb3: {  	[dreg:$0x0] =	wrdreg $0x60  }
0xb4: {  	[dreg:$0x2] =	wrdreg s16  }
0xb5: {  	[dreg:$0x3] =	wrdreg s24  }
0xb6: {  	[dreg:$0x4] =	wrdreg $0x90000  }
0xb7: {  	[dreg:$0x5] =	wrdreg $0x9  }
0xb8: {  	_ =	task.clear_ibuf [dreg:s7], $0x6FFFF;
	_ =	strace $0x9000004C  }
0xb9: {  	s29 =	simm.s32 $0x9;
	_ =	strace $0x8000004E  }
0xba: {  	_ =	swait.ge [sflag:s29], $0x1  }
0xbb: {  	[sflag:s29] =	ssyncadd.s32 $0xFFFFFFFF  }
0xbc: {  	_ =	strace $0x9000004E  }
0xbd: {  	_ =	sfence  }
0xbe: {  	s30 =	sld [smem:$0x0];
	_ =	sdelay $0x2  }
0xbf: {  	s31 =	sshll.u32 s1, $0xD;
	s1 =	sshrl.u32 s1, $0x2  }
0xc0: {  	s3 =	sand.u32 $0x4000, s31;
	s1 =	sadd.s32 s1, s30  }
0xc1: {  	s0 =	sor.u32 s3, s0;
	s1 =	sshll.u32 s1, $0x11  }
0xc2: {  	s0 =	sor.u32 s1, s0  }
0xc3: {  	s0 =	sadd.s32 $0x8F2B, s0  }
0xc4: {  	[sflag:s0] =	ssyncadd.remote.s32 $0x1  }
0xc5: {  	_ =	sfence.sel $0xFFFF  }
0xc6: {  	[dreg:$0x0] =	wrdreg $0xFFFFFFFF;
	(pc) =	sbr.abs _section_cstart, $3  }
0xc7: {  	[dreg:$0x1] =	wrdreg $0xFFFFFFFF  }
0xc8: {  	_ =	task.clear_ibuf [dreg:s7], $0x2FFFF;
	_ =	strace $0x9FFFFFFF  }
0xc9: {  	(tm) =	ssettm $0x7FFFFFFF  }
tec
execute0_lowered:
.L_overlay_start_1:
0x0: {  	(tag) =	ssettag $0x1  }
0x1: {  	s1 =	rddreg [dreg:$0x0]  }
0x2: {  	s0 =	srdreg.scid;
	s7 =	rddreg [dreg:$0x1]  }
0x3: {  	s3 =	rddreg [dreg:$0x2];
	s4 =	simm.s32 $0x0;
	s16 =	simm.s32 $0x80  }
0x4: {  	s17 =	simm.s32 $0x5000;
	s18 =	simm.s32 $0x1;
	s19 =	simm.s32 $0x0  }
0x5: {  	s6 =	sand.u32 $0x1, s0;
	s0 =	stileid.u32;
	s12 =	sadd.s32 $0x16B600, s7  }
0x6: {  	[smem:$0x7FF] =	sst s4;
	s15 =	sadd.s32 $0x124800, s3;
	s9 =	smul.u32 $0x4E000, s0  }
0x7: {  	s2 =	sshll.u32 s6, $0x4;
	s10 =	ssub.s32 $0x2, s6;
	s11 =	smul.u32 $0x138800, s6  }
0x8: {  	s13 =	smul.u32 $0x13800, s0;
	p0 =	sne.s32 s0, $0xF;
	s5 =	sor.u32 s0, s2  }
0x9: {  	s2 =	rddreg [dreg:$0x3];
	_ =	strace $0x8000004D;
	s29 =	sshrl.u32 s10, $0x1  }
0xa: {  	s15 =	sshrl.u32 @!p0 s15, $0x3;
	s5 =	smul.u32 $0x500, s5;
	s10 =	ssub.s32 s10, s29  }
0xb: {  	s9 =	sshrl.u32 s9, $0x2;
	s30 =	sadd.s32 s13, s11;
	s31 =	sshrl.u32 s11, $0x3  }
0xc: {  	s13 =	sshll.u32 @p0 s0, $0x6;
	s11 =	simm.s32 $0x2;
	s14 =	sadd.s32 s9, s3  }
0xd: {  	s9 =	sadd.s32 s12, s31;
	s10 =	smax.u32 s10, $0x1;
	s13 =	sor.u32 @p0 $0x1C02, s13  }
0xe: {  	s8 =	sadd.s32 s5, s7;
	s5 =	sadd.s32 $0xA5800, s7;
	s9 =	sadd.s32 $0x24900, s9  }
0xf: {  	s6 =	sadd.s32 $0x26200, s8;
	s7 =	sadd.s32 $0x1C200, s8;
	s8 =	sshrl.u32 s30, $0x3  }
0x10: {  	s14 =	sshrl.u32 @p0 s14, $0x3;
	s8 =	sadd.s32 s12, s8;
	s12 =	simm.s32 $0x2800  }
.LBB2_1:
0x11: {  	[tilespmem:s4], [sflag:$0x2] =	stream.linear.gather [hbm4b:s6+s4], $0x2800, $0x38;
	[tilespmem:$0x1C900] =	vst v63  }
0x12: {  	_ =	swait.ge [sflag:s11], $0x2800  }
0x13: {  	[sflag:s11] =	ssyncset.done $0x0  }
0x14: {  	[sflag:s11] =	ssyncadd.s32 $0xFFFFD800  }
0x15: {  	[tilespmem:s12], [sflag:$0x2] =	stream.linear.gather [hbm4b:s7+s4], $0x2800, $0x38;
	[tilespmem:$0x1C900] =	vst v63  }
0x16: {  	_ =	swait.ge [sflag:s11], $0x2800  }
0x17: {  	[sflag:s11] =	ssyncset.done $0x0  }
0x18: {  	s20 =	simm.s32 @p0 $0x2;
	[sflag:s11] =	ssyncadd.s32 $0xFFFFD800  }
0x19: {  	[spmem:s14], [sflag:s13] =	dma.local @p0 [hbm:s5], $0x2700  }
0x1a: {  	_ =	swait.ge @p0 [sflag:s20], $0x2700  }
0x1b: {  	[sflag:s20] =	ssyncset.done @p0 $0x0  }
0x1c: {  	[sflag:s20] =	ssyncadd.s32 @p0 $0xFFFFD900;
	s20 =	simm.s32 @!p0 $0x1FC2  }
0x1d: {  	[spmem:s15], [sflag:s20] =	dma.local @!p0 [hbm:s5], $0x2800  }
0x1e: {  	s20 =	simm.s32 @!p0 $0x2  }
0x1f: {  	_ =	swait.ge @!p0 [sflag:s20], $0x2800  }
0x20: {  	[sflag:s20] =	ssyncset.done @!p0 $0x0  }
0x21: {  	[sflag:s20] =	ssyncadd.s32 @!p0 $0xFFFFD800  }
0x22: {  	s30 =	simm.s32 $0x0;
	[bflag:$0x0] =	sbarrier.arrive $0xFFFF  }
0x23: {  	[tilespmem:s17], [sflag:$0x1] =	stream.indirect.gather [hbm4b:s1+s16], $0x80, s30, s16, $0xb8;
	[tilespmem:$0x1C900] =	vst v63  }
0x24: {  	_ =	swait.ge [sflag:s18], $0x4000  }
0x25: {  	[sflag:s18] =	ssyncset.done $0x0  }
0x26: {  	s31 =	simm.s32 $0x2800;
	[sflag:s18] =	ssyncadd.s32 $0xFFFFC000  }
0x27: {  	[spmem:s3] =	stream.indirect.scatter.add.f32 [tilespmem:s17], [sflag:$0x2], $0x80, s31, s16, $0xb8;
	[tilespmem:$0x1C900] =	vst v63  }
0x28: {  	_ =	swait.ge [sflag:s11], $0x4000  }
0x29: {  	s21 =	simm.s32 $0x400;
	s20 =	simm.s32 $0x200;
	[sflag:s11] =	ssyncset.done $0x0  }
.LBB2_2:
0x2a: {  	s22 =	sshra.s32 s20, $0x2  }
0x2b: {  	[sflag:s11] =	ssyncadd.s32 $0xFFFFC000;
	s20 =	smov.u32 s21;
	s23 =	sadd.s32 $0x200, s21  }
0x2c: {  	[tilespmem:s17], [sflag:$0x1] =	stream.indirect.gather [hbm4b:s1+s16], $0x80, s22, s16, $0xb8;
	[tilespmem:$0x1C900] =	vst v63  }
0x2d: {  	p1 =	sne.s32 s21, $0x9E00;
	_ =	swait.ge [sflag:s18], $0x4000  }
.Ltmp0:
0x2e: {  	[sflag:s18] =	ssyncset.done $0x0;
	(pc) =	sbr.rel @p1 .LBB2_2-.Ltmp0, $4  }
0x2f: {  	s21 =	sadd.s32 $0x2800, s22;
	[sflag:s18] =	ssyncadd.s32 $0xFFFFC000  }
0x30: {  	[spmem:s3] =	stream.indirect.scatter.add.f32 [tilespmem:s17], [sflag:$0x2], $0x80, s21, s16, $0xb8;
	[tilespmem:$0x1C900] =	vst v63  }
0x31: {  	_ =	swait.ge [sflag:s11], $0x4000  }
0x32: {  	s21 =	smov.u32 s23;
	[sflag:s11] =	ssyncset.done $0x0  }
0x33: {  	s20 =	sshra.s32 s20, $0x2;
	[sflag:s11] =	ssyncadd.s32 $0xFFFFC000  }
0x34: {  	[tilespmem:s17], [sflag:$0x1] =	stream.indirect.gather [hbm4b:s1+s16], $0x80, s20, s16, $0xb8;
	[tilespmem:$0x1C900] =	vst v63  }
0x35: {  	_ =	swait.ge [sflag:s18], $0x4000  }
0x36: {  	[sflag:s18] =	ssyncset.done $0x0  }
0x37: {  	s20 =	sadd.s32 $0x2800, s20;
	[sflag:s18] =	ssyncadd.s32 $0xFFFFC000  }
0x38: {  	[spmem:s3] =	stream.indirect.scatter.add.f32 [tilespmem:s17], [sflag:$0x2], $0x80, s20, s16, $0xb8;
	[tilespmem:$0x1C900] =	vst v63  }
0x39: {  	_ =	swait.ge [sflag:s11], $0x4000  }
0x3a: {  	[sflag:s11] =	ssyncset.done $0x0  }
0x3b: {  	[sflag:s11] =	ssyncadd.s32 $0xFFFFC000  }
0x3c: {  	s20 =	simm.s32 @p0 $0x2;
	[bflag:$0x0] =	sbarrier.arrive $0xFFFF  }
0x3d: {  	[hbm:s8], [sflag:s13] =	dma.local @p0 [spmem:s14], $0x2700  }
0x3e: {  	_ =	swait.ge @p0 [sflag:s20], $0x2700  }
0x3f: {  	s19 =	sadd.s32 $0x1, s19;
	[sflag:s20] =	ssyncset.done @p0 $0x0  }
0x40: {  	p1 =	sne.s32 s19, s10;
	[sflag:s20] =	ssyncadd.s32 @p0 $0xFFFFD900;
	s20 =	simm.s32 @!p0 $0x1FC2  }
0x41: {  	[hbm:s9], [sflag:s20] =	dma.local @!p0 [spmem:s15], $0x2800  }
.Ltmp1:
0x42: {  	_ = 	snop;
	(pc) =	sbr.rel @p1 .LBB2_1-.Ltmp1, $4  }
0x43: {  	s20 =	simm.s32 @!p0 $0x2  }
0x44: {  	_ =	swait.ge @!p0 [sflag:s20], $0x2800  }
0x45: {  	[sflag:s20] =	ssyncset.done @!p0 $0x0  }
0x46: {  	[sflag:s20] =	ssyncadd.s32 @!p0 $0xFFFFD800  }
0x47: {  	_ =	sfence.sel $0x180000  }
0x48: {  	[bflag:$0x0] =	sbarrier.arrive $0xFFFF  }
0x49: {  	p0 =	sne.s32 s0, $0x0;
	_ =	strace $0x9000004D  }
0x4a: {  	s0 =	sadd.s32 @!p0 $0x100000, s2;
	[bflag:$0x2] =	sbarrier.arrive $0xFFFF  }
0x4b: {  	[sflag:s0] =	ssyncadd.tile.s32 @!p0 $0x1;
	_ =	shalt  }
.Lfunc_end2:
_tile_overlayer_lowered:
.L_overlay_start_2:
0x4c: {  	(tag) =	ssettag $0x2  }
0x4d: {  	s0 =	rddreg [dreg:$0x0];
	s2 =	stileid.u32  }
0x4e: {  	s1 =	rddreg [dreg:$0x1];
	p0 =	sne.s32 s2, $0x0  }
0x4f: {  	s3 =	rddreg [dreg:$0x2];
	[bflag:$0x3] =	sbarrier.arrive $0xFFFF;
	s2 =	simm.s32 @!p0 $0x1C02  }
0x50: {  	[timem:s3], [sflag:s2] =	dma.local @!p0 [hbm:s0], s1  }
0x51: {  	s0 =	simm.s32 @!p0 $0x2  }
0x52: {  	_ =	swait.ge @!p0 [sflag:s0], s1  }
0x53: {  	s1 =	ssub.s32 @!p0 $0x0, s1;
	[sflag:s0] =	ssyncset.done @!p0 $0x0  }
0x54: {  	[sflag:s0] =	ssyncadd.s32 @!p0 s1  }
0x55: {  	[bflag:$0x3] =	sbarrier.arrive $0xFFFF  }
0x56: {  	_ =	shalt  }

// kernel: kernel.22.cloned.1.call-start
scs
__scs_entry_jumppad:
0x0: {  	(pc) =	sbr.rel $0x88, $3  }
0x1: {  	(tag) =	ssettag $0x0;
	lr =	simm.s32 $0x1  }
0x2: {  	[smem:$0x3F7F] =	sst lr;
	_ =	strace $0xD0000000  }
0x3: {  	_ = 	snop  }
0x4: {  	_ = 	snop  }
0x5: {  	_ = 	snop  }
0x6: {  	_ = 	snop  }
0x7: {  	_ = 	snop  }
__scs_overlays_trampoline_lowered:
0x8: {  	[smem:$0x3F8E] =	sst s0  }
0x9: {  	[smem:$0x3F8F] =	sst s1  }
0xa: {  	[smem:$0x3F90] =	sst s2  }
0xb: {  	[smem:$0x3F91] =	sst s3  }
0xc: {  	[smem:$0x3F92] =	sst s4  }
0xd: {  	[smem:$0x3F93] =	sst s5  }
0xe: {  	[smem:$0x3F94] =	sst s6  }
0xf: {  	[smem:$0x3F95] =	sst s7  }
0x10: {  	[smem:$0x3F96] =	sst s8  }
0x11: {  	[smem:$0x3F97] =	sst s9;
	s0 =	simm.s32 @!p0 $0x0  }
0x12: {  	s1 =	sld [smem:$0x3F7D];
	s0 =	simm.s32 @p0 $0x1  }
0x13: {  	[smem:$0x3F98] =	sst s0;
	s0 =	simm.s32 @!p1 $0x0  }
0x14: {  	s2 =	sld [smem:$0x3F7C];
	s0 =	simm.s32 @p1 $0x1  }
0x15: {  	[smem:$0x3F99] =	sst s0;
	s0 =	simm.s32 @!p2 $0x0  }
0x16: {  	s3 =	sld [smem:$0x3FDB];
	s0 =	simm.s32 @p2 $0x1  }
0x17: {  	s4 =	simm.s32 $0x1BF5;
	[smem:$0x3F9B] =	sst s0  }
0x18: {  	s0 =	sld [smem:$0x3F7E];
	_ =	swait.ge [sflag:s4], $0x0  }
0x19: {  	s7 =	sld [smem:$0x3F7F]  }
0x1a: {  	s8 =	sadd.s32 $0xFFFFE003, lr  }
0x1b: {  	s9 =	sadd.s32 $0xFFFFFEF7, lr;
	s5 =	simm.s32 $0xFFFFFFFF;
	p2 =	slt.u32 s8, $0xFFFFF086  }
0x1c: {  	p1 =	slt.u32 s9, $0xF7A;
	s5 =	simm.s32 @!p2 $0x0  }
0x1d: {  	s5 =	simm.s32 @p1 $0x1;
	p0 =	seq.s32 s7, s2  }
0x1e: {  	s7 =	smul.u32 @!p0 $0xF7A, s2;
	p2 =	seq.s32 @!p0 s5, $0x0  }
0x1f: {  	s9 =	smul.u32 $0xF7A, s1;
	s8 =	simm.s32 @!p0 $0x1BF5;
	p2 =	por !p2, p0  }
0x20: {  	[sflag:s8] =	ssyncset.s32 @!p0 $0xFFFFF086;
	s6 =	sadd.s32 @!p0 s3, s7;
	s7 =	simm.s32 @!p0 $0x108  }
0x21: {  	s3 =	sadd.s32 s3, s9;
	s6 =	sadd.s32 @!p0 $0x88, s6;
	s7 =	simm.s32 @p2 $0x1082  }
0x22: {  	[simem:s7], [sflag:s8] =	dma.local @!p0 [hbm:s6], $0xF7A  }
0x23: {  	s9 =	sor.u32 $0xD0000000, s2;
	s6 =	simm.s32 $0x108;
	_ =	swait.ge @!p0 [sflag:s8], $0x0  }
0x24: {  	s3 =	sadd.s32 $0x88, s3;
	s6 =	simm.s32 @!p1 $0x1082;
	[sflag:s4] =	ssyncset.s32 $0xFFFFF086  }
0x25: {  	[simem:s6], [sflag:s4] =	dma.local [hbm:s3], $0xF7A  }
0x26: {  	[smem:$0x3F7F] =	sst s1;
	(tag) =	ssettag s2;
	_ =	strace s9  }
0x27: {  	s1 =	sld [smem:$0x3F8F]  }
0x28: {  	s2 =	sld [smem:$0x3F90]  }
0x29: {  	s4 =	sld [smem:$0x3F92]  }
0x2a: {  	p0 =	seq.s32 s5, $0x0;
	s5 =	sld [smem:$0x3F93]  }
0x2b: {  	s6 =	sld [smem:$0x3F94]  }
0x2c: {  	s7 =	sld [smem:$0x3F95]  }
0x2d: {  	s3 =	simm.s32 $0x108;
	s8 =	sld [smem:$0x3F96]  }
0x2e: {  	s3 =	simm.s32 @!p0 $0x1082;
	s9 =	sld [smem:$0x3F97]  }
0x2f: {  	lr =	sadd.s32 s0, s3;
	s0 =	sld [smem:$0x3F8E]  }
0x30: {  	s3 =	sld [smem:$0x3F91]  }
0x31: {  	[smem:$0x3F9A] =	sst s10  }
0x32: {  	s10 =	sld [smem:$0x3F98];
	_ =	sdelay $0x3  }
0x33: {  	p0 =	seq.s32 s10, $0x1;
	s10 =	sld [smem:$0x3F9A];
	_ =	sdelay $0x3  }
0x34: {  	[smem:$0x3F9A] =	sst s10  }
0x35: {  	s10 =	sld [smem:$0x3F99];
	_ =	sdelay $0x3  }
0x36: {  	p1 =	seq.s32 s10, $0x1;
	s10 =	sld [smem:$0x3F9A];
	_ =	sdelay $0x3  }
0x37: {  	[smem:$0x3F9A] =	sst s10  }
0x38: {  	s10 =	sld [smem:$0x3F9B]  }
0x39: {  	_ = 	snop;
	(pc) =	sbr.ind lr, $3  }
0x3a: {  	_ = 	snop  }
0x3b: {  	_ = 	snop  }
0x3c: {  	p2 =	seq.s32 s10, $0x1;
	s10 =	sld [smem:$0x3F9A]  }
0x3d: {  	_ =	shalt  }
0x3e: {  	_ =	shalt  }
0x3f: {  	_ =	shalt  }
0x40: {  	_ =	shalt  }
0x41: {  	_ =	shalt  }
0x42: {  	_ =	shalt  }
0x43: {  	_ =	shalt  }
0x44: {  	_ =	shalt  }
0x45: {  	_ =	shalt  }
0x46: {  	_ =	shalt  }
0x47: {  	_ =	shalt  }
0x48: {  	_ =	shalt  }
0x49: {  	_ =	shalt  }
0x4a: {  	_ =	shalt  }
0x4b: {  	_ =	shalt  }
0x4c: {  	_ =	shalt  }
0x4d: {  	_ =	shalt  }
0x4e: {  	_ =	shalt  }
0x4f: {  	_ =	shalt  }
0x50: {  	_ =	shalt  }
0x51: {  	_ =	shalt  }
0x52: {  	_ =	shalt  }
0x53: {  	_ =	shalt  }
0x54: {  	_ =	shalt  }
0x55: {  	_ =	shalt  }
0x56: {  	_ =	shalt  }
0x57: {  	_ =	shalt  }
0x58: {  	_ =	shalt  }
0x59: {  	_ =	shalt  }
0x5a: {  	_ =	shalt  }
0x5b: {  	_ =	shalt  }
0x5c: {  	_ =	shalt  }
0x5d: {  	_ =	shalt  }
0x5e: {  	_ =	shalt  }
0x5f: {  	_ =	shalt  }
0x60: {  	_ =	shalt  }
0x61: {  	_ =	shalt  }
0x62: {  	_ =	shalt  }
0x63: {  	_ =	shalt  }
0x64: {  	_ =	shalt  }
0x65: {  	_ =	shalt  }
0x66: {  	_ =	shalt  }
0x67: {  	_ =	shalt  }
0x68: {  	_ =	shalt  }
0x69: {  	_ =	shalt  }
0x6a: {  	_ =	shalt  }
0x6b: {  	_ =	shalt  }
0x6c: {  	_ =	shalt  }
0x6d: {  	_ =	shalt  }
0x6e: {  	_ =	shalt  }
0x6f: {  	_ =	shalt  }
0x70: {  	_ =	shalt  }
0x71: {  	_ =	shalt  }
0x72: {  	_ =	shalt  }
0x73: {  	_ =	shalt  }
0x74: {  	_ =	shalt  }
0x75: {  	_ =	shalt  }
0x76: {  	_ =	shalt  }
0x77: {  	_ =	shalt  }
0x78: {  	_ =	shalt  }
0x79: {  	_ =	shalt  }
0x7a: {  	_ =	shalt  }
0x7b: {  	_ =	shalt  }
0x7c: {  	_ =	shalt  }
0x7d: {  	_ =	shalt  }
0x7e: {  	_ =	shalt  }
0x7f: {  	_ =	shalt  }
0x80: {  	_ =	shalt  }
0x81: {  	_ =	shalt  }
0x82: {  	_ =	shalt  }
0x83: {  	_ =	shalt  }
0x84: {  	_ =	shalt  }
0x85: {  	_ =	shalt  }
0x86: {  	_ =	shalt  }
0x87: {  	_ =	shalt  }
.Lfunc_end0:
.L_simem_size_0:
called_computation.3_lowered:
.L_overlay_start_0:
0x88: {  	s2 =	sld [smem:$0x3FD9]  }
0x89: {  	s3 =	sld [smem:$0x3FFE];
	_ =	sdelay $0x1  }
0x8a: {  	s1 =	srdreg.scid  }
0x8b: {  	s0 =	sand.u32 $0x1, s1  }
0x8c: {  	s14 =	sshll.u32 s0, $0xA;
	s2 =	sadd.s32 s3, s2  }
0x8d: {  	s2 =	sadd.s32 s2, s14  }
0x8e: {  	[smem:$0x3FA6] =	sst s2  }
0x8f: {  	_ = 	snop  }
0x90: {  	s2 =	sld [smem:$0x3FD0];
	_ =	sdelay $0x2  }
0x91: {  	s15 =	simm.s32 $0xB;
	s4 =	simm.s32 $0x10  }
0x92: {  	[smem:s4], [sflag:s15] =	dma.local [hbm:s2], $0x1  }
0x93: {  	_ =	swait.eq [sflag:s15], $0x1  }
0x94: {  	[sflag:s15] =	ssyncset.done $0x0  }
0x95: {  	[sflag:s15] =	ssyncadd.s32 $0xFFFFFFFF  }
0x96: {  	s16 =	sld [smem:$0x10];
	(tm) =	ssettm $0x1  }
0x97: {  	s17 =	sld [smem:$0x3FFB];
	_ =	sdelay $0x3  }
0x98: {  	_ =	strace s17  }
0x99: {  	s3 =	sld [smem:$0x3FFC];
	_ =	sdelay $0x3  }
0x9a: {  	_ =	strace s3  }
0x9b: {  	s3 =	sld [smem:$0x3FFD];
	_ =	sdelay $0x3  }
0x9c: {  	_ =	strace s3  }
0x9d: {  	_ =	strace $0x8FFFFFFF  }
0x9e: {  	s18 =	sld [smem:$0x3FDB];
	_ =	sdelay $0x1  }
0x9f: {  	s19 =	simm.s32 $_scs_section_size  }
0xa0: {  	s5 =	simm.s32 $_size__tile_overlayer_lowered;
	s6 =	simm.s32 $_tile_overlayer_lowered  }
0xa1: {  	s22 =	simm.s32 $0x1BFF;
	s21 =	sshll.u32 s6, $0x1;
	s3 =	sadd.s32 s19, s18  }
0xa2: {  	s7 =	simm.s32 $0x0;
	s20 =	sshll.u32 s5, $0x1;
	s5 =	sadd.s32 s21, s3  }
0xa3: {  	[timem:s7], [sflag:s22] =	dma.local [hbm:s5], s20  }
0xa4: {  	_ =	swait.ge [sflag:s22], s20  }
0xa5: {  	s4 =	ssub.s32 $0x0, s20;
	[sflag:s22] =	ssyncset.done $0x0  }
0xa6: {  	[sflag:s22] =	ssyncadd.s32 s4;
	_ =	sdelay $0x1  }
0xa7: {  	s23 =	simm.s32 $0x1B8B  }
0xa8: {  	_ =	swait.ge [sflag:s23], $0x1  }
0xa9: {  	[sflag:s23] =	ssyncset.done $0x0  }
0xaa: {  	s25 =	simm.s32 $0x1B8E;
	s24 =	sld [smem:$0x3FFE];
	[sflag:s23] =	ssyncadd.s32 $0xFFFFFFFF  }
0xab: {  	s26 =	simm.s32 $execute0_lowered;
	[smem:$0x3FD2] =	sst s25  }
0xac: {  	s5 =	sshll.u32 s26, $0x1;
	_ =	strace $0x8000004F;
	[dreg:$0x1] =	wrdreg $0xFFFFFFFF  }
0xad: {  	s28 =	simm.s32 $_size_execute0_lowered;
	s3 =	sadd.s32 s3, s5;
	[dreg:$0x0] =	wrdreg $0x0  }
0xae: {  	s5 =	sshll.u32 s28, $0x1;
	[dreg:$0x2] =	wrdreg s3  }
0xaf: {  	[dreg:$0x3] =	wrdreg s5  }
0xb0: {  	[dreg:$0x4] =	wrdreg $0xC0  }
0xb1: {  	_ =	task [dreg:s7], $0x5FFFF  }
0xb2: {  	[dreg:$0x1] =	wrdreg $0xFFFFFFFF  }
0xb3: {  	[dreg:$0x0] =	wrdreg $0x60  }
0xb4: {  	[dreg:$0x2] =	wrdreg s16  }
0xb5: {  	[dreg:$0x3] =	wrdreg s24  }
0xb6: {  	[dreg:$0x4] =	wrdreg $0x90000  }
0xb7: {  	[dreg:$0x5] =	wrdreg $0x9  }
0xb8: {  	_ =	task.clear_ibuf [dreg:s7], $0x6FFFF;
	_ =	strace $0x9000004F  }
0xb9: {  	s29 =	simm.s32 $0x9;
	_ =	strace $0x80000051  }
0xba: {  	_ =	swait.ge [sflag:s29], $0x1  }
0xbb: {  	[sflag:s29] =	ssyncadd.s32 $0xFFFFFFFF  }
0xbc: {  	_ =	strace $0x90000051  }
0xbd: {  	_ =	sfence  }
0xbe: {  	s30 =	sld [smem:$0x0];
	_ =	sdelay $0x2  }
0xbf: {  	s31 =	sshll.u32 s1, $0xD;
	s1 =	sshrl.u32 s1, $0x2  }
0xc0: {  	s3 =	sand.u32 $0x4000, s31;
	s1 =	sadd.s32 s1, s30  }
0xc1: {  	s0 =	sor.u32 s3, s0;
	s1 =	sshll.u32 s1, $0x11  }
0xc2: {  	s0 =	sor.u32 s1, s0  }
0xc3: {  	s0 =	sadd.s32 $0x8F2B, s0  }
0xc4: {  	[sflag:s0] =	ssyncadd.remote.s32 $0x1  }
0xc5: {  	_ =	sfence.sel $0xFFFF  }
0xc6: {  	[dreg:$0x0] =	wrdreg $0xFFFFFFFF;
	(pc) =	sbr.abs _section_cstart, $3  }
0xc7: {  	[dreg:$0x1] =	wrdreg $0xFFFFFFFF  }
0xc8: {  	_ =	task.clear_ibuf [dreg:s7], $0x2FFFF;
	_ =	strace $0x9FFFFFFF  }
0xc9: {  	(tm) =	ssettm $0x7FFFFFFF  }
tec
execute0_lowered:
.L_overlay_start_1:
0x0: {  	(tag) =	ssettag $0x1  }
0x1: {  	s1 =	rddreg [dreg:$0x0]  }
0x2: {  	s0 =	srdreg.scid;
	s7 =	rddreg [dreg:$0x1]  }
0x3: {  	s3 =	rddreg [dreg:$0x2];
	s4 =	simm.s32 $0x0;
	s16 =	simm.s32 $0x80  }
0x4: {  	s17 =	simm.s32 $0x5000;
	s18 =	simm.s32 $0x1;
	s19 =	simm.s32 $0x0  }
0x5: {  	s6 =	sand.u32 $0x1, s0;
	s0 =	stileid.u32;
	[smem:$0x7FF] =	sst s4  }
0x6: {  	s12 =	sadd.s32 $0x57400, s7;
	s15 =	sadd.s32 $0x124800, s3;
	s9 =	smul.u32 $0x4E000, s0  }
0x7: {  	s2 =	sshll.u32 s6, $0x4;
	s10 =	ssub.s32 $0x2, s6;
	s11 =	smul.u32 $0x138800, s6  }
0x8: {  	s13 =	smul.u32 $0x13800, s0;
	p0 =	sne.s32 s0, $0xF;
	s5 =	sor.u32 s0, s2  }
0x9: {  	s2 =	rddreg [dreg:$0x3];
	_ =	strace $0x80000050;
	s29 =	sshrl.u32 s10, $0x1  }
0xa: {  	s15 =	sshrl.u32 @!p0 s15, $0x3;
	s5 =	smul.u32 $0x500, s5;
	s10 =	ssub.s32 s10, s29  }
0xb: {  	s9 =	sshrl.u32 s9, $0x2;
	s30 =	sadd.s32 s13, s11;
	s31 =	sshrl.u32 s11, $0x3  }
0xc: {  	s13 =	sshll.u32 @p0 s0, $0x6;
	s11 =	simm.s32 $0x2;
	s14 =	sadd.s32 s9, s3  }
0xd: {  	s9 =	sadd.s32 s12, s31;
	s10 =	smax.u32 s10, $0x1;
	s13 =	sor.u32 @p0 $0x1C02, s13  }
0xe: {  	s8 =	sadd.s32 s5, s7;
	s5 =	sadd.s32 $0xA5800, s7;
	s9 =	sadd.s32 $0x24900, s9  }
0xf: {  	s6 =	sadd.s32 $0x26200, s8;
	s7 =	sadd.s32 $0x1C200, s8;
	s8 =	sshrl.u32 s30, $0x3  }
0x10: {  	s14 =	sshrl.u32 @p0 s14, $0x3;
	s8 =	sadd.s32 s12, s8;
	s12 =	simm.s32 $0x2800  }
.LBB2_1:
0x11: {  	[tilespmem:s4], [sflag:$0x2] =	stream.linear.gather [hbm4b:s6+s4], $0x2800, $0x38;
	[tilespmem:$0x1C900] =	vst v63  }
0x12: {  	_ =	swait.ge [sflag:s11], $0x2800  }
0x13: {  	[sflag:s11] =	ssyncset.done $0x0  }
0x14: {  	[sflag:s11] =	ssyncadd.s32 $0xFFFFD800  }
0x15: {  	[tilespmem:s12], [sflag:$0x2] =	stream.linear.gather [hbm4b:s7+s4], $0x2800, $0x38;
	[tilespmem:$0x1C900] =	vst v63  }
0x16: {  	_ =	swait.ge [sflag:s11], $0x2800  }
0x17: {  	[sflag:s11] =	ssyncset.done $0x0  }
0x18: {  	s20 =	simm.s32 @p0 $0x2;
	[sflag:s11] =	ssyncadd.s32 $0xFFFFD800  }
0x19: {  	[spmem:s14], [sflag:s13] =	dma.local @p0 [hbm:s5], $0x2700  }
0x1a: {  	_ =	swait.ge @p0 [sflag:s20], $0x2700  }
0x1b: {  	[sflag:s20] =	ssyncset.done @p0 $0x0  }
0x1c: {  	[sflag:s20] =	ssyncadd.s32 @p0 $0xFFFFD900;
	s20 =	simm.s32 @!p0 $0x1FC2  }
0x1d: {  	[spmem:s15], [sflag:s20] =	dma.local @!p0 [hbm:s5], $0x2800  }
0x1e: {  	s20 =	simm.s32 @!p0 $0x2  }
0x1f: {  	_ =	swait.ge @!p0 [sflag:s20], $0x2800  }
0x20: {  	[sflag:s20] =	ssyncset.done @!p0 $0x0  }
0x21: {  	[sflag:s20] =	ssyncadd.s32 @!p0 $0xFFFFD800  }
0x22: {  	s30 =	simm.s32 $0x0;
	[bflag:$0x0] =	sbarrier.arrive $0xFFFF  }
0x23: {  	[tilespmem:s17], [sflag:$0x1] =	stream.indirect.gather [hbm4b:s1+s16], $0x80, s30, s16, $0xb8;
	[tilespmem:$0x1C900] =	vst v63  }
0x24: {  	_ =	swait.ge [sflag:s18], $0x4000  }
0x25: {  	[sflag:s18] =	ssyncset.done $0x0  }
0x26: {  	s31 =	simm.s32 $0x2800;
	[sflag:s18] =	ssyncadd.s32 $0xFFFFC000  }
0x27: {  	[spmem:s3] =	stream.indirect.scatter.add.f32 [tilespmem:s17], [sflag:$0x2], $0x80, s31, s16, $0xb8;
	[tilespmem:$0x1C900] =	vst v63  }
0x28: {  	_ =	swait.ge [sflag:s11], $0x4000  }
0x29: {  	s21 =	simm.s32 $0x400;
	s20 =	simm.s32 $0x200;
	[sflag:s11] =	ssyncset.done $0x0  }
.LBB2_2:
0x2a: {  	s22 =	sshra.s32 s20, $0x2  }
0x2b: {  	[sflag:s11] =	ssyncadd.s32 $0xFFFFC000;
	s20 =	smov.u32 s21;
	s23 =	sadd.s32 $0x200, s21  }
0x2c: {  	[tilespmem:s17], [sflag:$0x1] =	stream.indirect.gather [hbm4b:s1+s16], $0x80, s22, s16, $0xb8;
	[tilespmem:$0x1C900] =	vst v63  }
0x2d: {  	p1 =	sne.s32 s21, $0x9E00;
	_ =	swait.ge [sflag:s18], $0x4000  }
.Ltmp0:
0x2e: {  	[sflag:s18] =	ssyncset.done $0x0;
	(pc) =	sbr.rel @p1 .LBB2_2-.Ltmp0, $4  }
0x2f: {  	s21 =	sadd.s32 $0x2800, s22;
	[sflag:s18] =	ssyncadd.s32 $0xFFFFC000  }
0x30: {  	[spmem:s3] =	stream.indirect.scatter.add.f32 [tilespmem:s17], [sflag:$0x2], $0x80, s21, s16, $0xb8;
	[tilespmem:$0x1C900] =	vst v63  }
0x31: {  	_ =	swait.ge [sflag:s11], $0x4000  }
0x32: {  	s21 =	smov.u32 s23;
	[sflag:s11] =	ssyncset.done $0x0  }
0x33: {  	s20 =	sshra.s32 s20, $0x2;
	[sflag:s11] =	ssyncadd.s32 $0xFFFFC000  }
0x34: {  	[tilespmem:s17], [sflag:$0x1] =	stream.indirect.gather [hbm4b:s1+s16], $0x80, s20, s16, $0xb8;
	[tilespmem:$0x1C900] =	vst v63  }
0x35: {  	_ =	swait.ge [sflag:s18], $0x4000  }
0x36: {  	[sflag:s18] =	ssyncset.done $0x0  }
0x37: {  	s20 =	sadd.s32 $0x2800, s20;
	[sflag:s18] =	ssyncadd.s32 $0xFFFFC000  }
0x38: {  	[spmem:s3] =	stream.indirect.scatter.add.f32 [tilespmem:s17], [sflag:$0x2], $0x80, s20, s16, $0xb8;
	[tilespmem:$0x1C900] =	vst v63  }
0x39: {  	_ =	swait.ge [sflag:s11], $0x4000  }
0x3a: {  	[sflag:s11] =	ssyncset.done $0x0  }
0x3b: {  	[sflag:s11] =	ssyncadd.s32 $0xFFFFC000  }
0x3c: {  	s20 =	simm.s32 @p0 $0x2;
	[bflag:$0x0] =	sbarrier.arrive $0xFFFF  }
0x3d: {  	[hbm:s8], [sflag:s13] =	dma.local @p0 [spmem:s14], $0x2700  }
0x3e: {  	_ =	swait.ge @p0 [sflag:s20], $0x2700  }
0x3f: {  	s19 =	sadd.s32 $0x1, s19;
	[sflag:s20] =	ssyncset.done @p0 $0x0  }
0x40: {  	p1 =	sne.s32 s19, s10;
	[sflag:s20] =	ssyncadd.s32 @p0 $0xFFFFD900;
	s20 =	simm.s32 @!p0 $0x1FC2  }
0x41: {  	[hbm:s9], [sflag:s20] =	dma.local @!p0 [spmem:s15], $0x2800  }
.Ltmp1:
0x42: {  	_ = 	snop;
	(pc) =	sbr.rel @p1 .LBB2_1-.Ltmp1, $4  }
0x43: {  	s20 =	simm.s32 @!p0 $0x2  }
0x44: {  	_ =	swait.ge @!p0 [sflag:s20], $0x2800  }
0x45: {  	[sflag:s20] =	ssyncset.done @!p0 $0x0  }
0x46: {  	[sflag:s20] =	ssyncadd.s32 @!p0 $0xFFFFD800  }
0x47: {  	_ =	sfence.sel $0x180000  }
0x48: {  	[bflag:$0x0] =	sbarrier.arrive $0xFFFF  }
0x49: {  	p0 =	sne.s32 s0, $0x0;
	_ =	strace $0x90000050  }
0x4a: {  	s0 =	sadd.s32 @!p0 $0x100000, s2;
	[bflag:$0x2] =	sbarrier.arrive $0xFFFF  }
0x4b: {  	[sflag:s0] =	ssyncadd.tile.s32 @!p0 $0x1;
	_ =	shalt  }
.Lfunc_end2:
_tile_overlayer_lowered:
.L_overlay_start_2:
0x4c: {  	(tag) =	ssettag $0x2  }
0x4d: {  	s0 =	rddreg [dreg:$0x0];
	s2 =	stileid.u32  }
0x4e: {  	s1 =	rddreg [dreg:$0x1];
	p0 =	sne.s32 s2, $0x0  }
0x4f: {  	s3 =	rddreg [dreg:$0x2];
	[bflag:$0x3] =	sbarrier.arrive $0xFFFF;
	s2 =	simm.s32 @!p0 $0x1C02  }
0x50: {  	[timem:s3], [sflag:s2] =	dma.local @!p0 [hbm:s0], s1  }
0x51: {  	s0 =	simm.s32 @!p0 $0x2  }
0x52: {  	_ =	swait.ge @!p0 [sflag:s0], s1  }
0x53: {  	s1 =	ssub.s32 @!p0 $0x0, s1;
	[sflag:s0] =	ssyncset.done @!p0 $0x0  }
0x54: {  	[sflag:s0] =	ssyncadd.s32 @!p0 s1  }
0x55: {  	[bflag:$0x3] =	sbarrier.arrive $0xFFFF  }
0x56: {  	_ =	shalt  }

// kernel: kernel.25.cloned.1.call-start
scs
__scs_entry_jumppad:
0x0: {  	(pc) =	sbr.rel $0x88, $3  }
0x1: {  	(tag) =	ssettag $0x0;
	lr =	simm.s32 $0x1  }
0x2: {  	[smem:$0x3F7F] =	sst lr;
	_ =	strace $0xD0000000  }
0x3: {  	_ = 	snop  }
0x4: {  	_ = 	snop  }
0x5: {  	_ = 	snop  }
0x6: {  	_ = 	snop  }
0x7: {  	_ = 	snop  }
__scs_overlays_trampoline_lowered:
0x8: {  	[smem:$0x3F8E] =	sst s0  }
0x9: {  	[smem:$0x3F8F] =	sst s1  }
0xa: {  	[smem:$0x3F90] =	sst s2  }
0xb: {  	[smem:$0x3F91] =	sst s3  }
0xc: {  	[smem:$0x3F92] =	sst s4  }
0xd: {  	[smem:$0x3F93] =	sst s5  }
0xe: {  	[smem:$0x3F94] =	sst s6  }
0xf: {  	[smem:$0x3F95] =	sst s7  }
0x10: {  	[smem:$0x3F96] =	sst s8  }
0x11: {  	[smem:$0x3F97] =	sst s9;
	s0 =	simm.s32 @!p0 $0x0  }
0x12: {  	s1 =	sld [smem:$0x3F7D];
	s0 =	simm.s32 @p0 $0x1  }
0x13: {  	[smem:$0x3F98] =	sst s0;
	s0 =	simm.s32 @!p1 $0x0  }
0x14: {  	s2 =	sld [smem:$0x3F7C];
	s0 =	simm.s32 @p1 $0x1  }
0x15: {  	[smem:$0x3F99] =	sst s0;
	s0 =	simm.s32 @!p2 $0x0  }
0x16: {  	s3 =	sld [smem:$0x3FDB];
	s0 =	simm.s32 @p2 $0x1  }
0x17: {  	s4 =	simm.s32 $0x1BF5;
	[smem:$0x3F9B] =	sst s0  }
0x18: {  	s0 =	sld [smem:$0x3F7E];
	_ =	swait.ge [sflag:s4], $0x0  }
0x19: {  	s7 =	sld [smem:$0x3F7F]  }
0x1a: {  	s8 =	sadd.s32 $0xFFFFE003, lr  }
0x1b: {  	s9 =	sadd.s32 $0xFFFFFEF7, lr;
	s5 =	simm.s32 $0xFFFFFFFF;
	p2 =	slt.u32 s8, $0xFFFFF086  }
0x1c: {  	p1 =	slt.u32 s9, $0xF7A;
	s5 =	simm.s32 @!p2 $0x0  }
0x1d: {  	s5 =	simm.s32 @p1 $0x1;
	p0 =	seq.s32 s7, s2  }
0x1e: {  	s7 =	smul.u32 @!p0 $0xF7A, s2;
	p2 =	seq.s32 @!p0 s5, $0x0  }
0x1f: {  	s9 =	smul.u32 $0xF7A, s1;
	s8 =	simm.s32 @!p0 $0x1BF5;
	p2 =	por !p2, p0  }
0x20: {  	[sflag:s8] =	ssyncset.s32 @!p0 $0xFFFFF086;
	s6 =	sadd.s32 @!p0 s3, s7;
	s7 =	simm.s32 @!p0 $0x108  }
0x21: {  	s3 =	sadd.s32 s3, s9;
	s6 =	sadd.s32 @!p0 $0x88, s6;
	s7 =	simm.s32 @p2 $0x1082  }
0x22: {  	[simem:s7], [sflag:s8] =	dma.local @!p0 [hbm:s6], $0xF7A  }
0x23: {  	s9 =	sor.u32 $0xD0000000, s2;
	s6 =	simm.s32 $0x108;
	_ =	swait.ge @!p0 [sflag:s8], $0x0  }
0x24: {  	s3 =	sadd.s32 $0x88, s3;
	s6 =	simm.s32 @!p1 $0x1082;
	[sflag:s4] =	ssyncset.s32 $0xFFFFF086  }
0x25: {  	[simem:s6], [sflag:s4] =	dma.local [hbm:s3], $0xF7A  }
0x26: {  	[smem:$0x3F7F] =	sst s1;
	(tag) =	ssettag s2;
	_ =	strace s9  }
0x27: {  	s1 =	sld [smem:$0x3F8F]  }
0x28: {  	s2 =	sld [smem:$0x3F90]  }
0x29: {  	s4 =	sld [smem:$0x3F92]  }
0x2a: {  	p0 =	seq.s32 s5, $0x0;
	s5 =	sld [smem:$0x3F93]  }
0x2b: {  	s6 =	sld [smem:$0x3F94]  }
0x2c: {  	s7 =	sld [smem:$0x3F95]  }
0x2d: {  	s3 =	simm.s32 $0x108;
	s8 =	sld [smem:$0x3F96]  }
0x2e: {  	s3 =	simm.s32 @!p0 $0x1082;
	s9 =	sld [smem:$0x3F97]  }
0x2f: {  	lr =	sadd.s32 s0, s3;
	s0 =	sld [smem:$0x3F8E]  }
0x30: {  	s3 =	sld [smem:$0x3F91]  }
0x31: {  	[smem:$0x3F9A] =	sst s10  }
0x32: {  	s10 =	sld [smem:$0x3F98];
	_ =	sdelay $0x3  }
0x33: {  	p0 =	seq.s32 s10, $0x1;
	s10 =	sld [smem:$0x3F9A];
	_ =	sdelay $0x3  }
0x34: {  	[smem:$0x3F9A] =	sst s10  }
0x35: {  	s10 =	sld [smem:$0x3F99];
	_ =	sdelay $0x3  }
0x36: {  	p1 =	seq.s32 s10, $0x1;
	s10 =	sld [smem:$0x3F9A];
	_ =	sdelay $0x3  }
0x37: {  	[smem:$0x3F9A] =	sst s10  }
0x38: {  	s10 =	sld [smem:$0x3F9B]  }
0x39: {  	_ = 	snop;
	(pc) =	sbr.ind lr, $3  }
0x3a: {  	_ = 	snop  }
0x3b: {  	_ = 	snop  }
0x3c: {  	p2 =	seq.s32 s10, $0x1;
	s10 =	sld [smem:$0x3F9A]  }
0x3d: {  	_ =	shalt  }
0x3e: {  	_ =	shalt  }
0x3f: {  	_ =	shalt  }
0x40: {  	_ =	shalt  }
0x41: {  	_ =	shalt  }
0x42: {  	_ =	shalt  }
0x43: {  	_ =	shalt  }
0x44: {  	_ =	shalt  }
0x45: {  	_ =	shalt  }
0x46: {  	_ =	shalt  }
0x47: {  	_ =	shalt  }
0x48: {  	_ =	shalt  }
0x49: {  	_ =	shalt  }
0x4a: {  	_ =	shalt  }
0x4b: {  	_ =	shalt  }
0x4c: {  	_ =	shalt  }
0x4d: {  	_ =	shalt  }
0x4e: {  	_ =	shalt  }
0x4f: {  	_ =	shalt  }
0x50: {  	_ =	shalt  }
0x51: {  	_ =	shalt  }
0x52: {  	_ =	shalt  }
0x53: {  	_ =	shalt  }
0x54: {  	_ =	shalt  }
0x55: {  	_ =	shalt  }
0x56: {  	_ =	shalt  }
0x57: {  	_ =	shalt  }
0x58: {  	_ =	shalt  }
0x59: {  	_ =	shalt  }
0x5a: {  	_ =	shalt  }
0x5b: {  	_ =	shalt  }
0x5c: {  	_ =	shalt  }
0x5d: {  	_ =	shalt  }
0x5e: {  	_ =	shalt  }
0x5f: {  	_ =	shalt  }
0x60: {  	_ =	shalt  }
0x61: {  	_ =	shalt  }
0x62: {  	_ =	shalt  }
0x63: {  	_ =	shalt  }
0x64: {  	_ =	shalt  }
0x65: {  	_ =	shalt  }
0x66: {  	_ =	shalt  }
0x67: {  	_ =	shalt  }
0x68: {  	_ =	shalt  }
0x69: {  	_ =	shalt  }
0x6a: {  	_ =	shalt  }
0x6b: {  	_ =	shalt  }
0x6c: {  	_ =	shalt  }
0x6d: {  	_ =	shalt  }
0x6e: {  	_ =	shalt  }
0x6f: {  	_ =	shalt  }
0x70: {  	_ =	shalt  }
0x71: {  	_ =	shalt  }
0x72: {  	_ =	shalt  }
0x73: {  	_ =	shalt  }
0x74: {  	_ =	shalt  }
0x75: {  	_ =	shalt  }
0x76: {  	_ =	shalt  }
0x77: {  	_ =	shalt  }
0x78: {  	_ =	shalt  }
0x79: {  	_ =	shalt  }
0x7a: {  	_ =	shalt  }
0x7b: {  	_ =	shalt  }
0x7c: {  	_ =	shalt  }
0x7d: {  	_ =	shalt  }
0x7e: {  	_ =	shalt  }
0x7f: {  	_ =	shalt  }
0x80: {  	_ =	shalt  }
0x81: {  	_ =	shalt  }
0x82: {  	_ =	shalt  }
0x83: {  	_ =	shalt  }
0x84: {  	_ =	shalt  }
0x85: {  	_ =	shalt  }
0x86: {  	_ =	shalt  }
0x87: {  	_ =	shalt  }
.Lfunc_end0:
.L_simem_size_0:
called_computation.4_lowered:
.L_overlay_start_0:
0x88: {  	s2 =	sld [smem:$0x3FD9]  }
0x89: {  	s3 =	sld [smem:$0x3FFE];
	_ =	sdelay $0x1  }
0x8a: {  	s1 =	srdreg.scid  }
0x8b: {  	s0 =	sand.u32 $0x1, s1  }
0x8c: {  	s14 =	sshll.u32 s0, $0xA;
	s2 =	sadd.s32 s3, s2  }
0x8d: {  	s2 =	sadd.s32 s2, s14  }
0x8e: {  	[smem:$0x3FA6] =	sst s2  }
0x8f: {  	_ = 	snop  }
0x90: {  	s2 =	sld [smem:$0x3FD0];
	_ =	sdelay $0x2  }
0x91: {  	s15 =	simm.s32 $0xB;
	s4 =	simm.s32 $0x10  }
0x92: {  	[smem:s4], [sflag:s15] =	dma.local [hbm:s2], $0x1  }
0x93: {  	_ =	swait.eq [sflag:s15], $0x1  }
0x94: {  	[sflag:s15] =	ssyncset.done $0x0  }
0x95: {  	[sflag:s15] =	ssyncadd.s32 $0xFFFFFFFF  }
0x96: {  	s16 =	sld [smem:$0x10];
	(tm) =	ssettm $0x1  }
0x97: {  	s17 =	sld [smem:$0x3FFB];
	_ =	sdelay $0x3  }
0x98: {  	_ =	strace s17  }
0x99: {  	s3 =	sld [smem:$0x3FFC];
	_ =	sdelay $0x3  }
0x9a: {  	_ =	strace s3  }
0x9b: {  	s3 =	sld [smem:$0x3FFD];
	_ =	sdelay $0x3  }
0x9c: {  	_ =	strace s3  }
0x9d: {  	_ =	strace $0x8FFFFFFF  }
0x9e: {  	s18 =	sld [smem:$0x3FDB];
	_ =	sdelay $0x1  }
0x9f: {  	s19 =	simm.s32 $_scs_section_size  }
0xa0: {  	s5 =	simm.s32 $_size__tile_overlayer_lowered;
	s6 =	simm.s32 $_tile_overlayer_lowered  }
0xa1: {  	s22 =	simm.s32 $0x1BFF;
	s21 =	sshll.u32 s6, $0x1;
	s3 =	sadd.s32 s19, s18  }
0xa2: {  	s7 =	simm.s32 $0x0;
	s20 =	sshll.u32 s5, $0x1;
	s5 =	sadd.s32 s21, s3  }
0xa3: {  	[timem:s7], [sflag:s22] =	dma.local [hbm:s5], s20  }
0xa4: {  	_ =	swait.ge [sflag:s22], s20  }
0xa5: {  	s4 =	ssub.s32 $0x0, s20;
	[sflag:s22] =	ssyncset.done $0x0  }
0xa6: {  	[sflag:s22] =	ssyncadd.s32 s4;
	_ =	sdelay $0x1  }
0xa7: {  	s23 =	simm.s32 $0x1B8B  }
0xa8: {  	_ =	swait.ge [sflag:s23], $0x1  }
0xa9: {  	[sflag:s23] =	ssyncset.done $0x0  }
0xaa: {  	s25 =	simm.s32 $0x1B8E;
	s24 =	sld [smem:$0x3FFE];
	[sflag:s23] =	ssyncadd.s32 $0xFFFFFFFF  }
0xab: {  	s26 =	simm.s32 $execute0_lowered;
	[smem:$0x3FD2] =	sst s25  }
0xac: {  	s5 =	sshll.u32 s26, $0x1;
	_ =	strace $0x80000052;
	[dreg:$0x1] =	wrdreg $0xFFFFFFFF  }
0xad: {  	s28 =	simm.s32 $_size_execute0_lowered;
	s3 =	sadd.s32 s3, s5;
	[dreg:$0x0] =	wrdreg $0x0  }
0xae: {  	s5 =	sshll.u32 s28, $0x1;
	[dreg:$0x2] =	wrdreg s3  }
0xaf: {  	[dreg:$0x3] =	wrdreg s5  }
0xb0: {  	[dreg:$0x4] =	wrdreg $0xC0  }
0xb1: {  	_ =	task [dreg:s7], $0x5FFFF  }
0xb2: {  	[dreg:$0x1] =	wrdreg $0xFFFFFFFF  }
0xb3: {  	[dreg:$0x0] =	wrdreg $0x60  }
0xb4: {  	[dreg:$0x2] =	wrdreg s16  }
0xb5: {  	[dreg:$0x3] =	wrdreg s24  }
0xb6: {  	[dreg:$0x4] =	wrdreg $0x90000  }
0xb7: {  	[dreg:$0x5] =	wrdreg $0x9  }
0xb8: {  	_ =	task.clear_ibuf [dreg:s7], $0x6FFFF;
	_ =	strace $0x90000052  }
0xb9: {  	s29 =	simm.s32 $0x9;
	_ =	strace $0x80000054  }
0xba: {  	_ =	swait.ge [sflag:s29], $0x1  }
0xbb: {  	[sflag:s29] =	ssyncadd.s32 $0xFFFFFFFF  }
0xbc: {  	_ =	strace $0x90000054  }
0xbd: {  	_ =	sfence  }
0xbe: {  	s30 =	sld [smem:$0x0];
	_ =	sdelay $0x2  }
0xbf: {  	s31 =	sshll.u32 s1, $0xD;
	s1 =	sshrl.u32 s1, $0x2  }
0xc0: {  	s3 =	sand.u32 $0x4000, s31;
	s1 =	sadd.s32 s1, s30  }
0xc1: {  	s0 =	sor.u32 s3, s0;
	s1 =	sshll.u32 s1, $0x11  }
0xc2: {  	s0 =	sor.u32 s1, s0  }
0xc3: {  	s0 =	sadd.s32 $0x8F2B, s0  }
0xc4: {  	[sflag:s0] =	ssyncadd.remote.s32 $0x1  }
0xc5: {  	_ =	sfence.sel $0xFFFF  }
0xc6: {  	[dreg:$0x0] =	wrdreg $0xFFFFFFFF;
	(pc) =	sbr.abs _section_cstart, $3  }
0xc7: {  	[dreg:$0x1] =	wrdreg $0xFFFFFFFF  }
0xc8: {  	_ =	task.clear_ibuf [dreg:s7], $0x2FFFF;
	_ =	strace $0x9FFFFFFF  }
0xc9: {  	(tm) =	ssettm $0x7FFFFFFF  }
tec
execute0_lowered:
.L_overlay_start_1:
0x0: {  	(tag) =	ssettag $0x1  }
0x1: {  	s1 =	rddreg [dreg:$0x0]  }
0x2: {  	s0 =	srdreg.scid;
	s7 =	rddreg [dreg:$0x1]  }
0x3: {  	s3 =	rddreg [dreg:$0x2];
	s4 =	simm.s32 $0x0;
	s16 =	simm.s32 $0x80  }
0x4: {  	s17 =	simm.s32 $0x5000;
	s18 =	simm.s32 $0x1;
	s19 =	simm.s32 $0x0  }
0x5: {  	s6 =	sand.u32 $0x1, s0;
	s0 =	stileid.u32;
	[smem:$0x7FF] =	sst s4  }
0x6: {  	s12 =	sadd.s32 $0x57400, s7;
	s15 =	sadd.s32 $0x124800, s3;
	s9 =	smul.u32 $0x4E000, s0  }
0x7: {  	s2 =	sshll.u32 s6, $0x4;
	s10 =	ssub.s32 $0x2, s6;
	s11 =	smul.u32 $0x138800, s6  }
0x8: {  	s13 =	smul.u32 $0x13800, s0;
	p0 =	sne.s32 s0, $0xF;
	s5 =	sor.u32 s0, s2  }
0x9: {  	s2 =	rddreg [dreg:$0x3];
	_ =	strace $0x80000053;
	s29 =	sshrl.u32 s10, $0x1  }
0xa: {  	s15 =	sshrl.u32 @!p0 s15, $0x3;
	s5 =	smul.u32 $0x500, s5;
	s10 =	ssub.s32 s10, s29  }
0xb: {  	s9 =	sshrl.u32 s9, $0x2;
	s30 =	sadd.s32 s13, s11;
	s31 =	sshrl.u32 s11, $0x3  }
0xc: {  	s13 =	sshll.u32 @p0 s0, $0x6;
	s11 =	simm.s32 $0x2;
	s14 =	sadd.s32 s9, s3  }
0xd: {  	s9 =	sadd.s32 s12, s31;
	s10 =	smax.u32 s10, $0x1;
	s13 =	sor.u32 @p0 $0x1C02, s13  }
0xe: {  	s8 =	sadd.s32 s5, s7;
	s5 =	sadd.s32 $0xA5800, s7;
	s9 =	sadd.s32 $0x24900, s9  }
0xf: {  	s6 =	sadd.s32 $0x26200, s8;
	s7 =	sadd.s32 $0x1C200, s8;
	s8 =	sshrl.u32 s30, $0x3  }
0x10: {  	s14 =	sshrl.u32 @p0 s14, $0x3;
	s8 =	sadd.s32 s12, s8;
	s12 =	simm.s32 $0x2800  }
.LBB2_1:
0x11: {  	[tilespmem:s4], [sflag:$0x2] =	stream.linear.gather [hbm4b:s6+s4], $0x2800, $0x38;
	[tilespmem:$0x1C900] =	vst v63  }
0x12: {  	_ =	swait.ge [sflag:s11], $0x2800  }
0x13: {  	[sflag:s11] =	ssyncset.done $0x0  }
0x14: {  	[sflag:s11] =	ssyncadd.s32 $0xFFFFD800  }
0x15: {  	[tilespmem:s12], [sflag:$0x2] =	stream.linear.gather [hbm4b:s7+s4], $0x2800, $0x38;
	[tilespmem:$0x1C900] =	vst v63  }
0x16: {  	_ =	swait.ge [sflag:s11], $0x2800  }
0x17: {  	[sflag:s11] =	ssyncset.done $0x0  }
0x18: {  	s20 =	simm.s32 @p0 $0x2;
	[sflag:s11] =	ssyncadd.s32 $0xFFFFD800  }
0x19: {  	[spmem:s14], [sflag:s13] =	dma.local @p0 [hbm:s5], $0x2700  }
0x1a: {  	_ =	swait.ge @p0 [sflag:s20], $0x2700  }
0x1b: {  	[sflag:s20] =	ssyncset.done @p0 $0x0  }
0x1c: {  	[sflag:s20] =	ssyncadd.s32 @p0 $0xFFFFD900;
	s20 =	simm.s32 @!p0 $0x1FC2  }
0x1d: {  	[spmem:s15], [sflag:s20] =	dma.local @!p0 [hbm:s5], $0x2800  }
0x1e: {  	s20 =	simm.s32 @!p0 $0x2  }
0x1f: {  	_ =	swait.ge @!p0 [sflag:s20], $0x2800  }
0x20: {  	[sflag:s20] =	ssyncset.done @!p0 $0x0  }
0x21: {  	[sflag:s20] =	ssyncadd.s32 @!p0 $0xFFFFD800  }
0x22: {  	s30 =	simm.s32 $0x0;
	[bflag:$0x0] =	sbarrier.arrive $0xFFFF  }
0x23: {  	[tilespmem:s17], [sflag:$0x1] =	stream.indirect.gather [hbm4b:s1+s16], $0x80, s30, s16, $0xb8;
	[tilespmem:$0x1C900] =	vst v63  }
0x24: {  	_ =	swait.ge [sflag:s18], $0x4000  }
0x25: {  	[sflag:s18] =	ssyncset.done $0x0  }
0x26: {  	s31 =	simm.s32 $0x2800;
	[sflag:s18] =	ssyncadd.s32 $0xFFFFC000  }
0x27: {  	[spmem:s3] =	stream.indirect.scatter.add.f32 [tilespmem:s17], [sflag:$0x2], $0x80, s31, s16, $0xb8;
	[tilespmem:$0x1C900] =	vst v63  }
0x28: {  	_ =	swait.ge [sflag:s11], $0x4000  }
0x29: {  	s21 =	simm.s32 $0x400;
	s20 =	simm.s32 $0x200;
	[sflag:s11] =	ssyncset.done $0x0  }
.LBB2_2:
0x2a: {  	s22 =	sshra.s32 s20, $0x2  }
0x2b: {  	[sflag:s11] =	ssyncadd.s32 $0xFFFFC000;
	s20 =	smov.u32 s21;
	s23 =	sadd.s32 $0x200, s21  }
0x2c: {  	[tilespmem:s17], [sflag:$0x1] =	stream.indirect.gather [hbm4b:s1+s16], $0x80, s22, s16, $0xb8;
	[tilespmem:$0x1C900] =	vst v63  }
0x2d: {  	p1 =	sne.s32 s21, $0x9E00;
	_ =	swait.ge [sflag:s18], $0x4000  }
.Ltmp0:
0x2e: {  	[sflag:s18] =	ssyncset.done $0x0;
	(pc) =	sbr.rel @p1 .LBB2_2-.Ltmp0, $4  }
0x2f: {  	s21 =	sadd.s32 $0x2800, s22;
	[sflag:s18] =	ssyncadd.s32 $0xFFFFC000  }
0x30: {  	[spmem:s3] =	stream.indirect.scatter.add.f32 [tilespmem:s17], [sflag:$0x2], $0x80, s21, s16, $0xb8;
	[tilespmem:$0x1C900] =	vst v63  }
0x31: {  	_ =	swait.ge [sflag:s11], $0x4000  }
0x32: {  	s21 =	smov.u32 s23;
	[sflag:s11] =	ssyncset.done $0x0  }
0x33: {  	s20 =	sshra.s32 s20, $0x2;
	[sflag:s11] =	ssyncadd.s32 $0xFFFFC000  }
0x34: {  	[tilespmem:s17], [sflag:$0x1] =	stream.indirect.gather [hbm4b:s1+s16], $0x80, s20, s16, $0xb8;
	[tilespmem:$0x1C900] =	vst v63  }
0x35: {  	_ =	swait.ge [sflag:s18], $0x4000  }
0x36: {  	[sflag:s18] =	ssyncset.done $0x0  }
0x37: {  	s20 =	sadd.s32 $0x2800, s20;
	[sflag:s18] =	ssyncadd.s32 $0xFFFFC000  }
0x38: {  	[spmem:s3] =	stream.indirect.scatter.add.f32 [tilespmem:s17], [sflag:$0x2], $0x80, s20, s16, $0xb8;
	[tilespmem:$0x1C900] =	vst v63  }
0x39: {  	_ =	swait.ge [sflag:s11], $0x4000  }
0x3a: {  	[sflag:s11] =	ssyncset.done $0x0  }
0x3b: {  	[sflag:s11] =	ssyncadd.s32 $0xFFFFC000  }
0x3c: {  	s20 =	simm.s32 @p0 $0x2;
	[bflag:$0x0] =	sbarrier.arrive $0xFFFF  }
0x3d: {  	[hbm:s8], [sflag:s13] =	dma.local @p0 [spmem:s14], $0x2700  }
0x3e: {  	_ =	swait.ge @p0 [sflag:s20], $0x2700  }
0x3f: {  	s19 =	sadd.s32 $0x1, s19;
	[sflag:s20] =	ssyncset.done @p0 $0x0  }
0x40: {  	p1 =	sne.s32 s19, s10;
	[sflag:s20] =	ssyncadd.s32 @p0 $0xFFFFD900;
	s20 =	simm.s32 @!p0 $0x1FC2  }
0x41: {  	[hbm:s9], [sflag:s20] =	dma.local @!p0 [spmem:s15], $0x2800  }
.Ltmp1:
0x42: {  	_ = 	snop;
	(pc) =	sbr.rel @p1 .LBB2_1-.Ltmp1, $4  }
0x43: {  	s20 =	simm.s32 @!p0 $0x2  }
0x44: {  	_ =	swait.ge @!p0 [sflag:s20], $0x2800  }
0x45: {  	[sflag:s20] =	ssyncset.done @!p0 $0x0  }
0x46: {  	[sflag:s20] =	ssyncadd.s32 @!p0 $0xFFFFD800  }
0x47: {  	_ =	sfence.sel $0x180000  }
0x48: {  	[bflag:$0x0] =	sbarrier.arrive $0xFFFF  }
0x49: {  	p0 =	sne.s32 s0, $0x0;
	_ =	strace $0x90000053  }
0x4a: {  	s0 =	sadd.s32 @!p0 $0x100000, s2;
	[bflag:$0x2] =	sbarrier.arrive $0xFFFF  }
0x4b: {  	[sflag:s0] =	ssyncadd.tile.s32 @!p0 $0x1;
	_ =	shalt  }
.Lfunc_end2:
_tile_overlayer_lowered:
.L_overlay_start_2:
0x4c: {  	(tag) =	ssettag $0x2  }
0x4d: {  	s0 =	rddreg [dreg:$0x0];
	s2 =	stileid.u32  }
0x4e: {  	s1 =	rddreg [dreg:$0x1];
	p0 =	sne.s32 s2, $0x0  }
0x4f: {  	s3 =	rddreg [dreg:$0x2];
	[bflag:$0x3] =	sbarrier.arrive $0xFFFF;
	s2 =	simm.s32 @!p0 $0x1C02  }
0x50: {  	[timem:s3], [sflag:s2] =	dma.local @!p0 [hbm:s0], s1  }
0x51: {  	s0 =	simm.s32 @!p0 $0x2  }
0x52: {  	_ =	swait.ge @!p0 [sflag:s0], s1  }
0x53: {  	s1 =	ssub.s32 @!p0 $0x0, s1;
	[sflag:s0] =	ssyncset.done @!p0 $0x0  }
0x54: {  	[sflag:s0] =	ssyncadd.s32 @!p0 s1  }
0x55: {  	[bflag:$0x3] =	sbarrier.arrive $0xFFFF  }
0x56: {  	_ =	shalt  }

</sc_bundles>
